<compile_context>
chip_gen: v7x
topology: tpu7x:2x2x1
jax: 0.10.2.dev20260603
libtpu: 0.0.44.dev20260713+nightly
codegen_flags: <defaults>
</compile_context>

<pallas_src>
import functools

import jax
import jax.numpy as jnp
from jax import lax
from jax.experimental import pallas as pl
from jax.experimental.pallas import tpu as pltpu
from jax.experimental.pallas import tpu_sc as plsc

B = 16384
F = 26
V = 100000
K = 16

NC = 2
NS = 16
NW = NC * NS

ROWS_PER_W = B // NW
CH = 128
NCH = ROWS_PER_W // CH
IDX_PER_CH = CH * F
NDMA = IDX_PER_CH // 128

G = 12544
BG = G
NGB = G // BG
ROW_PITCH = G * 8

_mesh = plsc.VectorSubcoreMesh(
    core_axis_name="c", subcore_axis_name="s", num_cores=NC, num_subcores=NS
)


def _relayout_body(t2_ref, out_ref):
    gb = pl.program_id(1)
    pieces = []
    for m in range(8):
        start = pl.multiple_of(m * G + gb * BG, 128)
        pieces.append(t2_ref[0, :, pl.ds(start, BG)])
    xcat = jnp.concatenate(pieces, axis=0)
    out_ref[0] = jnp.transpose(xcat, (1, 0))


def _relayout(t2):
    return pl.pallas_call(
        _relayout_body,
        grid=(F, NGB),
        in_specs=[pl.BlockSpec((1, K, V), lambda f, gb: (f, 0, 0))],
        out_specs=pl.BlockSpec((1, BG, 128), lambda f, gb: (f, gb, 0)),
        out_shape=jax.ShapeDtypeStruct((F, G, 128), jnp.float32),
    )(t2)


_SC_SCRATCH = [
    pltpu.VMEM((NCH * NDMA, 128), jnp.int32),
    pltpu.VMEM((IDX_PER_CH, K), jnp.float32),
    pltpu.VMEM((CH, K), jnp.float32),
    pltpu.VMEM((CH, K), jnp.float32),
    pltpu.VMEM((K,), jnp.float32),
    pltpu.SemaphoreType.DMA,
]


@functools.partial(
    pl.kernel,
    out_type=jax.ShapeDtypeStruct((B, K), jnp.float32),
    mesh=_mesh,
    compiler_params=pltpu.CompilerParams(use_tc_tiling_on_sc=False),
    scratch_types=_SC_SCRATCH,
)
def _sum_kernel(idx_hbm, sm_tab, smb_hbm, out_hbm,
                idx_v, rows_v, out_v, unused_v, bias_v, sem):
    wid = lax.axis_index("s") * NC + lax.axis_index("c")
    pltpu.sync_copy(smb_hbm, bias_v)
    pltpu.sync_copy(
        idx_hbm.at[pl.ds(wid * (NCH * NDMA), NCH * NDMA)], idx_v)

    def chunk_body(c, carry):
        copies = []
        for j in range(NDMA):
            copies.append(pltpu.async_copy(
                sm_tab.at[idx_v.at[c * NDMA + j]],
                rows_v.at[pl.ds(j * 128, 128)], sem))
        for cp in copies:
            cp.wait()

        def row_body(r, rcarry):
            base = r * F
            s = bias_v[...]
            for f in range(F):
                s = s + rows_v[base + f, :]
            out_v[r, :] = s
            return rcarry

        lax.fori_loop(0, CH, row_body, 0)
        pltpu.sync_copy(
            out_v, out_hbm.at[pl.ds(wid * ROWS_PER_W + c * CH, CH)])
        return carry

    lax.fori_loop(0, NCH, chunk_body, 0)


@functools.partial(
    pl.kernel,
    out_type=jax.ShapeDtypeStruct((B, K), jnp.float32),
    mesh=_mesh,
    compiler_params=pltpu.CompilerParams(use_tc_tiling_on_sc=False),
    scratch_types=_SC_SCRATCH,
)
def _combine_kernel(idx_hbm, sg_tab, sgb_hbm, ssum_hbm, out_hbm,
                    idx_v, rows_v, out_v, ss_v, bias_v, sem):
    wid = lax.axis_index("s") * NC + lax.axis_index("c")
    pltpu.sync_copy(sgb_hbm, bias_v)
    pltpu.sync_copy(
        idx_hbm.at[pl.ds(wid * (NCH * NDMA), NCH * NDMA)], idx_v)

    def chunk_body(c, carry):
        copies = []
        for j in range(NDMA):
            copies.append(pltpu.async_copy(
                sg_tab.at[idx_v.at[c * NDMA + j]],
                rows_v.at[pl.ds(j * 128, 128)], sem))
        pltpu.sync_copy(
            ssum_hbm.at[pl.ds(wid * ROWS_PER_W + c * CH, CH)], ss_v)
        for cp in copies:
            cp.wait()

        lanes = lax.broadcasted_iota(jnp.int32, (K,), 0)

        def lane_sum(x):
            for sh in (8, 4, 2, 1):
                x = x + x.at[lanes ^ sh].get(mode="promise_in_bounds")
            return x

        def row_body(r, rcarry):
            base = r * F
            g = bias_v[...]
            for f in range(F):
                g = g + rows_v[base + f, :]
            e = jnp.exp(ss_v[r, :])
            sig = 1.0 / (1.0 + jnp.exp(g))
            val = lane_sum(e * sig) / lane_sum(e)
            out_v[r, :] = val
            return rcarry

        lax.fori_loop(0, CH, row_body, 0)
        pltpu.sync_copy(
            out_v, out_hbm.at[pl.ds(wid * ROWS_PER_W + c * CH, CH)])
        return carry

    lax.fori_loop(0, NCH, chunk_body, 0)


def kernel(indices, softmax_W, sigmoid_W, softmax_bias, sigmoid_bias):
    col_off = (jnp.arange(F, dtype=jnp.int32) * ROW_PITCH)[None, :]
    perm = (indices % G) * 8 + indices // G
    flat_idx = (perm + col_off).reshape(B * F // 128, 128)
    sm_tab = _relayout(jnp.transpose(softmax_W, (0, 2, 1))).reshape(F * ROW_PITCH, K)
    s_sums = _sum_kernel(flat_idx, sm_tab, softmax_bias)
    sg_tab = _relayout(jnp.transpose(sigmoid_W, (0, 2, 1))).reshape(F * ROW_PITCH, K)
    logits = _combine_kernel(flat_idx, sg_tab, sigmoid_bias, s_sums)
    return logits[:, :1]

# --- scband reference (transcript-rebuilt; emitter-appended) ---
"""Pipeline reference for scband-mlrmodel-41068477284364 (READ-ONLY COPY).

The authoritative reference and input builder live on the scoring server;
editing this copy changes nothing except your own understanding.
"""

import jax, jax.numpy as jnp
import numpy as np

B = 16384   # batch
F = 26      # number of categorical columns (sparse fields)
V = 100000  # num_buckets per column
K = 16      # split_count


def setup_inputs(seed: int = 0) -> dict:
    key = jax.random.key(seed)
    k1, k2, k3, k4, k5 = jax.random.split(key, 5)
    indices = jax.random.randint(k1, (B, F), 0, V, dtype=jnp.int32)
    # Per-column softmax/sigmoid embedding weight tables, shape (F, V, K).
    softmax_W = jax.random.normal(k2, (F, V, K), dtype=jnp.float32) * 0.01
    sigmoid_W = jax.random.normal(k3, (F, V, K), dtype=jnp.float32) * 0.01
    softmax_bias = jax.random.normal(k4, (K,), dtype=jnp.float32) * 0.01
    sigmoid_bias = jax.random.normal(k5, (K,), dtype=jnp.float32) * 0.01
    return {
        'indices': indices,
        'softmax_W': softmax_W,
        'sigmoid_W': sigmoid_W,
        'softmax_bias': softmax_bias,
        'sigmoid_bias': sigmoid_bias,
    }


def reference(indices, softmax_W, sigmoid_W, softmax_bias, sigmoid_bias):
    # Each categorical column: embedding lookup into its (V, K) table,
    # combiner='sum' over the (single) id per field, then add_n over fields.
    f_idx = jnp.arange(F, dtype=indices.dtype)[None, :]          # [1, F]
    softmax_emb = softmax_W[f_idx, indices]                      # [B, F, K] gather
    sigmoid_emb = sigmoid_W[f_idx, indices]                      # [B, F, K] gather
    softmax_tensor = jnp.sum(softmax_emb, axis=1) + softmax_bias  # add_n + bias_add
    sigmoid_tensor = jnp.sum(sigmoid_emb, axis=1) + sigmoid_bias
    # softmax branch: exp then normalize over split dimension
    softmax_tensor = jnp.exp(softmax_tensor)
    softmax_tensor = softmax_tensor / jnp.sum(softmax_tensor, axis=1, keepdims=True)
    # sigmoid branch exactly as written in the original module: 1/(1+exp(x))
    sigmoid_tensor = 1.0 / (1.0 + jnp.exp(sigmoid_tensor))
    logits = jnp.sum(softmax_tensor * sigmoid_tensor, axis=1, keepdims=True)  # [B, 1]
    return logits

if __name__ == "__main__":
    import jax
    _d = setup_inputs()
    print(jax.jit(kernel)(*tuple(_d.values())))

</pallas_src>

<mosaic_0001>
#map = affine_map<(d0, d1) -> (0, 0)>
#map1 = affine_map<(d0, d1) -> (0)>
module attributes {stable_mosaic.version = 14 : i64} {
  func.func @_combine_kernel(%arg0: i32, %arg1: i32, %arg2: memref<3328x128xi32, #tpu.memory_space<hbm>>, %arg3: memref<2609152x16xf32, #tpu.memory_space<hbm>>, %arg4: memref<16xf32, #tpu.memory_space<hbm>>, %arg5: memref<16384x16xf32, #tpu.memory_space<hbm>>, %arg6: memref<16384x16xf32, #tpu.memory_space<hbm>>, %arg7: memref<104x128xi32, #tpu.memory_space<vmem>>, %arg8: memref<3328x16xf32, #tpu.memory_space<vmem>>, %arg9: memref<128x16xf32, #tpu.memory_space<vmem>>, %arg10: memref<128x16xf32, #tpu.memory_space<vmem>>, %arg11: memref<16xf32, #tpu.memory_space<vmem>>, %arg12: memref<!tpu.dma_semaphore, #tpu.memory_space<semaphore_mem>>) attributes {dimension_semantics = [#tpu.dimension_semantics<core_parallel>, #tpu.dimension_semantics<subcore_parallel>], iteration_bounds = array<i64: 2, 16>, scalar_prefetch = 0 : i64, scratch_operands = 6 : i64, tpu.core_type = #tpu.core_type<sc_vector_subcore>, window_params = [{transform_indices = #map}, {transform_indices = #map}, {transform_indices = #map1}, {transform_indices = #map}, {transform_indices = #map}]} {
    %mul3A = arith.constant 2 : i32
    %mul3A_0 = arith.muli %arg1, %mul3A : i32
    %add3A = arith.addi %mul3A_0, %arg0 : i32
    "tpu.region"() ({
      %run_scoped3A = tpu.sem_alloc : memref<!tpu.dma_semaphore, #tpu.memory_space<semaphore_mem>>
      tpu.enqueue_dma source(%arg4 : memref<16xf32, #tpu.memory_space<hbm>>) target(%arg11 : memref<16xf32, #tpu.memory_space<vmem>>) target_semaphore(%run_scoped3A : memref<!tpu.dma_semaphore, #tpu.memory_space<semaphore_mem>>)
      tpu.wait_dma2 semaphore(%run_scoped3A : memref<!tpu.dma_semaphore, #tpu.memory_space<semaphore_mem>>) src(%arg4 : memref<16xf32, #tpu.memory_space<hbm>>) dst(%arg11 : memref<16xf32, #tpu.memory_space<vmem>>)
      tpu.yield
    }) : () -> ()
    %mul3A_1 = arith.constant 104 : i32
    %mul3A_2 = arith.muli %add3A, %mul3A_1 : i32
    "tpu.region"() ({
      %run_scoped3A = tpu.sem_alloc : memref<!tpu.dma_semaphore, #tpu.memory_space<semaphore_mem>>
      %dma_start3A = arith.constant 0 : i32
      %dma_start3A_8 = tpu.memref_slice %arg2[%mul3A_2, %dma_start3A] : memref<3328x128xi32, #tpu.memory_space<hbm>> -> memref<104x128xi32, #tpu.memory_space<hbm>>
      %dma_start3A_9 = arith.constant 0 : i32
      %dma_start3A_10 = tpu.memref_slice %arg2[%mul3A_2, %dma_start3A_9] : memref<3328x128xi32, #tpu.memory_space<hbm>> -> memref<104x128xi32, #tpu.memory_space<hbm>>
      tpu.enqueue_dma source(%dma_start3A_10 : memref<104x128xi32, #tpu.memory_space<hbm>>) target(%arg7 : memref<104x128xi32, #tpu.memory_space<vmem>>) target_semaphore(%run_scoped3A : memref<!tpu.dma_semaphore, #tpu.memory_space<semaphore_mem>>)
      %dma_wait3A = arith.constant 0 : i32
      %dma_wait3A_11 = tpu.memref_slice %arg2[%mul3A_2, %dma_wait3A] : memref<3328x128xi32, #tpu.memory_space<hbm>> -> memref<104x128xi32, #tpu.memory_space<hbm>>
      %dma_wait3A_12 = arith.constant 0 : i32
      %dma_wait3A_13 = tpu.memref_slice %arg2[%mul3A_2, %dma_wait3A_12] : memref<3328x128xi32, #tpu.memory_space<hbm>> -> memref<104x128xi32, #tpu.memory_space<hbm>>
      tpu.wait_dma2 semaphore(%run_scoped3A : memref<!tpu.dma_semaphore, #tpu.memory_space<semaphore_mem>>) src(%dma_wait3A_13 : memref<104x128xi32, #tpu.memory_space<hbm>>) dst(%arg7 : memref<104x128xi32, #tpu.memory_space<vmem>>)
      tpu.yield
    }) : () -> ()
    %scan3A = arith.constant 0 : i32
    %scan3A_3 = arith.constant 0 : i32
    %scan3A_4 = arith.constant 4 : i32
    %scan3A_5 = arith.addi %scan3A_3, %scan3A_4 : i32
    %scan3A_6 = arith.constant 1 : i32
    scf.for %scan3A_8 = %scan3A_3 to %scan3A_5 step %scan3A_6  : i32 {
      %mul3A_9 = arith.constant 26 : i32
      %mul3A_10 = arith.muli %scan3A_8, %mul3A_9 : i32
      %add3A_11 = arith.constant 0 : i32
      %add3A_12 = arith.addi %mul3A_10, %add3A_11 : i32
      %dma_start3A = arith.constant 0 : i32
      %dma_start3A_13 = arith.constant 0 : i32
      %dma_start3A_14 = tpu.memref_slice %arg8[%dma_start3A, %dma_start3A_13] : memref<3328x16xf32, #tpu.memory_space<vmem>> -> memref<128x16xf32, #tpu.memory_space<vmem>>
      %dma_start3A_15 = arith.constant 0 : i32
      %dma_start3A_16 = tpu.memref_slice %arg7[%add3A_12, %dma_start3A_15] : memref<104x128xi32, #tpu.memory_space<vmem>> -> memref<1x128xi32, #tpu.memory_space<vmem>>
      %dma_start3A_17 = tpu.memref_squeeze %dma_start3A_16 : memref<1x128xi32, #tpu.memory_space<vmem>> -> memref<128xi32, #tpu.memory_space<vmem>>
      %dma_start3A_18 = arith.constant 0 : i32
      %dma_start3A_19 = arith.constant 0 : i32
      %dma_start3A_20 = tpu.memref_slice %arg3[%dma_start3A_18, %dma_start3A_19] : memref<2609152x16xf32, #tpu.memory_space<hbm>> -> memref<2609152x16xf32, #tpu.memory_space<hbm>>
      tpu.enqueue_indirect_dma source(%dma_start3A_20 : memref<2609152x16xf32, #tpu.memory_space<hbm>>) target(%dma_start3A_14 : memref<128x16xf32, #tpu.memory_space<vmem>>) offsets(%dma_start3A_17 : memref<128xi32, #tpu.memory_space<vmem>>) semaphore(%arg12 : memref<!tpu.dma_semaphore, #tpu.memory_space<semaphore_mem>>)
      %mul3A_21 = arith.constant 26 : i32
      %mul3A_22 = arith.muli %scan3A_8, %mul3A_21 : i32
      %add3A_23 = arith.constant 1 : i32
      %add3A_24 = arith.addi %mul3A_22, %add3A_23 : i32
      %dma_start3A_25 = arith.constant 128 : i32
      %dma_start3A_26 = arith.constant 0 : i32
      %dma_start3A_27 = tpu.memref_slice %arg8[%dma_start3A_25, %dma_start3A_26] : memref<3328x16xf32, #tpu.memory_space<vmem>> -> memref<128x16xf32, #tpu.memory_space<vmem>>
      %dma_start3A_28 = arith.constant 0 : i32
      %dma_start3A_29 = tpu.memref_slice %arg7[%add3A_24, %dma_start3A_28] : memref<104x128xi32, #tpu.memory_space<vmem>> -> memref<1x128xi32, #tpu.memory_space<vmem>>
      %dma_start3A_30 = tpu.memref_squeeze %dma_start3A_29 : memref<1x128xi32, #tpu.memory_space<vmem>> -> memref<128xi32, #tpu.memory_space<vmem>>
      %dma_start3A_31 = arith.constant 0 : i32
      %dma_start3A_32 = arith.constant 0 : i32
      %dma_start3A_33 = tpu.memref_slice %arg3[%dma_start3A_31, %dma_start3A_32] : memref<2609152x16xf32, #tpu.memory_space<hbm>> -> memref<2609152x16xf32, #tpu.memory_space<hbm>>
      tpu.enqueue_indirect_dma source(%dma_start3A_33 : memref<2609152x16xf32, #tpu.memory_space<hbm>>) target(%dma_start3A_27 : memref<128x16xf32, #tpu.memory_space<vmem>>) offsets(%dma_start3A_30 : memref<128xi32, #tpu.memory_space<vmem>>) semaphore(%arg12 : memref<!tpu.dma_semaphore, #tpu.memory_space<semaphore_mem>>)
      %mul3A_34 = arith.constant 26 : i32
      %mul3A_35 = arith.muli %scan3A_8, %mul3A_34 : i32
      %add3A_36 = arith.constant 2 : i32
      %add3A_37 = arith.addi %mul3A_35, %add3A_36 : i32
      %dma_start3A_38 = arith.constant 256 : i32
      %dma_start3A_39 = arith.constant 0 : i32
      %dma_start3A_40 = tpu.memref_slice %arg8[%dma_start3A_38, %dma_start3A_39] : memref<3328x16xf32, #tpu.memory_space<vmem>> -> memref<128x16xf32, #tpu.memory_space<vmem>>
      %dma_start3A_41 = arith.constant 0 : i32
      %dma_start3A_42 = tpu.memref_slice %arg7[%add3A_37, %dma_start3A_41] : memref<104x128xi32, #tpu.memory_space<vmem>> -> memref<1x128xi32, #tpu.memory_space<vmem>>
      %dma_start3A_43 = tpu.memref_squeeze %dma_start3A_42 : memref<1x128xi32, #tpu.memory_space<vmem>> -> memref<128xi32, #tpu.memory_space<vmem>>
      %dma_start3A_44 = arith.constant 0 : i32
      %dma_start3A_45 = arith.constant 0 : i32
      %dma_start3A_46 = tpu.memref_slice %arg3[%dma_start3A_44, %dma_start3A_45] : memref<2609152x16xf32, #tpu.memory_space<hbm>> -> memref<2609152x16xf32, #tpu.memory_space<hbm>>
      tpu.enqueue_indirect_dma source(%dma_start3A_46 : memref<2609152x16xf32, #tpu.memory_space<hbm>>) target(%dma_start3A_40 : memref<128x16xf32, #tpu.memory_space<vmem>>) offsets(%dma_start3A_43 : memref<128xi32, #tpu.memory_space<vmem>>) semaphore(%arg12 : memref<!tpu.dma_semaphore, #tpu.memory_space<semaphore_mem>>)
      %mul3A_47 = arith.constant 26 : i32
      %mul3A_48 = arith.muli %scan3A_8, %mul3A_47 : i32
      %add3A_49 = arith.constant 3 : i32
      %add3A_50 = arith.addi %mul3A_48, %add3A_49 : i32
      %dma_start3A_51 = arith.constant 384 : i32
      %dma_start3A_52 = arith.constant 0 : i32
      %dma_start3A_53 = tpu.memref_slice %arg8[%dma_start3A_51, %dma_start3A_52] : memref<3328x16xf32, #tpu.memory_space<vmem>> -> memref<128x16xf32, #tpu.memory_space<vmem>>
      %dma_start3A_54 = arith.constant 0 : i32
      %dma_start3A_55 = tpu.memref_slice %arg7[%add3A_50, %dma_start3A_54] : memref<104x128xi32, #tpu.memory_space<vmem>> -> memref<1x128xi32, #tpu.memory_space<vmem>>
      %dma_start3A_56 = tpu.memref_squeeze %dma_start3A_55 : memref<1x128xi32, #tpu.memory_space<vmem>> -> memref<128xi32, #tpu.memory_space<vmem>>
      %dma_start3A_57 = arith.constant 0 : i32
      %dma_start3A_58 = arith.constant 0 : i32
      %dma_start3A_59 = tpu.memref_slice %arg3[%dma_start3A_57, %dma_start3A_58] : memref<2609152x16xf32, #tpu.memory_space<hbm>> -> memref<2609152x16xf32, #tpu.memory_space<hbm>>
      tpu.enqueue_indirect_dma source(%dma_start3A_59 : memref<2609152x16xf32, #tpu.memory_space<hbm>>) target(%dma_start3A_53 : memref<128x16xf32, #tpu.memory_space<vmem>>) offsets(%dma_start3A_56 : memref<128xi32, #tpu.memory_space<vmem>>) semaphore(%arg12 : memref<!tpu.dma_semaphore, #tpu.memory_space<semaphore_mem>>)
      %mul3A_60 = arith.constant 26 : i32
      %mul3A_61 = arith.muli %scan3A_8, %mul3A_60 : i32
      %add3A_62 = arith.constant 4 : i32
      %add3A_63 = arith.addi %mul3A_61, %add3A_62 : i32
      %dma_start3A_64 = arith.constant 512 : i32
      %dma_start3A_65 = arith.constant 0 : i32
      %dma_start3A_66 = tpu.memref_slice %arg8[%dma_start3A_64, %dma_start3A_65] : memref<3328x16xf32, #tpu.memory_space<vmem>> -> memref<128x16xf32, #tpu.memory_space<vmem>>
      %dma_start3A_67 = arith.constant 0 : i32
      %dma_start3A_68 = tpu.memref_slice %arg7[%add3A_63, %dma_start3A_67] : memref<104x128xi32, #tpu.memory_space<vmem>> -> memref<1x128xi32, #tpu.memory_space<vmem>>
      %dma_start3A_69 = tpu.memref_squeeze %dma_start3A_68 : memref<1x128xi32, #tpu.memory_space<vmem>> -> memref<128xi32, #tpu.memory_space<vmem>>
      %dma_start3A_70 = arith.constant 0 : i32
      %dma_start3A_71 = arith.constant 0 : i32
      %dma_start3A_72 = tpu.memref_slice %arg3[%dma_start3A_70, %dma_start3A_71] : memref<2609152x16xf32, #tpu.memory_space<hbm>> -> memref<2609152x16xf32, #tpu.memory_space<hbm>>
      tpu.enqueue_indirect_dma source(%dma_start3A_72 : memref<2609152x16xf32, #tpu.memory_space<hbm>>) target(%dma_start3A_66 : memref<128x16xf32, #tpu.memory_space<vmem>>) offsets(%dma_start3A_69 : memref<128xi32, #tpu.memory_space<vmem>>) semaphore(%arg12 : memref<!tpu.dma_semaphore, #tpu.memory_space<semaphore_mem>>)
      %mul3A_73 = arith.constant 26 : i32
      %mul3A_74 = arith.muli %scan3A_8, %mul3A_73 : i32
      %add3A_75 = arith.constant 5 : i32
      %add3A_76 = arith.addi %mul3A_74, %add3A_75 : i32
      %dma_start3A_77 = arith.constant 640 : i32
      %dma_start3A_78 = arith.constant 0 : i32
      %dma_start3A_79 = tpu.memref_slice %arg8[%dma_start3A_77, %dma_start3A_78] : memref<3328x16xf32, #tpu.memory_space<vmem>> -> memref<128x16xf32, #tpu.memory_space<vmem>>
      %dma_start3A_80 = arith.constant 0 : i32
      %dma_start3A_81 = tpu.memref_slice %arg7[%add3A_76, %dma_start3A_80] : memref<104x128xi32, #tpu.memory_space<vmem>> -> memref<1x128xi32, #tpu.memory_space<vmem>>
      %dma_start3A_82 = tpu.memref_squeeze %dma_start3A_81 : memref<1x128xi32, #tpu.memory_space<vmem>> -> memref<128xi32, #tpu.memory_space<vmem>>
      %dma_start3A_83 = arith.constant 0 : i32
      %dma_start3A_84 = arith.constant 0 : i32
      %dma_start3A_85 = tpu.memref_slice %arg3[%dma_start3A_83, %dma_start3A_84] : memref<2609152x16xf32, #tpu.memory_space<hbm>> -> memref<2609152x16xf32, #tpu.memory_space<hbm>>
      tpu.enqueue_indirect_dma source(%dma_start3A_85 : memref<2609152x16xf32, #tpu.memory_space<hbm>>) target(%dma_start3A_79 : memref<128x16xf32, #tpu.memory_space<vmem>>) offsets(%dma_start3A_82 : memref<128xi32, #tpu.memory_space<vmem>>) semaphore(%arg12 : memref<!tpu.dma_semaphore, #tpu.memory_space<semaphore_mem>>)
      %mul3A_86 = arith.constant 26 : i32
      %mul3A_87 = arith.muli %scan3A_8, %mul3A_86 : i32
      %add3A_88 = arith.constant 6 : i32
      %add3A_89 = arith.addi %mul3A_87, %add3A_88 : i32
      %dma_start3A_90 = arith.constant 768 : i32
      %dma_start3A_91 = arith.constant 0 : i32
      %dma_start3A_92 = tpu.memref_slice %arg8[%dma_start3A_90, %dma_start3A_91] : memref<3328x16xf32, #tpu.memory_space<vmem>> -> memref<128x16xf32, #tpu.memory_space<vmem>>
      %dma_start3A_93 = arith.constant 0 : i32
      %dma_start3A_94 = tpu.memref_slice %arg7[%add3A_89, %dma_start3A_93] : memref<104x128xi32, #tpu.memory_space<vmem>> -> memref<1x128xi32, #tpu.memory_space<vmem>>
      %dma_start3A_95 = tpu.memref_squeeze %dma_start3A_94 : memref<1x128xi32, #tpu.memory_space<vmem>> -> memref<128xi32, #tpu.memory_space<vmem>>
      %dma_start3A_96 = arith.constant 0 : i32
      %dma_start3A_97 = arith.constant 0 : i32
      %dma_start3A_98 = tpu.memref_slice %arg3[%dma_start3A_96, %dma_start3A_97] : memref<2609152x16xf32, #tpu.memory_space<hbm>> -> memref<2609152x16xf32, #tpu.memory_space<hbm>>
      tpu.enqueue_indirect_dma source(%dma_start3A_98 : memref<2609152x16xf32, #tpu.memory_space<hbm>>) target(%dma_start3A_92 : memref<128x16xf32, #tpu.memory_space<vmem>>) offsets(%dma_start3A_95 : memref<128xi32, #tpu.memory_space<vmem>>) semaphore(%arg12 : memref<!tpu.dma_semaphore, #tpu.memory_space<semaphore_mem>>)
      %mul3A_99 = arith.constant 26 : i32
      %mul3A_100 = arith.muli %scan3A_8, %mul3A_99 : i32
      %add3A_101 = arith.constant 7 : i32
      %add3A_102 = arith.addi %mul3A_100, %add3A_101 : i32
      %dma_start3A_103 = arith.constant 896 : i32
      %dma_start3A_104 = arith.constant 0 : i32
      %dma_start3A_105 = tpu.memref_slice %arg8[%dma_start3A_103, %dma_start3A_104] : memref<3328x16xf32, #tpu.memory_space<vmem>> -> memref<128x16xf32, #tpu.memory_space<vmem>>
      %dma_start3A_106 = arith.constant 0 : i32
      %dma_start3A_107 = tpu.memref_slice %arg7[%add3A_102, %dma_start3A_106] : memref<104x128xi32, #tpu.memory_space<vmem>> -> memref<1x128xi32, #tpu.memory_space<vmem>>
      %dma_start3A_108 = tpu.memref_squeeze %dma_start3A_107 : memref<1x128xi32, #tpu.memory_space<vmem>> -> memref<128xi32, #tpu.memory_space<vmem>>
      %dma_start3A_109 = arith.constant 0 : i32
      %dma_start3A_110 = arith.constant 0 : i32
      %dma_start3A_111 = tpu.memref_slice %arg3[%dma_start3A_109, %dma_start3A_110] : memref<2609152x16xf32, #tpu.memory_space<hbm>> -> memref<2609152x16xf32, #tpu.memory_space<hbm>>
      tpu.enqueue_indirect_dma source(%dma_start3A_111 : memref<2609152x16xf32, #tpu.memory_space<hbm>>) target(%dma_start3A_105 : memref<128x16xf32, #tpu.memory_space<vmem>>) offsets(%dma_start3A_108 : memref<128xi32, #tpu.memory_space<vmem>>) semaphore(%arg12 : memref<!tpu.dma_semaphore, #tpu.memory_space<semaphore_mem>>)
      %mul3A_112 = arith.constant 26 : i32
      %mul3A_113 = arith.muli %scan3A_8, %mul3A_112 : i32
      %add3A_114 = arith.constant 8 : i32
      %add3A_115 = arith.addi %mul3A_113, %add3A_114 : i32
      %dma_start3A_116 = arith.constant 1024 : i32
      %dma_start3A_117 = arith.constant 0 : i32
      %dma_start3A_118 = tpu.memref_slice %arg8[%dma_start3A_116, %dma_start3A_117] : memref<3328x16xf32, #tpu.memory_space<vmem>> -> memref<128x16xf32, #tpu.memory_space<vmem>>
      %dma_start3A_119 = arith.constant 0 : i32
      %dma_start3A_120 = tpu.memref_slice %arg7[%add3A_115, %dma_start3A_119] : memref<104x128xi32, #tpu.memory_space<vmem>> -> memref<1x128xi32, #tpu.memory_space<vmem>>
      %dma_start3A_121 = tpu.memref_squeeze %dma_start3A_120 : memref<1x128xi32, #tpu.memory_space<vmem>> -> memref<128xi32, #tpu.memory_space<vmem>>
      %dma_start3A_122 = arith.constant 0 : i32
      %dma_start3A_123 = arith.constant 0 : i32
      %dma_start3A_124 = tpu.memref_slice %arg3[%dma_start3A_122, %dma_start3A_123] : memref<2609152x16xf32, #tpu.memory_space<hbm>> -> memref<2609152x16xf32, #tpu.memory_space<hbm>>
      tpu.enqueue_indirect_dma source(%dma_start3A_124 : memref<2609152x16xf32, #tpu.memory_space<hbm>>) target(%dma_start3A_118 : memref<128x16xf32, #tpu.memory_space<vmem>>) offsets(%dma_start3A_121 : memref<128xi32, #tpu.memory_space<vmem>>) semaphore(%arg12 : memref<!tpu.dma_semaphore, #tpu.memory_space<semaphore_mem>>)
      %mul3A_125 = arith.constant 26 : i32
      %mul3A_126 = arith.muli %scan3A_8, %mul3A_125 : i32
      %add3A_127 = arith.constant 9 : i32
      %add3A_128 = arith.addi %mul3A_126, %add3A_127 : i32
      %dma_start3A_129 = arith.constant 1152 : i32
      %dma_start3A_130 = arith.constant 0 : i32
      %dma_start3A_131 = tpu.memref_slice %arg8[%dma_start3A_129, %dma_start3A_130] : memref<3328x16xf32, #tpu.memory_space<vmem>> -> memref<128x16xf32, #tpu.memory_space<vmem>>
      %dma_start3A_132 = arith.constant 0 : i32
      %dma_start3A_133 = tpu.memref_slice %arg7[%add3A_128, %dma_start3A_132] : memref<104x128xi32, #tpu.memory_space<vmem>> -> memref<1x128xi32, #tpu.memory_space<vmem>>
      %dma_start3A_134 = tpu.memref_squeeze %dma_start3A_133 : memref<1x128xi32, #tpu.memory_space<vmem>> -> memref<128xi32, #tpu.memory_space<vmem>>
      %dma_start3A_135 = arith.constant 0 : i32
      %dma_start3A_136 = arith.constant 0 : i32
      %dma_start3A_137 = tpu.memref_slice %arg3[%dma_start3A_135, %dma_start3A_136] : memref<2609152x16xf32, #tpu.memory_space<hbm>> -> memref<2609152x16xf32, #tpu.memory_space<hbm>>
      tpu.enqueue_indirect_dma source(%dma_start3A_137 : memref<2609152x16xf32, #tpu.memory_space<hbm>>) target(%dma_start3A_131 : memref<128x16xf32, #tpu.memory_space<vmem>>) offsets(%dma_start3A_134 : memref<128xi32, #tpu.memory_space<vmem>>) semaphore(%arg12 : memref<!tpu.dma_semaphore, #tpu.memory_space<semaphore_mem>>)
      %mul3A_138 = arith.constant 26 : i32
      %mul3A_139 = arith.muli %scan3A_8, %mul3A_138 : i32
      %add3A_140 = arith.constant 10 : i32
      %add3A_141 = arith.addi %mul3A_139, %add3A_140 : i32
      %dma_start3A_142 = arith.constant 1280 : i32
      %dma_start3A_143 = arith.constant 0 : i32
      %dma_start3A_144 = tpu.memref_slice %arg8[%dma_start3A_142, %dma_start3A_143] : memref<3328x16xf32, #tpu.memory_space<vmem>> -> memref<128x16xf32, #tpu.memory_space<vmem>>
      %dma_start3A_145 = arith.constant 0 : i32
      %dma_start3A_146 = tpu.memref_slice %arg7[%add3A_141, %dma_start3A_145] : memref<104x128xi32, #tpu.memory_space<vmem>> -> memref<1x128xi32, #tpu.memory_space<vmem>>
      %dma_start3A_147 = tpu.memref_squeeze %dma_start3A_146 : memref<1x128xi32, #tpu.memory_space<vmem>> -> memref<128xi32, #tpu.memory_space<vmem>>
      %dma_start3A_148 = arith.constant 0 : i32
      %dma_start3A_149 = arith.constant 0 : i32
      %dma_start3A_150 = tpu.memref_slice %arg3[%dma_start3A_148, %dma_start3A_149] : memref<2609152x16xf32, #tpu.memory_space<hbm>> -> memref<2609152x16xf32, #tpu.memory_space<hbm>>
      tpu.enqueue_indirect_dma source(%dma_start3A_150 : memref<2609152x16xf32, #tpu.memory_space<hbm>>) target(%dma_start3A_144 : memref<128x16xf32, #tpu.memory_space<vmem>>) offsets(%dma_start3A_147 : memref<128xi32, #tpu.memory_space<vmem>>) semaphore(%arg12 : memref<!tpu.dma_semaphore, #tpu.memory_space<semaphore_mem>>)
      %mul3A_151 = arith.constant 26 : i32
      %mul3A_152 = arith.muli %scan3A_8, %mul3A_151 : i32
      %add3A_153 = arith.constant 11 : i32
      %add3A_154 = arith.addi %mul3A_152, %add3A_153 : i32
      %dma_start3A_155 = arith.constant 1408 : i32
      %dma_start3A_156 = arith.constant 0 : i32
      %dma_start3A_157 = tpu.memref_slice %arg8[%dma_start3A_155, %dma_start3A_156] : memref<3328x16xf32, #tpu.memory_space<vmem>> -> memref<128x16xf32, #tpu.memory_space<vmem>>
      %dma_start3A_158 = arith.constant 0 : i32
      %dma_start3A_159 = tpu.memref_slice %arg7[%add3A_154, %dma_start3A_158] : memref<104x128xi32, #tpu.memory_space<vmem>> -> memref<1x128xi32, #tpu.memory_space<vmem>>
      %dma_start3A_160 = tpu.memref_squeeze %dma_start3A_159 : memref<1x128xi32, #tpu.memory_space<vmem>> -> memref<128xi32, #tpu.memory_space<vmem>>
      %dma_start3A_161 = arith.constant 0 : i32
      %dma_start3A_162 = arith.constant 0 : i32
      %dma_start3A_163 = tpu.memref_slice %arg3[%dma_start3A_161, %dma_start3A_162] : memref<2609152x16xf32, #tpu.memory_space<hbm>> -> memref<2609152x16xf32, #tpu.memory_space<hbm>>
      tpu.enqueue_indirect_dma source(%dma_start3A_163 : memref<2609152x16xf32, #tpu.memory_space<hbm>>) target(%dma_start3A_157 : memref<128x16xf32, #tpu.memory_space<vmem>>) offsets(%dma_start3A_160 : memref<128xi32, #tpu.memory_space<vmem>>) semaphore(%arg12 : memref<!tpu.dma_semaphore, #tpu.memory_space<semaphore_mem>>)
      %mul3A_164 = arith.constant 26 : i32
      %mul3A_165 = arith.muli %scan3A_8, %mul3A_164 : i32
      %add3A_166 = arith.constant 12 : i32
      %add3A_167 = arith.addi %mul3A_165, %add3A_166 : i32
      %dma_start3A_168 = arith.constant 1536 : i32
      %dma_start3A_169 = arith.constant 0 : i32
      %dma_start3A_170 = tpu.memref_slice %arg8[%dma_start3A_168, %dma_start3A_169] : memref<3328x16xf32, #tpu.memory_space<vmem>> -> memref<128x16xf32, #tpu.memory_space<vmem>>
      %dma_start3A_171 = arith.constant 0 : i32
      %dma_start3A_172 = tpu.memref_slice %arg7[%add3A_167, %dma_start3A_171] : memref<104x128xi32, #tpu.memory_space<vmem>> -> memref<1x128xi32, #tpu.memory_space<vmem>>
      %dma_start3A_173 = tpu.memref_squeeze %dma_start3A_172 : memref<1x128xi32, #tpu.memory_space<vmem>> -> memref<128xi32, #tpu.memory_space<vmem>>
      %dma_start3A_174 = arith.constant 0 : i32
      %dma_start3A_175 = arith.constant 0 : i32
      %dma_start3A_176 = tpu.memref_slice %arg3[%dma_start3A_174, %dma_start3A_175] : memref<2609152x16xf32, #tpu.memory_space<hbm>> -> memref<2609152x16xf32, #tpu.memory_space<hbm>>
      tpu.enqueue_indirect_dma source(%dma_start3A_176 : memref<2609152x16xf32, #tpu.memory_space<hbm>>) target(%dma_start3A_170 : memref<128x16xf32, #tpu.memory_space<vmem>>) offsets(%dma_start3A_173 : memref<128xi32, #tpu.memory_space<vmem>>) semaphore(%arg12 : memref<!tpu.dma_semaphore, #tpu.memory_space<semaphore_mem>>)
      %mul3A_177 = arith.constant 26 : i32
      %mul3A_178 = arith.muli %scan3A_8, %mul3A_177 : i32
      %add3A_179 = arith.constant 13 : i32
      %add3A_180 = arith.addi %mul3A_178, %add3A_179 : i32
      %dma_start3A_181 = arith.constant 1664 : i32
      %dma_start3A_182 = arith.constant 0 : i32
      %dma_start3A_183 = tpu.memref_slice %arg8[%dma_start3A_181, %dma_start3A_182] : memref<3328x16xf32, #tpu.memory_space<vmem>> -> memref<128x16xf32, #tpu.memory_space<vmem>>
      %dma_start3A_184 = arith.constant 0 : i32
      %dma_start3A_185 = tpu.memref_slice %arg7[%add3A_180, %dma_start3A_184] : memref<104x128xi32, #tpu.memory_space<vmem>> -> memref<1x128xi32, #tpu.memory_space<vmem>>
      %dma_start3A_186 = tpu.memref_squeeze %dma_start3A_185 : memref<1x128xi32, #tpu.memory_space<vmem>> -> memref<128xi32, #tpu.memory_space<vmem>>
      %dma_start3A_187 = arith.constant 0 : i32
      %dma_start3A_188 = arith.constant 0 : i32
      %dma_start3A_189 = tpu.memref_slice %arg3[%dma_start3A_187, %dma_start3A_188] : memref<2609152x16xf32, #tpu.memory_space<hbm>> -> memref<2609152x16xf32, #tpu.memory_space<hbm>>
      tpu.enqueue_indirect_dma source(%dma_start3A_189 : memref<2609152x16xf32, #tpu.memory_space<hbm>>) target(%dma_start3A_183 : memref<128x16xf32, #tpu.memory_space<vmem>>) offsets(%dma_start3A_186 : memref<128xi32, #tpu.memory_space<vmem>>) semaphore(%arg12 : memref<!tpu.dma_semaphore, #tpu.memory_space<semaphore_mem>>)
      %mul3A_190 = arith.constant 26 : i32
      %mul3A_191 = arith.muli %scan3A_8, %mul3A_190 : i32
      %add3A_192 = arith.constant 14 : i32
      %add3A_193 = arith.addi %mul3A_191, %add3A_192 : i32
      %dma_start3A_194 = arith.constant 1792 : i32
      %dma_start3A_195 = arith.constant 0 : i32
      %dma_start3A_196 = tpu.memref_slice %arg8[%dma_start3A_194, %dma_start3A_195] : memref<3328x16xf32, #tpu.memory_space<vmem>> -> memref<128x16xf32, #tpu.memory_space<vmem>>
      %dma_start3A_197 = arith.constant 0 : i32
      %dma_start3A_198 = tpu.memref_slice %arg7[%add3A_193, %dma_start3A_197] : memref<104x128xi32, #tpu.memory_space<vmem>> -> memref<1x128xi32, #tpu.memory_space<vmem>>
      %dma_start3A_199 = tpu.memref_squeeze %dma_start3A_198 : memref<1x128xi32, #tpu.memory_space<vmem>> -> memref<128xi32, #tpu.memory_space<vmem>>
      %dma_start3A_200 = arith.constant 0 : i32
      %dma_start3A_201 = arith.constant 0 : i32
      %dma_start3A_202 = tpu.memref_slice %arg3[%dma_start3A_200, %dma_start3A_201] : memref<2609152x16xf32, #tpu.memory_space<hbm>> -> memref<2609152x16xf32, #tpu.memory_space<hbm>>
      tpu.enqueue_indirect_dma source(%dma_start3A_202 : memref<2609152x16xf32, #tpu.memory_space<hbm>>) target(%dma_start3A_196 : memref<128x16xf32, #tpu.memory_space<vmem>>) offsets(%dma_start3A_199 : memref<128xi32, #tpu.memory_space<vmem>>) semaphore(%arg12 : memref<!tpu.dma_semaphore, #tpu.memory_space<semaphore_mem>>)
      %mul3A_203 = arith.constant 26 : i32
      %mul3A_204 = arith.muli %scan3A_8, %mul3A_203 : i32
      %add3A_205 = arith.constant 15 : i32
      %add3A_206 = arith.addi %mul3A_204, %add3A_205 : i32
      %dma_start3A_207 = arith.constant 1920 : i32
      %dma_start3A_208 = arith.constant 0 : i32
      %dma_start3A_209 = tpu.memref_slice %arg8[%dma_start3A_207, %dma_start3A_208] : memref<3328x16xf32, #tpu.memory_space<vmem>> -> memref<128x16xf32, #tpu.memory_space<vmem>>
      %dma_start3A_210 = arith.constant 0 : i32
      %dma_start3A_211 = tpu.memref_slice %arg7[%add3A_206, %dma_start3A_210] : memref<104x128xi32, #tpu.memory_space<vmem>> -> memref<1x128xi32, #tpu.memory_space<vmem>>
      %dma_start3A_212 = tpu.memref_squeeze %dma_start3A_211 : memref<1x128xi32, #tpu.memory_space<vmem>> -> memref<128xi32, #tpu.memory_space<vmem>>
      %dma_start3A_213 = arith.constant 0 : i32
      %dma_start3A_214 = arith.constant 0 : i32
      %dma_start3A_215 = tpu.memref_slice %arg3[%dma_start3A_213, %dma_start3A_214] : memref<2609152x16xf32, #tpu.memory_space<hbm>> -> memref<2609152x16xf32, #tpu.memory_space<hbm>>
      tpu.enqueue_indirect_dma source(%dma_start3A_215 : memref<2609152x16xf32, #tpu.memory_space<hbm>>) target(%dma_start3A_209 : memref<128x16xf32, #tpu.memory_space<vmem>>) offsets(%dma_start3A_212 : memref<128xi32, #tpu.memory_space<vmem>>) semaphore(%arg12 : memref<!tpu.dma_semaphore, #tpu.memory_space<semaphore_mem>>)
      %mul3A_216 = arith.constant 26 : i32
      %mul3A_217 = arith.muli %scan3A_8, %mul3A_216 : i32
      %add3A_218 = arith.constant 16 : i32
      %add3A_219 = arith.addi %mul3A_217, %add3A_218 : i32
      %dma_start3A_220 = arith.constant 2048 : i32
      %dma_start3A_221 = arith.constant 0 : i32
      %dma_start3A_222 = tpu.memref_slice %arg8[%dma_start3A_220, %dma_start3A_221] : memref<3328x16xf32, #tpu.memory_space<vmem>> -> memref<128x16xf32, #tpu.memory_space<vmem>>
      %dma_start3A_223 = arith.constant 0 : i32
      %dma_start3A_224 = tpu.memref_slice %arg7[%add3A_219, %dma_start3A_223] : memref<104x128xi32, #tpu.memory_space<vmem>> -> memref<1x128xi32, #tpu.memory_space<vmem>>
      %dma_start3A_225 = tpu.memref_squeeze %dma_start3A_224 : memref<1x128xi32, #tpu.memory_space<vmem>> -> memref<128xi32, #tpu.memory_space<vmem>>
      %dma_start3A_226 = arith.constant 0 : i32
      %dma_start3A_227 = arith.constant 0 : i32
      %dma_start3A_228 = tpu.memref_slice %arg3[%dma_start3A_226, %dma_start3A_227] : memref<2609152x16xf32, #tpu.memory_space<hbm>> -> memref<2609152x16xf32, #tpu.memory_space<hbm>>
      tpu.enqueue_indirect_dma source(%dma_start3A_228 : memref<2609152x16xf32, #tpu.memory_space<hbm>>) target(%dma_start3A_222 : memref<128x16xf32, #tpu.memory_space<vmem>>) offsets(%dma_start3A_225 : memref<128xi32, #tpu.memory_space<vmem>>) semaphore(%arg12 : memref<!tpu.dma_semaphore, #tpu.memory_space<semaphore_mem>>)
      %mul3A_229 = arith.constant 26 : i32
      %mul3A_230 = arith.muli %scan3A_8, %mul3A_229 : i32
      %add3A_231 = arith.constant 17 : i32
      %add3A_232 = arith.addi %mul3A_230, %add3A_231 : i32
      %dma_start3A_233 = arith.constant 2176 : i32
      %dma_start3A_234 = arith.constant 0 : i32
      %dma_start3A_235 = tpu.memref_slice %arg8[%dma_start3A_233, %dma_start3A_234] : memref<3328x16xf32, #tpu.memory_space<vmem>> -> memref<128x16xf32, #tpu.memory_space<vmem>>
      %dma_start3A_236 = arith.constant 0 : i32
      %dma_start3A_237 = tpu.memref_slice %arg7[%add3A_232, %dma_start3A_236] : memref<104x128xi32, #tpu.memory_space<vmem>> -> memref<1x128xi32, #tpu.memory_space<vmem>>
      %dma_start3A_238 = tpu.memref_squeeze %dma_start3A_237 : memref<1x128xi32, #tpu.memory_space<vmem>> -> memref<128xi32, #tpu.memory_space<vmem>>
      %dma_start3A_239 = arith.constant 0 : i32
      %dma_start3A_240 = arith.constant 0 : i32
      %dma_start3A_241 = tpu.memref_slice %arg3[%dma_start3A_239, %dma_start3A_240] : memref<2609152x16xf32, #tpu.memory_space<hbm>> -> memref<2609152x16xf32, #tpu.memory_space<hbm>>
      tpu.enqueue_indirect_dma source(%dma_start3A_241 : memref<2609152x16xf32, #tpu.memory_space<hbm>>) target(%dma_start3A_235 : memref<128x16xf32, #tpu.memory_space<vmem>>) offsets(%dma_start3A_238 : memref<128xi32, #tpu.memory_space<vmem>>) semaphore(%arg12 : memref<!tpu.dma_semaphore, #tpu.memory_space<semaphore_mem>>)
      %mul3A_242 = arith.constant 26 : i32
      %mul3A_243 = arith.muli %scan3A_8, %mul3A_242 : i32
      %add3A_244 = arith.constant 18 : i32
      %add3A_245 = arith.addi %mul3A_243, %add3A_244 : i32
      %dma_start3A_246 = arith.constant 2304 : i32
      %dma_start3A_247 = arith.constant 0 : i32
      %dma_start3A_248 = tpu.memref_slice %arg8[%dma_start3A_246, %dma_start3A_247] : memref<3328x16xf32, #tpu.memory_space<vmem>> -> memref<128x16xf32, #tpu.memory_space<vmem>>
      %dma_start3A_249 = arith.constant 0 : i32
      %dma_start3A_250 = tpu.memref_slice %arg7[%add3A_245, %dma_start3A_249] : memref<104x128xi32, #tpu.memory_space<vmem>> -> memref<1x128xi32, #tpu.memory_space<vmem>>
      %dma_start3A_251 = tpu.memref_squeeze %dma_start3A_250 : memref<1x128xi32, #tpu.memory_space<vmem>> -> memref<128xi32, #tpu.memory_space<vmem>>
      %dma_start3A_252 = arith.constant 0 : i32
      %dma_start3A_253 = arith.constant 0 : i32
      %dma_start3A_254 = tpu.memref_slice %arg3[%dma_start3A_252, %dma_start3A_253] : memref<2609152x16xf32, #tpu.memory_space<hbm>> -> memref<2609152x16xf32, #tpu.memory_space<hbm>>
      tpu.enqueue_indirect_dma source(%dma_start3A_254 : memref<2609152x16xf32, #tpu.memory_space<hbm>>) target(%dma_start3A_248 : memref<128x16xf32, #tpu.memory_space<vmem>>) offsets(%dma_start3A_251 : memref<128xi32, #tpu.memory_space<vmem>>) semaphore(%arg12 : memref<!tpu.dma_semaphore, #tpu.memory_space<semaphore_mem>>)
      %mul3A_255 = arith.constant 26 : i32
      %mul3A_256 = arith.muli %scan3A_8, %mul3A_255 : i32
      %add3A_257 = arith.constant 19 : i32
      %add3A_258 = arith.addi %mul3A_256, %add3A_257 : i32
      %dma_start3A_259 = arith.constant 2432 : i32
      %dma_start3A_260 = arith.constant 0 : i32
      %dma_start3A_261 = tpu.memref_slice %arg8[%dma_start3A_259, %dma_start3A_260] : memref<3328x16xf32, #tpu.memory_space<vmem>> -> memref<128x16xf32, #tpu.memory_space<vmem>>
      %dma_start3A_262 = arith.constant 0 : i32
      %dma_start3A_263 = tpu.memref_slice %arg7[%add3A_258, %dma_start3A_262] : memref<104x128xi32, #tpu.memory_space<vmem>> -> memref<1x128xi32, #tpu.memory_space<vmem>>
      %dma_start3A_264 = tpu.memref_squeeze %dma_start3A_263 : memref<1x128xi32, #tpu.memory_space<vmem>> -> memref<128xi32, #tpu.memory_space<vmem>>
      %dma_start3A_265 = arith.constant 0 : i32
      %dma_start3A_266 = arith.constant 0 : i32
      %dma_start3A_267 = tpu.memref_slice %arg3[%dma_start3A_265, %dma_start3A_266] : memref<2609152x16xf32, #tpu.memory_space<hbm>> -> memref<2609152x16xf32, #tpu.memory_space<hbm>>
      tpu.enqueue_indirect_dma source(%dma_start3A_267 : memref<2609152x16xf32, #tpu.memory_space<hbm>>) target(%dma_start3A_261 : memref<128x16xf32, #tpu.memory_space<vmem>>) offsets(%dma_start3A_264 : memref<128xi32, #tpu.memory_space<vmem>>) semaphore(%arg12 : memref<!tpu.dma_semaphore, #tpu.memory_space<semaphore_mem>>)
      %mul3A_268 = arith.constant 26 : i32
      %mul3A_269 = arith.muli %scan3A_8, %mul3A_268 : i32
      %add3A_270 = arith.constant 20 : i32
      %add3A_271 = arith.addi %mul3A_269, %add3A_270 : i32
      %dma_start3A_272 = arith.constant 2560 : i32
      %dma_start3A_273 = arith.constant 0 : i32
      %dma_start3A_274 = tpu.memref_slice %arg8[%dma_start3A_272, %dma_start3A_273] : memref<3328x16xf32, #tpu.memory_space<vmem>> -> memref<128x16xf32, #tpu.memory_space<vmem>>
      %dma_start3A_275 = arith.constant 0 : i32
      %dma_start3A_276 = tpu.memref_slice %arg7[%add3A_271, %dma_start3A_275] : memref<104x128xi32, #tpu.memory_space<vmem>> -> memref<1x128xi32, #tpu.memory_space<vmem>>
      %dma_start3A_277 = tpu.memref_squeeze %dma_start3A_276 : memref<1x128xi32, #tpu.memory_space<vmem>> -> memref<128xi32, #tpu.memory_space<vmem>>
      %dma_start3A_278 = arith.constant 0 : i32
      %dma_start3A_279 = arith.constant 0 : i32
      %dma_start3A_280 = tpu.memref_slice %arg3[%dma_start3A_278, %dma_start3A_279] : memref<2609152x16xf32, #tpu.memory_space<hbm>> -> memref<2609152x16xf32, #tpu.memory_space<hbm>>
      tpu.enqueue_indirect_dma source(%dma_start3A_280 : memref<2609152x16xf32, #tpu.memory_space<hbm>>) target(%dma_start3A_274 : memref<128x16xf32, #tpu.memory_space<vmem>>) offsets(%dma_start3A_277 : memref<128xi32, #tpu.memory_space<vmem>>) semaphore(%arg12 : memref<!tpu.dma_semaphore, #tpu.memory_space<semaphore_mem>>)
      %mul3A_281 = arith.constant 26 : i32
      %mul3A_282 = arith.muli %scan3A_8, %mul3A_281 : i32
      %add3A_283 = arith.constant 21 : i32
      %add3A_284 = arith.addi %mul3A_282, %add3A_283 : i32
      %dma_start3A_285 = arith.constant 2688 : i32
      %dma_start3A_286 = arith.constant 0 : i32
      %dma_start3A_287 = tpu.memref_slice %arg8[%dma_start3A_285, %dma_start3A_286] : memref<3328x16xf32, #tpu.memory_space<vmem>> -> memref<128x16xf32, #tpu.memory_space<vmem>>
      %dma_start3A_288 = arith.constant 0 : i32
      %dma_start3A_289 = tpu.memref_slice %arg7[%add3A_284, %dma_start3A_288] : memref<104x128xi32, #tpu.memory_space<vmem>> -> memref<1x128xi32, #tpu.memory_space<vmem>>
      %dma_start3A_290 = tpu.memref_squeeze %dma_start3A_289 : memref<1x128xi32, #tpu.memory_space<vmem>> -> memref<128xi32, #tpu.memory_space<vmem>>
      %dma_start3A_291 = arith.constant 0 : i32
      %dma_start3A_292 = arith.constant 0 : i32
      %dma_start3A_293 = tpu.memref_slice %arg3[%dma_start3A_291, %dma_start3A_292] : memref<2609152x16xf32, #tpu.memory_space<hbm>> -> memref<2609152x16xf32, #tpu.memory_space<hbm>>
      tpu.enqueue_indirect_dma source(%dma_start3A_293 : memref<2609152x16xf32, #tpu.memory_space<hbm>>) target(%dma_start3A_287 : memref<128x16xf32, #tpu.memory_space<vmem>>) offsets(%dma_start3A_290 : memref<128xi32, #tpu.memory_space<vmem>>) semaphore(%arg12 : memref<!tpu.dma_semaphore, #tpu.memory_space<semaphore_mem>>)
      %mul3A_294 = arith.constant 26 : i32
      %mul3A_295 = arith.muli %scan3A_8, %mul3A_294 : i32
      %add3A_296 = arith.constant 22 : i32
      %add3A_297 = arith.addi %mul3A_295, %add3A_296 : i32
      %dma_start3A_298 = arith.constant 2816 : i32
      %dma_start3A_299 = arith.constant 0 : i32
      %dma_start3A_300 = tpu.memref_slice %arg8[%dma_start3A_298, %dma_start3A_299] : memref<3328x16xf32, #tpu.memory_space<vmem>> -> memref<128x16xf32, #tpu.memory_space<vmem>>
      %dma_start3A_301 = arith.constant 0 : i32
      %dma_start3A_302 = tpu.memref_slice %arg7[%add3A_297, %dma_start3A_301] : memref<104x128xi32, #tpu.memory_space<vmem>> -> memref<1x128xi32, #tpu.memory_space<vmem>>
      %dma_start3A_303 = tpu.memref_squeeze %dma_start3A_302 : memref<1x128xi32, #tpu.memory_space<vmem>> -> memref<128xi32, #tpu.memory_space<vmem>>
      %dma_start3A_304 = arith.constant 0 : i32
      %dma_start3A_305 = arith.constant 0 : i32
      %dma_start3A_306 = tpu.memref_slice %arg3[%dma_start3A_304, %dma_start3A_305] : memref<2609152x16xf32, #tpu.memory_space<hbm>> -> memref<2609152x16xf32, #tpu.memory_space<hbm>>
      tpu.enqueue_indirect_dma source(%dma_start3A_306 : memref<2609152x16xf32, #tpu.memory_space<hbm>>) target(%dma_start3A_300 : memref<128x16xf32, #tpu.memory_space<vmem>>) offsets(%dma_start3A_303 : memref<128xi32, #tpu.memory_space<vmem>>) semaphore(%arg12 : memref<!tpu.dma_semaphore, #tpu.memory_space<semaphore_mem>>)
      %mul3A_307 = arith.constant 26 : i32
      %mul3A_308 = arith.muli %scan3A_8, %mul3A_307 : i32
      %add3A_309 = arith.constant 23 : i32
      %add3A_310 = arith.addi %mul3A_308, %add3A_309 : i32
      %dma_start3A_311 = arith.constant 2944 : i32
      %dma_start3A_312 = arith.constant 0 : i32
      %dma_start3A_313 = tpu.memref_slice %arg8[%dma_start3A_311, %dma_start3A_312] : memref<3328x16xf32, #tpu.memory_space<vmem>> -> memref<128x16xf32, #tpu.memory_space<vmem>>
      %dma_start3A_314 = arith.constant 0 : i32
      %dma_start3A_315 = tpu.memref_slice %arg7[%add3A_310, %dma_start3A_314] : memref<104x128xi32, #tpu.memory_space<vmem>> -> memref<1x128xi32, #tpu.memory_space<vmem>>
      %dma_start3A_316 = tpu.memref_squeeze %dma_start3A_315 : memref<1x128xi32, #tpu.memory_space<vmem>> -> memref<128xi32, #tpu.memory_space<vmem>>
      %dma_start3A_317 = arith.constant 0 : i32
      %dma_start3A_318 = arith.constant 0 : i32
      %dma_start3A_319 = tpu.memref_slice %arg3[%dma_start3A_317, %dma_start3A_318] : memref<2609152x16xf32, #tpu.memory_space<hbm>> -> memref<2609152x16xf32, #tpu.memory_space<hbm>>
      tpu.enqueue_indirect_dma source(%dma_start3A_319 : memref<2609152x16xf32, #tpu.memory_space<hbm>>) target(%dma_start3A_313 : memref<128x16xf32, #tpu.memory_space<vmem>>) offsets(%dma_start3A_316 : memref<128xi32, #tpu.memory_space<vmem>>) semaphore(%arg12 : memref<!tpu.dma_semaphore, #tpu.memory_space<semaphore_mem>>)
      %mul3A_320 = arith.constant 26 : i32
      %mul3A_321 = arith.muli %scan3A_8, %mul3A_320 : i32
      %add3A_322 = arith.constant 24 : i32
      %add3A_323 = arith.addi %mul3A_321, %add3A_322 : i32
      %dma_start3A_324 = arith.constant 3072 : i32
      %dma_start3A_325 = arith.constant 0 : i32
      %dma_start3A_326 = tpu.memref_slice %arg8[%dma_start3A_324, %dma_start3A_325] : memref<3328x16xf32, #tpu.memory_space<vmem>> -> memref<128x16xf32, #tpu.memory_space<vmem>>
      %dma_start3A_327 = arith.constant 0 : i32
      %dma_start3A_328 = tpu.memref_slice %arg7[%add3A_323, %dma_start3A_327] : memref<104x128xi32, #tpu.memory_space<vmem>> -> memref<1x128xi32, #tpu.memory_space<vmem>>
      %dma_start3A_329 = tpu.memref_squeeze %dma_start3A_328 : memref<1x128xi32, #tpu.memory_space<vmem>> -> memref<128xi32, #tpu.memory_space<vmem>>
      %dma_start3A_330 = arith.constant 0 : i32
      %dma_start3A_331 = arith.constant 0 : i32
      %dma_start3A_332 = tpu.memref_slice %arg3[%dma_start3A_330, %dma_start3A_331] : memref<2609152x16xf32, #tpu.memory_space<hbm>> -> memref<2609152x16xf32, #tpu.memory_space<hbm>>
      tpu.enqueue_indirect_dma source(%dma_start3A_332 : memref<2609152x16xf32, #tpu.memory_space<hbm>>) target(%dma_start3A_326 : memref<128x16xf32, #tpu.memory_space<vmem>>) offsets(%dma_start3A_329 : memref<128xi32, #tpu.memory_space<vmem>>) semaphore(%arg12 : memref<!tpu.dma_semaphore, #tpu.memory_space<semaphore_mem>>)
      %mul3A_333 = arith.constant 26 : i32
      %mul3A_334 = arith.muli %scan3A_8, %mul3A_333 : i32
      %add3A_335 = arith.constant 25 : i32
      %add3A_336 = arith.addi %mul3A_334, %add3A_335 : i32
      %dma_start3A_337 = arith.constant 3200 : i32
      %dma_start3A_338 = arith.constant 0 : i32
      %dma_start3A_339 = tpu.memref_slice %arg8[%dma_start3A_337, %dma_start3A_338] : memref<3328x16xf32, #tpu.memory_space<vmem>> -> memref<128x16xf32, #tpu.memory_space<vmem>>
      %dma_start3A_340 = arith.constant 0 : i32
      %dma_start3A_341 = tpu.memref_slice %arg7[%add3A_336, %dma_start3A_340] : memref<104x128xi32, #tpu.memory_space<vmem>> -> memref<1x128xi32, #tpu.memory_space<vmem>>
      %dma_start3A_342 = tpu.memref_squeeze %dma_start3A_341 : memref<1x128xi32, #tpu.memory_space<vmem>> -> memref<128xi32, #tpu.memory_space<vmem>>
      %dma_start3A_343 = arith.constant 0 : i32
      %dma_start3A_344 = arith.constant 0 : i32
      %dma_start3A_345 = tpu.memref_slice %arg3[%dma_start3A_343, %dma_start3A_344] : memref<2609152x16xf32, #tpu.memory_space<hbm>> -> memref<2609152x16xf32, #tpu.memory_space<hbm>>
      tpu.enqueue_indirect_dma source(%dma_start3A_345 : memref<2609152x16xf32, #tpu.memory_space<hbm>>) target(%dma_start3A_339 : memref<128x16xf32, #tpu.memory_space<vmem>>) offsets(%dma_start3A_342 : memref<128xi32, #tpu.memory_space<vmem>>) semaphore(%arg12 : memref<!tpu.dma_semaphore, #tpu.memory_space<semaphore_mem>>)
      %mul3A_346 = arith.constant 512 : i32
      %mul3A_347 = arith.muli %add3A, %mul3A_346 : i32
      %mul3A_348 = arith.constant 128 : i32
      %mul3A_349 = arith.muli %scan3A_8, %mul3A_348 : i32
      %add3A_350 = arith.addi %mul3A_347, %mul3A_349 : i32
      "tpu.region"() ({
        %run_scoped3A = tpu.sem_alloc : memref<!tpu.dma_semaphore, #tpu.memory_space<semaphore_mem>>
        %dma_start3A_595 = arith.constant 0 : i32
        %dma_start3A_596 = tpu.memref_slice %arg5[%add3A_350, %dma_start3A_595] : memref<16384x16xf32, #tpu.memory_space<hbm>> -> memref<128x16xf32, #tpu.memory_space<hbm>>
        %dma_start3A_597 = arith.constant 0 : i32
        %dma_start3A_598 = tpu.memref_slice %arg5[%add3A_350, %dma_start3A_597] : memref<16384x16xf32, #tpu.memory_space<hbm>> -> memref<128x16xf32, #tpu.memory_space<hbm>>
        tpu.enqueue_dma source(%dma_start3A_598 : memref<128x16xf32, #tpu.memory_space<hbm>>) target(%arg10 : memref<128x16xf32, #tpu.memory_space<vmem>>) target_semaphore(%run_scoped3A : memref<!tpu.dma_semaphore, #tpu.memory_space<semaphore_mem>>)
        %dma_wait3A_599 = arith.constant 0 : i32
        %dma_wait3A_600 = tpu.memref_slice %arg5[%add3A_350, %dma_wait3A_599] : memref<16384x16xf32, #tpu.memory_space<hbm>> -> memref<128x16xf32, #tpu.memory_space<hbm>>
        %dma_wait3A_601 = arith.constant 0 : i32
        %dma_wait3A_602 = tpu.memref_slice %arg5[%add3A_350, %dma_wait3A_601] : memref<16384x16xf32, #tpu.memory_space<hbm>> -> memref<128x16xf32, #tpu.memory_space<hbm>>
        tpu.wait_dma2 semaphore(%run_scoped3A : memref<!tpu.dma_semaphore, #tpu.memory_space<semaphore_mem>>) src(%dma_wait3A_602 : memref<128x16xf32, #tpu.memory_space<hbm>>) dst(%arg10 : memref<128x16xf32, #tpu.memory_space<vmem>>)
        tpu.yield
      }) : () -> ()
      %dma_wait3A = arith.constant 0 : i32
      %dma_wait3A_351 = arith.constant 0 : i32
      %dma_wait3A_352 = tpu.memref_slice %arg8[%dma_wait3A, %dma_wait3A_351] : memref<3328x16xf32, #tpu.memory_space<vmem>> -> memref<128x16xf32, #tpu.memory_space<vmem>>
      %dma_wait3A_353 = arith.constant 0 : i32
      %dma_wait3A_354 = tpu.memref_slice %arg7[%add3A_12, %dma_wait3A_353] : memref<104x128xi32, #tpu.memory_space<vmem>> -> memref<1x128xi32, #tpu.memory_space<vmem>>
      %dma_wait3A_355 = tpu.memref_squeeze %dma_wait3A_354 : memref<1x128xi32, #tpu.memory_space<vmem>> -> memref<128xi32, #tpu.memory_space<vmem>>
      %dma_wait3A_356 = arith.constant 0 : i32
      %dma_wait3A_357 = arith.constant 0 : i32
      %dma_wait3A_358 = tpu.memref_slice %arg3[%dma_wait3A_356, %dma_wait3A_357] : memref<2609152x16xf32, #tpu.memory_space<hbm>> -> memref<2609152x16xf32, #tpu.memory_space<hbm>>
      tpu.wait_indirect_dma semaphore(%arg12 : memref<!tpu.dma_semaphore, #tpu.memory_space<semaphore_mem>>) src(%dma_wait3A_358 : memref<2609152x16xf32, #tpu.memory_space<hbm>>) dst(%dma_wait3A_352 : memref<128x16xf32, #tpu.memory_space<vmem>>)
      %dma_wait3A_359 = arith.constant 128 : i32
      %dma_wait3A_360 = arith.constant 0 : i32
      %dma_wait3A_361 = tpu.memref_slice %arg8[%dma_wait3A_359, %dma_wait3A_360] : memref<3328x16xf32, #tpu.memory_space<vmem>> -> memref<128x16xf32, #tpu.memory_space<vmem>>
      %dma_wait3A_362 = arith.constant 0 : i32
      %dma_wait3A_363 = tpu.memref_slice %arg7[%add3A_24, %dma_wait3A_362] : memref<104x128xi32, #tpu.memory_space<vmem>> -> memref<1x128xi32, #tpu.memory_space<vmem>>
      %dma_wait3A_364 = tpu.memref_squeeze %dma_wait3A_363 : memref<1x128xi32, #tpu.memory_space<vmem>> -> memref<128xi32, #tpu.memory_space<vmem>>
      %dma_wait3A_365 = arith.constant 0 : i32
      %dma_wait3A_366 = arith.constant 0 : i32
      %dma_wait3A_367 = tpu.memref_slice %arg3[%dma_wait3A_365, %dma_wait3A_366] : memref<2609152x16xf32, #tpu.memory_space<hbm>> -> memref<2609152x16xf32, #tpu.memory_space<hbm>>
      tpu.wait_indirect_dma semaphore(%arg12 : memref<!tpu.dma_semaphore, #tpu.memory_space<semaphore_mem>>) src(%dma_wait3A_367 : memref<2609152x16xf32, #tpu.memory_space<hbm>>) dst(%dma_wait3A_361 : memref<128x16xf32, #tpu.memory_space<vmem>>)
      %dma_wait3A_368 = arith.constant 256 : i32
      %dma_wait3A_369 = arith.constant 0 : i32
      %dma_wait3A_370 = tpu.memref_slice %arg8[%dma_wait3A_368, %dma_wait3A_369] : memref<3328x16xf32, #tpu.memory_space<vmem>> -> memref<128x16xf32, #tpu.memory_space<vmem>>
      %dma_wait3A_371 = arith.constant 0 : i32
      %dma_wait3A_372 = tpu.memref_slice %arg7[%add3A_37, %dma_wait3A_371] : memref<104x128xi32, #tpu.memory_space<vmem>> -> memref<1x128xi32, #tpu.memory_space<vmem>>
      %dma_wait3A_373 = tpu.memref_squeeze %dma_wait3A_372 : memref<1x128xi32, #tpu.memory_space<vmem>> -> memref<128xi32, #tpu.memory_space<vmem>>
      %dma_wait3A_374 = arith.constant 0 : i32
      %dma_wait3A_375 = arith.constant 0 : i32
      %dma_wait3A_376 = tpu.memref_slice %arg3[%dma_wait3A_374, %dma_wait3A_375] : memref<2609152x16xf32, #tpu.memory_space<hbm>> -> memref<2609152x16xf32, #tpu.memory_space<hbm>>
      tpu.wait_indirect_dma semaphore(%arg12 : memref<!tpu.dma_semaphore, #tpu.memory_space<semaphore_mem>>) src(%dma_wait3A_376 : memref<2609152x16xf32, #tpu.memory_space<hbm>>) dst(%dma_wait3A_370 : memref<128x16xf32, #tpu.memory_space<vmem>>)
      %dma_wait3A_377 = arith.constant 384 : i32
      %dma_wait3A_378 = arith.constant 0 : i32
      %dma_wait3A_379 = tpu.memref_slice %arg8[%dma_wait3A_377, %dma_wait3A_378] : memref<3328x16xf32, #tpu.memory_space<vmem>> -> memref<128x16xf32, #tpu.memory_space<vmem>>
      %dma_wait3A_380 = arith.constant 0 : i32
      %dma_wait3A_381 = tpu.memref_slice %arg7[%add3A_50, %dma_wait3A_380] : memref<104x128xi32, #tpu.memory_space<vmem>> -> memref<1x128xi32, #tpu.memory_space<vmem>>
      %dma_wait3A_382 = tpu.memref_squeeze %dma_wait3A_381 : memref<1x128xi32, #tpu.memory_space<vmem>> -> memref<128xi32, #tpu.memory_space<vmem>>
      %dma_wait3A_383 = arith.constant 0 : i32
      %dma_wait3A_384 = arith.constant 0 : i32
      %dma_wait3A_385 = tpu.memref_slice %arg3[%dma_wait3A_383, %dma_wait3A_384] : memref<2609152x16xf32, #tpu.memory_space<hbm>> -> memref<2609152x16xf32, #tpu.memory_space<hbm>>
      tpu.wait_indirect_dma semaphore(%arg12 : memref<!tpu.dma_semaphore, #tpu.memory_space<semaphore_mem>>) src(%dma_wait3A_385 : memref<2609152x16xf32, #tpu.memory_space<hbm>>) dst(%dma_wait3A_379 : memref<128x16xf32, #tpu.memory_space<vmem>>)
      %dma_wait3A_386 = arith.constant 512 : i32
      %dma_wait3A_387 = arith.constant 0 : i32
      %dma_wait3A_388 = tpu.memref_slice %arg8[%dma_wait3A_386, %dma_wait3A_387] : memref<3328x16xf32, #tpu.memory_space<vmem>> -> memref<128x16xf32, #tpu.memory_space<vmem>>
      %dma_wait3A_389 = arith.constant 0 : i32
      %dma_wait3A_390 = tpu.memref_slice %arg7[%add3A_63, %dma_wait3A_389] : memref<104x128xi32, #tpu.memory_space<vmem>> -> memref<1x128xi32, #tpu.memory_space<vmem>>
      %dma_wait3A_391 = tpu.memref_squeeze %dma_wait3A_390 : memref<1x128xi32, #tpu.memory_space<vmem>> -> memref<128xi32, #tpu.memory_space<vmem>>
      %dma_wait3A_392 = arith.constant 0 : i32
      %dma_wait3A_393 = arith.constant 0 : i32
      %dma_wait3A_394 = tpu.memref_slice %arg3[%dma_wait3A_392, %dma_wait3A_393] : memref<2609152x16xf32, #tpu.memory_space<hbm>> -> memref<2609152x16xf32, #tpu.memory_space<hbm>>
      tpu.wait_indirect_dma semaphore(%arg12 : memref<!tpu.dma_semaphore, #tpu.memory_space<semaphore_mem>>) src(%dma_wait3A_394 : memref<2609152x16xf32, #tpu.memory_space<hbm>>) dst(%dma_wait3A_388 : memref<128x16xf32, #tpu.memory_space<vmem>>)
      %dma_wait3A_395 = arith.constant 640 : i32
      %dma_wait3A_396 = arith.constant 0 : i32
      %dma_wait3A_397 = tpu.memref_slice %arg8[%dma_wait3A_395, %dma_wait3A_396] : memref<3328x16xf32, #tpu.memory_space<vmem>> -> memref<128x16xf32, #tpu.memory_space<vmem>>
      %dma_wait3A_398 = arith.constant 0 : i32
      %dma_wait3A_399 = tpu.memref_slice %arg7[%add3A_76, %dma_wait3A_398] : memref<104x128xi32, #tpu.memory_space<vmem>> -> memref<1x128xi32, #tpu.memory_space<vmem>>
      %dma_wait3A_400 = tpu.memref_squeeze %dma_wait3A_399 : memref<1x128xi32, #tpu.memory_space<vmem>> -> memref<128xi32, #tpu.memory_space<vmem>>
      %dma_wait3A_401 = arith.constant 0 : i32
      %dma_wait3A_402 = arith.constant 0 : i32
      %dma_wait3A_403 = tpu.memref_slice %arg3[%dma_wait3A_401, %dma_wait3A_402] : memref<2609152x16xf32, #tpu.memory_space<hbm>> -> memref<2609152x16xf32, #tpu.memory_space<hbm>>
      tpu.wait_indirect_dma semaphore(%arg12 : memref<!tpu.dma_semaphore, #tpu.memory_space<semaphore_mem>>) src(%dma_wait3A_403 : memref<2609152x16xf32, #tpu.memory_space<hbm>>) dst(%dma_wait3A_397 : memref<128x16xf32, #tpu.memory_space<vmem>>)
      %dma_wait3A_404 = arith.constant 768 : i32
      %dma_wait3A_405 = arith.constant 0 : i32
      %dma_wait3A_406 = tpu.memref_slice %arg8[%dma_wait3A_404, %dma_wait3A_405] : memref<3328x16xf32, #tpu.memory_space<vmem>> -> memref<128x16xf32, #tpu.memory_space<vmem>>
      %dma_wait3A_407 = arith.constant 0 : i32
      %dma_wait3A_408 = tpu.memref_slice %arg7[%add3A_89, %dma_wait3A_407] : memref<104x128xi32, #tpu.memory_space<vmem>> -> memref<1x128xi32, #tpu.memory_space<vmem>>
      %dma_wait3A_409 = tpu.memref_squeeze %dma_wait3A_408 : memref<1x128xi32, #tpu.memory_space<vmem>> -> memref<128xi32, #tpu.memory_space<vmem>>
      %dma_wait3A_410 = arith.constant 0 : i32
      %dma_wait3A_411 = arith.constant 0 : i32
      %dma_wait3A_412 = tpu.memref_slice %arg3[%dma_wait3A_410, %dma_wait3A_411] : memref<2609152x16xf32, #tpu.memory_space<hbm>> -> memref<2609152x16xf32, #tpu.memory_space<hbm>>
      tpu.wait_indirect_dma semaphore(%arg12 : memref<!tpu.dma_semaphore, #tpu.memory_space<semaphore_mem>>) src(%dma_wait3A_412 : memref<2609152x16xf32, #tpu.memory_space<hbm>>) dst(%dma_wait3A_406 : memref<128x16xf32, #tpu.memory_space<vmem>>)
      %dma_wait3A_413 = arith.constant 896 : i32
      %dma_wait3A_414 = arith.constant 0 : i32
      %dma_wait3A_415 = tpu.memref_slice %arg8[%dma_wait3A_413, %dma_wait3A_414] : memref<3328x16xf32, #tpu.memory_space<vmem>> -> memref<128x16xf32, #tpu.memory_space<vmem>>
      %dma_wait3A_416 = arith.constant 0 : i32
      %dma_wait3A_417 = tpu.memref_slice %arg7[%add3A_102, %dma_wait3A_416] : memref<104x128xi32, #tpu.memory_space<vmem>> -> memref<1x128xi32, #tpu.memory_space<vmem>>
      %dma_wait3A_418 = tpu.memref_squeeze %dma_wait3A_417 : memref<1x128xi32, #tpu.memory_space<vmem>> -> memref<128xi32, #tpu.memory_space<vmem>>
      %dma_wait3A_419 = arith.constant 0 : i32
      %dma_wait3A_420 = arith.constant 0 : i32
      %dma_wait3A_421 = tpu.memref_slice %arg3[%dma_wait3A_419, %dma_wait3A_420] : memref<2609152x16xf32, #tpu.memory_space<hbm>> -> memref<2609152x16xf32, #tpu.memory_space<hbm>>
      tpu.wait_indirect_dma semaphore(%arg12 : memref<!tpu.dma_semaphore, #tpu.memory_space<semaphore_mem>>) src(%dma_wait3A_421 : memref<2609152x16xf32, #tpu.memory_space<hbm>>) dst(%dma_wait3A_415 : memref<128x16xf32, #tpu.memory_space<vmem>>)
      %dma_wait3A_422 = arith.constant 1024 : i32
      %dma_wait3A_423 = arith.constant 0 : i32
      %dma_wait3A_424 = tpu.memref_slice %arg8[%dma_wait3A_422, %dma_wait3A_423] : memref<3328x16xf32, #tpu.memory_space<vmem>> -> memref<128x16xf32, #tpu.memory_space<vmem>>
      %dma_wait3A_425 = arith.constant 0 : i32
      %dma_wait3A_426 = tpu.memref_slice %arg7[%add3A_115, %dma_wait3A_425] : memref<104x128xi32, #tpu.memory_space<vmem>> -> memref<1x128xi32, #tpu.memory_space<vmem>>
      %dma_wait3A_427 = tpu.memref_squeeze %dma_wait3A_426 : memref<1x128xi32, #tpu.memory_space<vmem>> -> memref<128xi32, #tpu.memory_space<vmem>>
      %dma_wait3A_428 = arith.constant 0 : i32
      %dma_wait3A_429 = arith.constant 0 : i32
      %dma_wait3A_430 = tpu.memref_slice %arg3[%dma_wait3A_428, %dma_wait3A_429] : memref<2609152x16xf32, #tpu.memory_space<hbm>> -> memref<2609152x16xf32, #tpu.memory_space<hbm>>
      tpu.wait_indirect_dma semaphore(%arg12 : memref<!tpu.dma_semaphore, #tpu.memory_space<semaphore_mem>>) src(%dma_wait3A_430 : memref<2609152x16xf32, #tpu.memory_space<hbm>>) dst(%dma_wait3A_424 : memref<128x16xf32, #tpu.memory_space<vmem>>)
      %dma_wait3A_431 = arith.constant 1152 : i32
      %dma_wait3A_432 = arith.constant 0 : i32
      %dma_wait3A_433 = tpu.memref_slice %arg8[%dma_wait3A_431, %dma_wait3A_432] : memref<3328x16xf32, #tpu.memory_space<vmem>> -> memref<128x16xf32, #tpu.memory_space<vmem>>
      %dma_wait3A_434 = arith.constant 0 : i32
      %dma_wait3A_435 = tpu.memref_slice %arg7[%add3A_128, %dma_wait3A_434] : memref<104x128xi32, #tpu.memory_space<vmem>> -> memref<1x128xi32, #tpu.memory_space<vmem>>
      %dma_wait3A_436 = tpu.memref_squeeze %dma_wait3A_435 : memref<1x128xi32, #tpu.memory_space<vmem>> -> memref<128xi32, #tpu.memory_space<vmem>>
      %dma_wait3A_437 = arith.constant 0 : i32
      %dma_wait3A_438 = arith.constant 0 : i32
      %dma_wait3A_439 = tpu.memref_slice %arg3[%dma_wait3A_437, %dma_wait3A_438] : memref<2609152x16xf32, #tpu.memory_space<hbm>> -> memref<2609152x16xf32, #tpu.memory_space<hbm>>
      tpu.wait_indirect_dma semaphore(%arg12 : memref<!tpu.dma_semaphore, #tpu.memory_space<semaphore_mem>>) src(%dma_wait3A_439 : memref<2609152x16xf32, #tpu.memory_space<hbm>>) dst(%dma_wait3A_433 : memref<128x16xf32, #tpu.memory_space<vmem>>)
      %dma_wait3A_440 = arith.constant 1280 : i32
      %dma_wait3A_441 = arith.constant 0 : i32
      %dma_wait3A_442 = tpu.memref_slice %arg8[%dma_wait3A_440, %dma_wait3A_441] : memref<3328x16xf32, #tpu.memory_space<vmem>> -> memref<128x16xf32, #tpu.memory_space<vmem>>
      %dma_wait3A_443 = arith.constant 0 : i32
      %dma_wait3A_444 = tpu.memref_slice %arg7[%add3A_141, %dma_wait3A_443] : memref<104x128xi32, #tpu.memory_space<vmem>> -> memref<1x128xi32, #tpu.memory_space<vmem>>
      %dma_wait3A_445 = tpu.memref_squeeze %dma_wait3A_444 : memref<1x128xi32, #tpu.memory_space<vmem>> -> memref<128xi32, #tpu.memory_space<vmem>>
      %dma_wait3A_446 = arith.constant 0 : i32
      %dma_wait3A_447 = arith.constant 0 : i32
      %dma_wait3A_448 = tpu.memref_slice %arg3[%dma_wait3A_446, %dma_wait3A_447] : memref<2609152x16xf32, #tpu.memory_space<hbm>> -> memref<2609152x16xf32, #tpu.memory_space<hbm>>
      tpu.wait_indirect_dma semaphore(%arg12 : memref<!tpu.dma_semaphore, #tpu.memory_space<semaphore_mem>>) src(%dma_wait3A_448 : memref<2609152x16xf32, #tpu.memory_space<hbm>>) dst(%dma_wait3A_442 : memref<128x16xf32, #tpu.memory_space<vmem>>)
      %dma_wait3A_449 = arith.constant 1408 : i32
      %dma_wait3A_450 = arith.constant 0 : i32
      %dma_wait3A_451 = tpu.memref_slice %arg8[%dma_wait3A_449, %dma_wait3A_450] : memref<3328x16xf32, #tpu.memory_space<vmem>> -> memref<128x16xf32, #tpu.memory_space<vmem>>
      %dma_wait3A_452 = arith.constant 0 : i32
      %dma_wait3A_453 = tpu.memref_slice %arg7[%add3A_154, %dma_wait3A_452] : memref<104x128xi32, #tpu.memory_space<vmem>> -> memref<1x128xi32, #tpu.memory_space<vmem>>
      %dma_wait3A_454 = tpu.memref_squeeze %dma_wait3A_453 : memref<1x128xi32, #tpu.memory_space<vmem>> -> memref<128xi32, #tpu.memory_space<vmem>>
      %dma_wait3A_455 = arith.constant 0 : i32
      %dma_wait3A_456 = arith.constant 0 : i32
      %dma_wait3A_457 = tpu.memref_slice %arg3[%dma_wait3A_455, %dma_wait3A_456] : memref<2609152x16xf32, #tpu.memory_space<hbm>> -> memref<2609152x16xf32, #tpu.memory_space<hbm>>
      tpu.wait_indirect_dma semaphore(%arg12 : memref<!tpu.dma_semaphore, #tpu.memory_space<semaphore_mem>>) src(%dma_wait3A_457 : memref<2609152x16xf32, #tpu.memory_space<hbm>>) dst(%dma_wait3A_451 : memref<128x16xf32, #tpu.memory_space<vmem>>)
      %dma_wait3A_458 = arith.constant 1536 : i32
      %dma_wait3A_459 = arith.constant 0 : i32
      %dma_wait3A_460 = tpu.memref_slice %arg8[%dma_wait3A_458, %dma_wait3A_459] : memref<3328x16xf32, #tpu.memory_space<vmem>> -> memref<128x16xf32, #tpu.memory_space<vmem>>
      %dma_wait3A_461 = arith.constant 0 : i32
      %dma_wait3A_462 = tpu.memref_slice %arg7[%add3A_167, %dma_wait3A_461] : memref<104x128xi32, #tpu.memory_space<vmem>> -> memref<1x128xi32, #tpu.memory_space<vmem>>
      %dma_wait3A_463 = tpu.memref_squeeze %dma_wait3A_462 : memref<1x128xi32, #tpu.memory_space<vmem>> -> memref<128xi32, #tpu.memory_space<vmem>>
      %dma_wait3A_464 = arith.constant 0 : i32
      %dma_wait3A_465 = arith.constant 0 : i32
      %dma_wait3A_466 = tpu.memref_slice %arg3[%dma_wait3A_464, %dma_wait3A_465] : memref<2609152x16xf32, #tpu.memory_space<hbm>> -> memref<2609152x16xf32, #tpu.memory_space<hbm>>
      tpu.wait_indirect_dma semaphore(%arg12 : memref<!tpu.dma_semaphore, #tpu.memory_space<semaphore_mem>>) src(%dma_wait3A_466 : memref<2609152x16xf32, #tpu.memory_space<hbm>>) dst(%dma_wait3A_460 : memref<128x16xf32, #tpu.memory_space<vmem>>)
      %dma_wait3A_467 = arith.constant 1664 : i32
      %dma_wait3A_468 = arith.constant 0 : i32
      %dma_wait3A_469 = tpu.memref_slice %arg8[%dma_wait3A_467, %dma_wait3A_468] : memref<3328x16xf32, #tpu.memory_space<vmem>> -> memref<128x16xf32, #tpu.memory_space<vmem>>
      %dma_wait3A_470 = arith.constant 0 : i32
      %dma_wait3A_471 = tpu.memref_slice %arg7[%add3A_180, %dma_wait3A_470] : memref<104x128xi32, #tpu.memory_space<vmem>> -> memref<1x128xi32, #tpu.memory_space<vmem>>
      %dma_wait3A_472 = tpu.memref_squeeze %dma_wait3A_471 : memref<1x128xi32, #tpu.memory_space<vmem>> -> memref<128xi32, #tpu.memory_space<vmem>>
      %dma_wait3A_473 = arith.constant 0 : i32
      %dma_wait3A_474 = arith.constant 0 : i32
      %dma_wait3A_475 = tpu.memref_slice %arg3[%dma_wait3A_473, %dma_wait3A_474] : memref<2609152x16xf32, #tpu.memory_space<hbm>> -> memref<2609152x16xf32, #tpu.memory_space<hbm>>
      tpu.wait_indirect_dma semaphore(%arg12 : memref<!tpu.dma_semaphore, #tpu.memory_space<semaphore_mem>>) src(%dma_wait3A_475 : memref<2609152x16xf32, #tpu.memory_space<hbm>>) dst(%dma_wait3A_469 : memref<128x16xf32, #tpu.memory_space<vmem>>)
      %dma_wait3A_476 = arith.constant 1792 : i32
      %dma_wait3A_477 = arith.constant 0 : i32
      %dma_wait3A_478 = tpu.memref_slice %arg8[%dma_wait3A_476, %dma_wait3A_477] : memref<3328x16xf32, #tpu.memory_space<vmem>> -> memref<128x16xf32, #tpu.memory_space<vmem>>
      %dma_wait3A_479 = arith.constant 0 : i32
      %dma_wait3A_480 = tpu.memref_slice %arg7[%add3A_193, %dma_wait3A_479] : memref<104x128xi32, #tpu.memory_space<vmem>> -> memref<1x128xi32, #tpu.memory_space<vmem>>
      %dma_wait3A_481 = tpu.memref_squeeze %dma_wait3A_480 : memref<1x128xi32, #tpu.memory_space<vmem>> -> memref<128xi32, #tpu.memory_space<vmem>>
      %dma_wait3A_482 = arith.constant 0 : i32
      %dma_wait3A_483 = arith.constant 0 : i32
      %dma_wait3A_484 = tpu.memref_slice %arg3[%dma_wait3A_482, %dma_wait3A_483] : memref<2609152x16xf32, #tpu.memory_space<hbm>> -> memref<2609152x16xf32, #tpu.memory_space<hbm>>
      tpu.wait_indirect_dma semaphore(%arg12 : memref<!tpu.dma_semaphore, #tpu.memory_space<semaphore_mem>>) src(%dma_wait3A_484 : memref<2609152x16xf32, #tpu.memory_space<hbm>>) dst(%dma_wait3A_478 : memref<128x16xf32, #tpu.memory_space<vmem>>)
      %dma_wait3A_485 = arith.constant 1920 : i32
      %dma_wait3A_486 = arith.constant 0 : i32
      %dma_wait3A_487 = tpu.memref_slice %arg8[%dma_wait3A_485, %dma_wait3A_486] : memref<3328x16xf32, #tpu.memory_space<vmem>> -> memref<128x16xf32, #tpu.memory_space<vmem>>
      %dma_wait3A_488 = arith.constant 0 : i32
      %dma_wait3A_489 = tpu.memref_slice %arg7[%add3A_206, %dma_wait3A_488] : memref<104x128xi32, #tpu.memory_space<vmem>> -> memref<1x128xi32, #tpu.memory_space<vmem>>
      %dma_wait3A_490 = tpu.memref_squeeze %dma_wait3A_489 : memref<1x128xi32, #tpu.memory_space<vmem>> -> memref<128xi32, #tpu.memory_space<vmem>>
      %dma_wait3A_491 = arith.constant 0 : i32
      %dma_wait3A_492 = arith.constant 0 : i32
      %dma_wait3A_493 = tpu.memref_slice %arg3[%dma_wait3A_491, %dma_wait3A_492] : memref<2609152x16xf32, #tpu.memory_space<hbm>> -> memref<2609152x16xf32, #tpu.memory_space<hbm>>
      tpu.wait_indirect_dma semaphore(%arg12 : memref<!tpu.dma_semaphore, #tpu.memory_space<semaphore_mem>>) src(%dma_wait3A_493 : memref<2609152x16xf32, #tpu.memory_space<hbm>>) dst(%dma_wait3A_487 : memref<128x16xf32, #tpu.memory_space<vmem>>)
      %dma_wait3A_494 = arith.constant 2048 : i32
      %dma_wait3A_495 = arith.constant 0 : i32
      %dma_wait3A_496 = tpu.memref_slice %arg8[%dma_wait3A_494, %dma_wait3A_495] : memref<3328x16xf32, #tpu.memory_space<vmem>> -> memref<128x16xf32, #tpu.memory_space<vmem>>
      %dma_wait3A_497 = arith.constant 0 : i32
      %dma_wait3A_498 = tpu.memref_slice %arg7[%add3A_219, %dma_wait3A_497] : memref<104x128xi32, #tpu.memory_space<vmem>> -> memref<1x128xi32, #tpu.memory_space<vmem>>
      %dma_wait3A_499 = tpu.memref_squeeze %dma_wait3A_498 : memref<1x128xi32, #tpu.memory_space<vmem>> -> memref<128xi32, #tpu.memory_space<vmem>>
      %dma_wait3A_500 = arith.constant 0 : i32
      %dma_wait3A_501 = arith.constant 0 : i32
      %dma_wait3A_502 = tpu.memref_slice %arg3[%dma_wait3A_500, %dma_wait3A_501] : memref<2609152x16xf32, #tpu.memory_space<hbm>> -> memref<2609152x16xf32, #tpu.memory_space<hbm>>
      tpu.wait_indirect_dma semaphore(%arg12 : memref<!tpu.dma_semaphore, #tpu.memory_space<semaphore_mem>>) src(%dma_wait3A_502 : memref<2609152x16xf32, #tpu.memory_space<hbm>>) dst(%dma_wait3A_496 : memref<128x16xf32, #tpu.memory_space<vmem>>)
      %dma_wait3A_503 = arith.constant 2176 : i32
      %dma_wait3A_504 = arith.constant 0 : i32
      %dma_wait3A_505 = tpu.memref_slice %arg8[%dma_wait3A_503, %dma_wait3A_504] : memref<3328x16xf32, #tpu.memory_space<vmem>> -> memref<128x16xf32, #tpu.memory_space<vmem>>
      %dma_wait3A_506 = arith.constant 0 : i32
      %dma_wait3A_507 = tpu.memref_slice %arg7[%add3A_232, %dma_wait3A_506] : memref<104x128xi32, #tpu.memory_space<vmem>> -> memref<1x128xi32, #tpu.memory_space<vmem>>
      %dma_wait3A_508 = tpu.memref_squeeze %dma_wait3A_507 : memref<1x128xi32, #tpu.memory_space<vmem>> -> memref<128xi32, #tpu.memory_space<vmem>>
      %dma_wait3A_509 = arith.constant 0 : i32
      %dma_wait3A_510 = arith.constant 0 : i32
      %dma_wait3A_511 = tpu.memref_slice %arg3[%dma_wait3A_509, %dma_wait3A_510] : memref<2609152x16xf32, #tpu.memory_space<hbm>> -> memref<2609152x16xf32, #tpu.memory_space<hbm>>
      tpu.wait_indirect_dma semaphore(%arg12 : memref<!tpu.dma_semaphore, #tpu.memory_space<semaphore_mem>>) src(%dma_wait3A_511 : memref<2609152x16xf32, #tpu.memory_space<hbm>>) dst(%dma_wait3A_505 : memref<128x16xf32, #tpu.memory_space<vmem>>)
      %dma_wait3A_512 = arith.constant 2304 : i32
      %dma_wait3A_513 = arith.constant 0 : i32
      %dma_wait3A_514 = tpu.memref_slice %arg8[%dma_wait3A_512, %dma_wait3A_513] : memref<3328x16xf32, #tpu.memory_space<vmem>> -> memref<128x16xf32, #tpu.memory_space<vmem>>
      %dma_wait3A_515 = arith.constant 0 : i32
      %dma_wait3A_516 = tpu.memref_slice %arg7[%add3A_245, %dma_wait3A_515] : memref<104x128xi32, #tpu.memory_space<vmem>> -> memref<1x128xi32, #tpu.memory_space<vmem>>
      %dma_wait3A_517 = tpu.memref_squeeze %dma_wait3A_516 : memref<1x128xi32, #tpu.memory_space<vmem>> -> memref<128xi32, #tpu.memory_space<vmem>>
      %dma_wait3A_518 = arith.constant 0 : i32
      %dma_wait3A_519 = arith.constant 0 : i32
      %dma_wait3A_520 = tpu.memref_slice %arg3[%dma_wait3A_518, %dma_wait3A_519] : memref<2609152x16xf32, #tpu.memory_space<hbm>> -> memref<2609152x16xf32, #tpu.memory_space<hbm>>
      tpu.wait_indirect_dma semaphore(%arg12 : memref<!tpu.dma_semaphore, #tpu.memory_space<semaphore_mem>>) src(%dma_wait3A_520 : memref<2609152x16xf32, #tpu.memory_space<hbm>>) dst(%dma_wait3A_514 : memref<128x16xf32, #tpu.memory_space<vmem>>)
      %dma_wait3A_521 = arith.constant 2432 : i32
      %dma_wait3A_522 = arith.constant 0 : i32
      %dma_wait3A_523 = tpu.memref_slice %arg8[%dma_wait3A_521, %dma_wait3A_522] : memref<3328x16xf32, #tpu.memory_space<vmem>> -> memref<128x16xf32, #tpu.memory_space<vmem>>
      %dma_wait3A_524 = arith.constant 0 : i32
      %dma_wait3A_525 = tpu.memref_slice %arg7[%add3A_258, %dma_wait3A_524] : memref<104x128xi32, #tpu.memory_space<vmem>> -> memref<1x128xi32, #tpu.memory_space<vmem>>
      %dma_wait3A_526 = tpu.memref_squeeze %dma_wait3A_525 : memref<1x128xi32, #tpu.memory_space<vmem>> -> memref<128xi32, #tpu.memory_space<vmem>>
      %dma_wait3A_527 = arith.constant 0 : i32
      %dma_wait3A_528 = arith.constant 0 : i32
      %dma_wait3A_529 = tpu.memref_slice %arg3[%dma_wait3A_527, %dma_wait3A_528] : memref<2609152x16xf32, #tpu.memory_space<hbm>> -> memref<2609152x16xf32, #tpu.memory_space<hbm>>
      tpu.wait_indirect_dma semaphore(%arg12 : memref<!tpu.dma_semaphore, #tpu.memory_space<semaphore_mem>>) src(%dma_wait3A_529 : memref<2609152x16xf32, #tpu.memory_space<hbm>>) dst(%dma_wait3A_523 : memref<128x16xf32, #tpu.memory_space<vmem>>)
      %dma_wait3A_530 = arith.constant 2560 : i32
      %dma_wait3A_531 = arith.constant 0 : i32
      %dma_wait3A_532 = tpu.memref_slice %arg8[%dma_wait3A_530, %dma_wait3A_531] : memref<3328x16xf32, #tpu.memory_space<vmem>> -> memref<128x16xf32, #tpu.memory_space<vmem>>
      %dma_wait3A_533 = arith.constant 0 : i32
      %dma_wait3A_534 = tpu.memref_slice %arg7[%add3A_271, %dma_wait3A_533] : memref<104x128xi32, #tpu.memory_space<vmem>> -> memref<1x128xi32, #tpu.memory_space<vmem>>
      %dma_wait3A_535 = tpu.memref_squeeze %dma_wait3A_534 : memref<1x128xi32, #tpu.memory_space<vmem>> -> memref<128xi32, #tpu.memory_space<vmem>>
      %dma_wait3A_536 = arith.constant 0 : i32
      %dma_wait3A_537 = arith.constant 0 : i32
      %dma_wait3A_538 = tpu.memref_slice %arg3[%dma_wait3A_536, %dma_wait3A_537] : memref<2609152x16xf32, #tpu.memory_space<hbm>> -> memref<2609152x16xf32, #tpu.memory_space<hbm>>
      tpu.wait_indirect_dma semaphore(%arg12 : memref<!tpu.dma_semaphore, #tpu.memory_space<semaphore_mem>>) src(%dma_wait3A_538 : memref<2609152x16xf32, #tpu.memory_space<hbm>>) dst(%dma_wait3A_532 : memref<128x16xf32, #tpu.memory_space<vmem>>)
      %dma_wait3A_539 = arith.constant 2688 : i32
      %dma_wait3A_540 = arith.constant 0 : i32
      %dma_wait3A_541 = tpu.memref_slice %arg8[%dma_wait3A_539, %dma_wait3A_540] : memref<3328x16xf32, #tpu.memory_space<vmem>> -> memref<128x16xf32, #tpu.memory_space<vmem>>
      %dma_wait3A_542 = arith.constant 0 : i32
      %dma_wait3A_543 = tpu.memref_slice %arg7[%add3A_284, %dma_wait3A_542] : memref<104x128xi32, #tpu.memory_space<vmem>> -> memref<1x128xi32, #tpu.memory_space<vmem>>
      %dma_wait3A_544 = tpu.memref_squeeze %dma_wait3A_543 : memref<1x128xi32, #tpu.memory_space<vmem>> -> memref<128xi32, #tpu.memory_space<vmem>>
      %dma_wait3A_545 = arith.constant 0 : i32
      %dma_wait3A_546 = arith.constant 0 : i32
      %dma_wait3A_547 = tpu.memref_slice %arg3[%dma_wait3A_545, %dma_wait3A_546] : memref<2609152x16xf32, #tpu.memory_space<hbm>> -> memref<2609152x16xf32, #tpu.memory_space<hbm>>
      tpu.wait_indirect_dma semaphore(%arg12 : memref<!tpu.dma_semaphore, #tpu.memory_space<semaphore_mem>>) src(%dma_wait3A_547 : memref<2609152x16xf32, #tpu.memory_space<hbm>>) dst(%dma_wait3A_541 : memref<128x16xf32, #tpu.memory_space<vmem>>)
      %dma_wait3A_548 = arith.constant 2816 : i32
      %dma_wait3A_549 = arith.constant 0 : i32
      %dma_wait3A_550 = tpu.memref_slice %arg8[%dma_wait3A_548, %dma_wait3A_549] : memref<3328x16xf32, #tpu.memory_space<vmem>> -> memref<128x16xf32, #tpu.memory_space<vmem>>
      %dma_wait3A_551 = arith.constant 0 : i32
      %dma_wait3A_552 = tpu.memref_slice %arg7[%add3A_297, %dma_wait3A_551] : memref<104x128xi32, #tpu.memory_space<vmem>> -> memref<1x128xi32, #tpu.memory_space<vmem>>
      %dma_wait3A_553 = tpu.memref_squeeze %dma_wait3A_552 : memref<1x128xi32, #tpu.memory_space<vmem>> -> memref<128xi32, #tpu.memory_space<vmem>>
      %dma_wait3A_554 = arith.constant 0 : i32
      %dma_wait3A_555 = arith.constant 0 : i32
      %dma_wait3A_556 = tpu.memref_slice %arg3[%dma_wait3A_554, %dma_wait3A_555] : memref<2609152x16xf32, #tpu.memory_space<hbm>> -> memref<2609152x16xf32, #tpu.memory_space<hbm>>
      tpu.wait_indirect_dma semaphore(%arg12 : memref<!tpu.dma_semaphore, #tpu.memory_space<semaphore_mem>>) src(%dma_wait3A_556 : memref<2609152x16xf32, #tpu.memory_space<hbm>>) dst(%dma_wait3A_550 : memref<128x16xf32, #tpu.memory_space<vmem>>)
      %dma_wait3A_557 = arith.constant 2944 : i32
      %dma_wait3A_558 = arith.constant 0 : i32
      %dma_wait3A_559 = tpu.memref_slice %arg8[%dma_wait3A_557, %dma_wait3A_558] : memref<3328x16xf32, #tpu.memory_space<vmem>> -> memref<128x16xf32, #tpu.memory_space<vmem>>
      %dma_wait3A_560 = arith.constant 0 : i32
      %dma_wait3A_561 = tpu.memref_slice %arg7[%add3A_310, %dma_wait3A_560] : memref<104x128xi32, #tpu.memory_space<vmem>> -> memref<1x128xi32, #tpu.memory_space<vmem>>
      %dma_wait3A_562 = tpu.memref_squeeze %dma_wait3A_561 : memref<1x128xi32, #tpu.memory_space<vmem>> -> memref<128xi32, #tpu.memory_space<vmem>>
      %dma_wait3A_563 = arith.constant 0 : i32
      %dma_wait3A_564 = arith.constant 0 : i32
      %dma_wait3A_565 = tpu.memref_slice %arg3[%dma_wait3A_563, %dma_wait3A_564] : memref<2609152x16xf32, #tpu.memory_space<hbm>> -> memref<2609152x16xf32, #tpu.memory_space<hbm>>
      tpu.wait_indirect_dma semaphore(%arg12 : memref<!tpu.dma_semaphore, #tpu.memory_space<semaphore_mem>>) src(%dma_wait3A_565 : memref<2609152x16xf32, #tpu.memory_space<hbm>>) dst(%dma_wait3A_559 : memref<128x16xf32, #tpu.memory_space<vmem>>)
      %dma_wait3A_566 = arith.constant 3072 : i32
      %dma_wait3A_567 = arith.constant 0 : i32
      %dma_wait3A_568 = tpu.memref_slice %arg8[%dma_wait3A_566, %dma_wait3A_567] : memref<3328x16xf32, #tpu.memory_space<vmem>> -> memref<128x16xf32, #tpu.memory_space<vmem>>
      %dma_wait3A_569 = arith.constant 0 : i32
      %dma_wait3A_570 = tpu.memref_slice %arg7[%add3A_323, %dma_wait3A_569] : memref<104x128xi32, #tpu.memory_space<vmem>> -> memref<1x128xi32, #tpu.memory_space<vmem>>
      %dma_wait3A_571 = tpu.memref_squeeze %dma_wait3A_570 : memref<1x128xi32, #tpu.memory_space<vmem>> -> memref<128xi32, #tpu.memory_space<vmem>>
      %dma_wait3A_572 = arith.constant 0 : i32
      %dma_wait3A_573 = arith.constant 0 : i32
      %dma_wait3A_574 = tpu.memref_slice %arg3[%dma_wait3A_572, %dma_wait3A_573] : memref<2609152x16xf32, #tpu.memory_space<hbm>> -> memref<2609152x16xf32, #tpu.memory_space<hbm>>
      tpu.wait_indirect_dma semaphore(%arg12 : memref<!tpu.dma_semaphore, #tpu.memory_space<semaphore_mem>>) src(%dma_wait3A_574 : memref<2609152x16xf32, #tpu.memory_space<hbm>>) dst(%dma_wait3A_568 : memref<128x16xf32, #tpu.memory_space<vmem>>)
      %dma_wait3A_575 = arith.constant 3200 : i32
      %dma_wait3A_576 = arith.constant 0 : i32
      %dma_wait3A_577 = tpu.memref_slice %arg8[%dma_wait3A_575, %dma_wait3A_576] : memref<3328x16xf32, #tpu.memory_space<vmem>> -> memref<128x16xf32, #tpu.memory_space<vmem>>
      %dma_wait3A_578 = arith.constant 0 : i32
      %dma_wait3A_579 = tpu.memref_slice %arg7[%add3A_336, %dma_wait3A_578] : memref<104x128xi32, #tpu.memory_space<vmem>> -> memref<1x128xi32, #tpu.memory_space<vmem>>
      %dma_wait3A_580 = tpu.memref_squeeze %dma_wait3A_579 : memref<1x128xi32, #tpu.memory_space<vmem>> -> memref<128xi32, #tpu.memory_space<vmem>>
      %dma_wait3A_581 = arith.constant 0 : i32
      %dma_wait3A_582 = arith.constant 0 : i32
      %dma_wait3A_583 = tpu.memref_slice %arg3[%dma_wait3A_581, %dma_wait3A_582] : memref<2609152x16xf32, #tpu.memory_space<hbm>> -> memref<2609152x16xf32, #tpu.memory_space<hbm>>
      tpu.wait_indirect_dma semaphore(%arg12 : memref<!tpu.dma_semaphore, #tpu.memory_space<semaphore_mem>>) src(%dma_wait3A_583 : memref<2609152x16xf32, #tpu.memory_space<hbm>>) dst(%dma_wait3A_577 : memref<128x16xf32, #tpu.memory_space<vmem>>)
      %iota3A = tpu.iota {dimensions = array<i32: 0>} : vector<16xi32>
      %scan3A_584 = arith.constant 0 : i32
      %scan3A_585 = arith.constant 0 : i32
      %scan3A_586 = arith.constant 128 : i32
      %scan3A_587 = arith.addi %scan3A_585, %scan3A_586 : i32
      %scan3A_588 = arith.constant 1 : i32
      scf.for %scan3A_595 = %scan3A_585 to %scan3A_587 step %scan3A_588  : i32 {
        %mul3A_596 = arith.constant 26 : i32
        %mul3A_597 = arith.muli %scan3A_595, %mul3A_596 : i32
        %get3A = arith.constant 0 : index
        %get3A_598 = tpu.vector_load %arg11[%get3A] {strides = array<i32>} : memref<16xf32, #tpu.memory_space<vmem>>, vector<16xf32>,
        %get3A_599 = vector.shape_cast %get3A_598 : vector<16xf32> to vector<16xf32>
        %add3A_600 = arith.constant 0 : i32
        %add3A_601 = arith.addi %mul3A_597, %add3A_600 : i32
        %get3A_602 = arith.index_cast %add3A_601 : i32 to index
        %get3A_603 = arith.constant 0 : index
        %get3A_604 = tpu.vector_load %arg8[%get3A_602, %get3A_603] {strides = array<i32>} : memref<3328x16xf32, #tpu.memory_space<vmem>>, vector<1x16xf32>,
        %get3A_605 = vector.shape_cast %get3A_604 : vector<1x16xf32> to vector<16xf32>
        %add3A_606 = arith.addf %get3A_599, %get3A_605 : vector<16xf32>
        %add3A_607 = arith.constant 1 : i32
        %add3A_608 = arith.addi %mul3A_597, %add3A_607 : i32
        %get3A_609 = arith.index_cast %add3A_608 : i32 to index
        %get3A_610 = arith.constant 0 : index
        %get3A_611 = tpu.vector_load %arg8[%get3A_609, %get3A_610] {strides = array<i32>} : memref<3328x16xf32, #tpu.memory_space<vmem>>, vector<1x16xf32>,
        %get3A_612 = vector.shape_cast %get3A_611 : vector<1x16xf32> to vector<16xf32>
        %add3A_613 = arith.addf %add3A_606, %get3A_612 : vector<16xf32>
        %add3A_614 = arith.constant 2 : i32
        %add3A_615 = arith.addi %mul3A_597, %add3A_614 : i32
        %get3A_616 = arith.index_cast %add3A_615 : i32 to index
        %get3A_617 = arith.constant 0 : index
        %get3A_618 = tpu.vector_load %arg8[%get3A_616, %get3A_617] {strides = array<i32>} : memref<3328x16xf32, #tpu.memory_space<vmem>>, vector<1x16xf32>,
        %get3A_619 = vector.shape_cast %get3A_618 : vector<1x16xf32> to vector<16xf32>
        %add3A_620 = arith.addf %add3A_613, %get3A_619 : vector<16xf32>
        %add3A_621 = arith.constant 3 : i32
        %add3A_622 = arith.addi %mul3A_597, %add3A_621 : i32
        %get3A_623 = arith.index_cast %add3A_622 : i32 to index
        %get3A_624 = arith.constant 0 : index
        %get3A_625 = tpu.vector_load %arg8[%get3A_623, %get3A_624] {strides = array<i32>} : memref<3328x16xf32, #tpu.memory_space<vmem>>, vector<1x16xf32>,
        %get3A_626 = vector.shape_cast %get3A_625 : vector<1x16xf32> to vector<16xf32>
        %add3A_627 = arith.addf %add3A_620, %get3A_626 : vector<16xf32>
        %add3A_628 = arith.constant 4 : i32
        %add3A_629 = arith.addi %mul3A_597, %add3A_628 : i32
        %get3A_630 = arith.index_cast %add3A_629 : i32 to index
        %get3A_631 = arith.constant 0 : index
        %get3A_632 = tpu.vector_load %arg8[%get3A_630, %get3A_631] {strides = array<i32>} : memref<3328x16xf32, #tpu.memory_space<vmem>>, vector<1x16xf32>,
        %get3A_633 = vector.shape_cast %get3A_632 : vector<1x16xf32> to vector<16xf32>
        %add3A_634 = arith.addf %add3A_627, %get3A_633 : vector<16xf32>
        %add3A_635 = arith.constant 5 : i32
        %add3A_636 = arith.addi %mul3A_597, %add3A_635 : i32
        %get3A_637 = arith.index_cast %add3A_636 : i32 to index
        %get3A_638 = arith.constant 0 : index
        %get3A_639 = tpu.vector_load %arg8[%get3A_637, %get3A_638] {strides = array<i32>} : memref<3328x16xf32, #tpu.memory_space<vmem>>, vector<1x16xf32>,
        %get3A_640 = vector.shape_cast %get3A_639 : vector<1x16xf32> to vector<16xf32>
        %add3A_641 = arith.addf %add3A_634, %get3A_640 : vector<16xf32>
        %add3A_642 = arith.constant 6 : i32
        %add3A_643 = arith.addi %mul3A_597, %add3A_642 : i32
        %get3A_644 = arith.index_cast %add3A_643 : i32 to index
        %get3A_645 = arith.constant 0 : index
        %get3A_646 = tpu.vector_load %arg8[%get3A_644, %get3A_645] {strides = array<i32>} : memref<3328x16xf32, #tpu.memory_space<vmem>>, vector<1x16xf32>,
        %get3A_647 = vector.shape_cast %get3A_646 : vector<1x16xf32> to vector<16xf32>
        %add3A_648 = arith.addf %add3A_641, %get3A_647 : vector<16xf32>
        %add3A_649 = arith.constant 7 : i32
        %add3A_650 = arith.addi %mul3A_597, %add3A_649 : i32
        %get3A_651 = arith.index_cast %add3A_650 : i32 to index
        %get3A_652 = arith.constant 0 : index
        %get3A_653 = tpu.vector_load %arg8[%get3A_651, %get3A_652] {strides = array<i32>} : memref<3328x16xf32, #tpu.memory_space<vmem>>, vector<1x16xf32>,
        %get3A_654 = vector.shape_cast %get3A_653 : vector<1x16xf32> to vector<16xf32>
        %add3A_655 = arith.addf %add3A_648, %get3A_654 : vector<16xf32>
        %add3A_656 = arith.constant 8 : i32
        %add3A_657 = arith.addi %mul3A_597, %add3A_656 : i32
        %get3A_658 = arith.index_cast %add3A_657 : i32 to index
        %get3A_659 = arith.constant 0 : index
        %get3A_660 = tpu.vector_load %arg8[%get3A_658, %get3A_659] {strides = array<i32>} : memref<3328x16xf32, #tpu.memory_space<vmem>>, vector<1x16xf32>,
        %get3A_661 = vector.shape_cast %get3A_660 : vector<1x16xf32> to vector<16xf32>
        %add3A_662 = arith.addf %add3A_655, %get3A_661 : vector<16xf32>
        %add3A_663 = arith.constant 9 : i32
        %add3A_664 = arith.addi %mul3A_597, %add3A_663 : i32
        %get3A_665 = arith.index_cast %add3A_664 : i32 to index
        %get3A_666 = arith.constant 0 : index
        %get3A_667 = tpu.vector_load %arg8[%get3A_665, %get3A_666] {strides = array<i32>} : memref<3328x16xf32, #tpu.memory_space<vmem>>, vector<1x16xf32>,
        %get3A_668 = vector.shape_cast %get3A_667 : vector<1x16xf32> to vector<16xf32>
        %add3A_669 = arith.addf %add3A_662, %get3A_668 : vector<16xf32>
        %add3A_670 = arith.constant 10 : i32
        %add3A_671 = arith.addi %mul3A_597, %add3A_670 : i32
        %get3A_672 = arith.index_cast %add3A_671 : i32 to index
        %get3A_673 = arith.constant 0 : index
        %get3A_674 = tpu.vector_load %arg8[%get3A_672, %get3A_673] {strides = array<i32>} : memref<3328x16xf32, #tpu.memory_space<vmem>>, vector<1x16xf32>,
        %get3A_675 = vector.shape_cast %get3A_674 : vector<1x16xf32> to vector<16xf32>
        %add3A_676 = arith.addf %add3A_669, %get3A_675 : vector<16xf32>
        %add3A_677 = arith.constant 11 : i32
        %add3A_678 = arith.addi %mul3A_597, %add3A_677 : i32
        %get3A_679 = arith.index_cast %add3A_678 : i32 to index
        %get3A_680 = arith.constant 0 : index
        %get3A_681 = tpu.vector_load %arg8[%get3A_679, %get3A_680] {strides = array<i32>} : memref<3328x16xf32, #tpu.memory_space<vmem>>, vector<1x16xf32>,
        %get3A_682 = vector.shape_cast %get3A_681 : vector<1x16xf32> to vector<16xf32>
        %add3A_683 = arith.addf %add3A_676, %get3A_682 : vector<16xf32>
        %add3A_684 = arith.constant 12 : i32
        %add3A_685 = arith.addi %mul3A_597, %add3A_684 : i32
        %get3A_686 = arith.index_cast %add3A_685 : i32 to index
        %get3A_687 = arith.constant 0 : index
        %get3A_688 = tpu.vector_load %arg8[%get3A_686, %get3A_687] {strides = array<i32>} : memref<3328x16xf32, #tpu.memory_space<vmem>>, vector<1x16xf32>,
        %get3A_689 = vector.shape_cast %get3A_688 : vector<1x16xf32> to vector<16xf32>
        %add3A_690 = arith.addf %add3A_683, %get3A_689 : vector<16xf32>
        %add3A_691 = arith.constant 13 : i32
        %add3A_692 = arith.addi %mul3A_597, %add3A_691 : i32
        %get3A_693 = arith.index_cast %add3A_692 : i32 to index
        %get3A_694 = arith.constant 0 : index
        %get3A_695 = tpu.vector_load %arg8[%get3A_693, %get3A_694] {strides = array<i32>} : memref<3328x16xf32, #tpu.memory_space<vmem>>, vector<1x16xf32>,
        %get3A_696 = vector.shape_cast %get3A_695 : vector<1x16xf32> to vector<16xf32>
        %add3A_697 = arith.addf %add3A_690, %get3A_696 : vector<16xf32>
        %add3A_698 = arith.constant 14 : i32
        %add3A_699 = arith.addi %mul3A_597, %add3A_698 : i32
        %get3A_700 = arith.index_cast %add3A_699 : i32 to index
        %get3A_701 = arith.constant 0 : index
        %get3A_702 = tpu.vector_load %arg8[%get3A_700, %get3A_701] {strides = array<i32>} : memref<3328x16xf32, #tpu.memory_space<vmem>>, vector<1x16xf32>,
        %get3A_703 = vector.shape_cast %get3A_702 : vector<1x16xf32> to vector<16xf32>
        %add3A_704 = arith.addf %add3A_697, %get3A_703 : vector<16xf32>
        %add3A_705 = arith.constant 15 : i32
        %add3A_706 = arith.addi %mul3A_597, %add3A_705 : i32
        %get3A_707 = arith.index_cast %add3A_706 : i32 to index
        %get3A_708 = arith.constant 0 : index
        %get3A_709 = tpu.vector_load %arg8[%get3A_707, %get3A_708] {strides = array<i32>} : memref<3328x16xf32, #tpu.memory_space<vmem>>, vector<1x16xf32>,
        %get3A_710 = vector.shape_cast %get3A_709 : vector<1x16xf32> to vector<16xf32>
        %add3A_711 = arith.addf %add3A_704, %get3A_710 : vector<16xf32>
        %add3A_712 = arith.constant 16 : i32
        %add3A_713 = arith.addi %mul3A_597, %add3A_712 : i32
        %get3A_714 = arith.index_cast %add3A_713 : i32 to index
        %get3A_715 = arith.constant 0 : index
        %get3A_716 = tpu.vector_load %arg8[%get3A_714, %get3A_715] {strides = array<i32>} : memref<3328x16xf32, #tpu.memory_space<vmem>>, vector<1x16xf32>,
        %get3A_717 = vector.shape_cast %get3A_716 : vector<1x16xf32> to vector<16xf32>
        %add3A_718 = arith.addf %add3A_711, %get3A_717 : vector<16xf32>
        %add3A_719 = arith.constant 17 : i32
        %add3A_720 = arith.addi %mul3A_597, %add3A_719 : i32
        %get3A_721 = arith.index_cast %add3A_720 : i32 to index
        %get3A_722 = arith.constant 0 : index
        %get3A_723 = tpu.vector_load %arg8[%get3A_721, %get3A_722] {strides = array<i32>} : memref<3328x16xf32, #tpu.memory_space<vmem>>, vector<1x16xf32>,
        %get3A_724 = vector.shape_cast %get3A_723 : vector<1x16xf32> to vector<16xf32>
        %add3A_725 = arith.addf %add3A_718, %get3A_724 : vector<16xf32>
        %add3A_726 = arith.constant 18 : i32
        %add3A_727 = arith.addi %mul3A_597, %add3A_726 : i32
        %get3A_728 = arith.index_cast %add3A_727 : i32 to index
        %get3A_729 = arith.constant 0 : index
        %get3A_730 = tpu.vector_load %arg8[%get3A_728, %get3A_729] {strides = array<i32>} : memref<3328x16xf32, #tpu.memory_space<vmem>>, vector<1x16xf32>,
        %get3A_731 = vector.shape_cast %get3A_730 : vector<1x16xf32> to vector<16xf32>
        %add3A_732 = arith.addf %add3A_725, %get3A_731 : vector<16xf32>
        %add3A_733 = arith.constant 19 : i32
        %add3A_734 = arith.addi %mul3A_597, %add3A_733 : i32
        %get3A_735 = arith.index_cast %add3A_734 : i32 to index
        %get3A_736 = arith.constant 0 : index
        %get3A_737 = tpu.vector_load %arg8[%get3A_735, %get3A_736] {strides = array<i32>} : memref<3328x16xf32, #tpu.memory_space<vmem>>, vector<1x16xf32>,
        %get3A_738 = vector.shape_cast %get3A_737 : vector<1x16xf32> to vector<16xf32>
        %add3A_739 = arith.addf %add3A_732, %get3A_738 : vector<16xf32>
        %add3A_740 = arith.constant 20 : i32
        %add3A_741 = arith.addi %mul3A_597, %add3A_740 : i32
        %get3A_742 = arith.index_cast %add3A_741 : i32 to index
        %get3A_743 = arith.constant 0 : index
        %get3A_744 = tpu.vector_load %arg8[%get3A_742, %get3A_743] {strides = array<i32>} : memref<3328x16xf32, #tpu.memory_space<vmem>>, vector<1x16xf32>,
        %get3A_745 = vector.shape_cast %get3A_744 : vector<1x16xf32> to vector<16xf32>
        %add3A_746 = arith.addf %add3A_739, %get3A_745 : vector<16xf32>
        %add3A_747 = arith.constant 21 : i32
        %add3A_748 = arith.addi %mul3A_597, %add3A_747 : i32
        %get3A_749 = arith.index_cast %add3A_748 : i32 to index
        %get3A_750 = arith.constant 0 : index
        %get3A_751 = tpu.vector_load %arg8[%get3A_749, %get3A_750] {strides = array<i32>} : memref<3328x16xf32, #tpu.memory_space<vmem>>, vector<1x16xf32>,
        %get3A_752 = vector.shape_cast %get3A_751 : vector<1x16xf32> to vector<16xf32>
        %add3A_753 = arith.addf %add3A_746, %get3A_752 : vector<16xf32>
        %add3A_754 = arith.constant 22 : i32
        %add3A_755 = arith.addi %mul3A_597, %add3A_754 : i32
        %get3A_756 = arith.index_cast %add3A_755 : i32 to index
        %get3A_757 = arith.constant 0 : index
        %get3A_758 = tpu.vector_load %arg8[%get3A_756, %get3A_757] {strides = array<i32>} : memref<3328x16xf32, #tpu.memory_space<vmem>>, vector<1x16xf32>,
        %get3A_759 = vector.shape_cast %get3A_758 : vector<1x16xf32> to vector<16xf32>
        %add3A_760 = arith.addf %add3A_753, %get3A_759 : vector<16xf32>
        %add3A_761 = arith.constant 23 : i32
        %add3A_762 = arith.addi %mul3A_597, %add3A_761 : i32
        %get3A_763 = arith.index_cast %add3A_762 : i32 to index
        %get3A_764 = arith.constant 0 : index
        %get3A_765 = tpu.vector_load %arg8[%get3A_763, %get3A_764] {strides = array<i32>} : memref<3328x16xf32, #tpu.memory_space<vmem>>, vector<1x16xf32>,
        %get3A_766 = vector.shape_cast %get3A_765 : vector<1x16xf32> to vector<16xf32>
        %add3A_767 = arith.addf %add3A_760, %get3A_766 : vector<16xf32>
        %add3A_768 = arith.constant 24 : i32
        %add3A_769 = arith.addi %mul3A_597, %add3A_768 : i32
        %get3A_770 = arith.index_cast %add3A_769 : i32 to index
        %get3A_771 = arith.constant 0 : index
        %get3A_772 = tpu.vector_load %arg8[%get3A_770, %get3A_771] {strides = array<i32>} : memref<3328x16xf32, #tpu.memory_space<vmem>>, vector<1x16xf32>,
        %get3A_773 = vector.shape_cast %get3A_772 : vector<1x16xf32> to vector<16xf32>
        %add3A_774 = arith.addf %add3A_767, %get3A_773 : vector<16xf32>
        %add3A_775 = arith.constant 25 : i32
        %add3A_776 = arith.addi %mul3A_597, %add3A_775 : i32
        %get3A_777 = arith.index_cast %add3A_776 : i32 to index
        %get3A_778 = arith.constant 0 : index
        %get3A_779 = tpu.vector_load %arg8[%get3A_777, %get3A_778] {strides = array<i32>} : memref<3328x16xf32, #tpu.memory_space<vmem>>, vector<1x16xf32>,
        %get3A_780 = vector.shape_cast %get3A_779 : vector<1x16xf32> to vector<16xf32>
        %add3A_781 = arith.addf %add3A_774, %get3A_780 : vector<16xf32>
        %get3A_782 = arith.index_cast %scan3A_595 : i32 to index
        %get3A_783 = arith.constant 0 : index
        %get3A_784 = tpu.vector_load %arg10[%get3A_782, %get3A_783] {strides = array<i32>} : memref<128x16xf32, #tpu.memory_space<vmem>>, vector<1x16xf32>,
        %get3A_785 = vector.shape_cast %get3A_784 : vector<1x16xf32> to vector<16xf32>
        %exp3A = math.exp %get3A_785 : vector<16xf32>
        %exp3A_786 = math.exp %add3A_781 : vector<16xf32>
        %add3A_787 = arith.constant 1.000000e+00 : f32
        %add3A_788 = vector.broadcast %add3A_787 : f32 to vector<16xf32>
        %add3A_789 = arith.addf %add3A_788, %exp3A_786 : vector<16xf32>
        %div3A = arith.constant 1.000000e+00 : f32
        %div3A_790 = vector.broadcast %div3A : f32 to vector<16xf32>
        %div3A_791 = arith.divf %div3A_790, %add3A_789 : vector<16xf32>
        %mul3A_792 = arith.mulf %exp3A, %div3A_791 : vector<16xf32>
        %xor3A = arith.constant 8 : i32
        %xor3A_793 = vector.broadcast %xor3A : i32 to vector<16xi32>
        %xor3A_794 = arith.xori %iota3A, %xor3A_793 : vector<16xi32>
        %lt3A = arith.constant 0 : i32
        %lt3A_795 = vector.broadcast %lt3A : i32 to vector<16xi32>
        %lt3A_796 = arith.cmpi slt, %xor3A_794, %lt3A_795 : vector<16xi32>
        %add3A_797 = arith.constant 16 : i32
        %add3A_798 = vector.broadcast %add3A_797 : i32 to vector<16xi32>
        %add3A_799 = arith.addi %xor3A_794, %add3A_798 : vector<16xi32>
        %select_n3A = arith.select %lt3A_796, %add3A_799, %xor3A_794 : vector<16xi1>, vector<16xi32>
        %broadcast_in_dim3A = vector.shape_cast %select_n3A : vector<16xi32> to vector<16x1xi32>
        %gather3A = vector.shape_cast %broadcast_in_dim3A : vector<16x1xi32> to vector<16xi32>
        %gather3A_800 = tpu.dynamic_gather %mul3A_792[%gather3A] in [0] : vector<16xf32>, vector<16xi32> -> vector<16xf32>
        %add3A_801 = arith.addf %mul3A_792, %gather3A_800 : vector<16xf32>
        %xor3A_802 = arith.constant 4 : i32
        %xor3A_803 = vector.broadcast %xor3A_802 : i32 to vector<16xi32>
        %xor3A_804 = arith.xori %iota3A, %xor3A_803 : vector<16xi32>
        %lt3A_805 = arith.constant 0 : i32
        %lt3A_806 = vector.broadcast %lt3A_805 : i32 to vector<16xi32>
        %lt3A_807 = arith.cmpi slt, %xor3A_804, %lt3A_806 : vector<16xi32>
        %add3A_808 = arith.constant 16 : i32
        %add3A_809 = vector.broadcast %add3A_808 : i32 to vector<16xi32>
        %add3A_810 = arith.addi %xor3A_804, %add3A_809 : vector<16xi32>
        %select_n3A_811 = arith.select %lt3A_807, %add3A_810, %xor3A_804 : vector<16xi1>, vector<16xi32>
        %broadcast_in_dim3A_812 = vector.shape_cast %select_n3A_811 : vector<16xi32> to vector<16x1xi32>
        %gather3A_813 = vector.shape_cast %broadcast_in_dim3A_812 : vector<16x1xi32> to vector<16xi32>
        %gather3A_814 = tpu.dynamic_gather %add3A_801[%gather3A_813] in [0] : vector<16xf32>, vector<16xi32> -> vector<16xf32>
        %add3A_815 = arith.addf %add3A_801, %gather3A_814 : vector<16xf32>
        %xor3A_816 = arith.constant 2 : i32
        %xor3A_817 = vector.broadcast %xor3A_816 : i32 to vector<16xi32>
        %xor3A_818 = arith.xori %iota3A, %xor3A_817 : vector<16xi32>
        %lt3A_819 = arith.constant 0 : i32
        %lt3A_820 = vector.broadcast %lt3A_819 : i32 to vector<16xi32>
        %lt3A_821 = arith.cmpi slt, %xor3A_818, %lt3A_820 : vector<16xi32>
        %add3A_822 = arith.constant 16 : i32
        %add3A_823 = vector.broadcast %add3A_822 : i32 to vector<16xi32>
        %add3A_824 = arith.addi %xor3A_818, %add3A_823 : vector<16xi32>
        %select_n3A_825 = arith.select %lt3A_821, %add3A_824, %xor3A_818 : vector<16xi1>, vector<16xi32>
        %broadcast_in_dim3A_826 = vector.shape_cast %select_n3A_825 : vector<16xi32> to vector<16x1xi32>
        %gather3A_827 = vector.shape_cast %broadcast_in_dim3A_826 : vector<16x1xi32> to vector<16xi32>
        %gather3A_828 = tpu.dynamic_gather %add3A_815[%gather3A_827] in [0] : vector<16xf32>, vector<16xi32> -> vector<16xf32>
        %add3A_829 = arith.addf %add3A_815, %gather3A_828 : vector<16xf32>
        %xor3A_830 = arith.constant 1 : i32
        %xor3A_831 = vector.broadcast %xor3A_830 : i32 to vector<16xi32>
        %xor3A_832 = arith.xori %iota3A, %xor3A_831 : vector<16xi32>
        %lt3A_833 = arith.constant 0 : i32
        %lt3A_834 = vector.broadcast %lt3A_833 : i32 to vector<16xi32>
        %lt3A_835 = arith.cmpi slt, %xor3A_832, %lt3A_834 : vector<16xi32>
        %add3A_836 = arith.constant 16 : i32
        %add3A_837 = vector.broadcast %add3A_836 : i32 to vector<16xi32>
        %add3A_838 = arith.addi %xor3A_832, %add3A_837 : vector<16xi32>
        %select_n3A_839 = arith.select %lt3A_835, %add3A_838, %xor3A_832 : vector<16xi1>, vector<16xi32>
        %broadcast_in_dim3A_840 = vector.shape_cast %select_n3A_839 : vector<16xi32> to vector<16x1xi32>
        %gather3A_841 = vector.shape_cast %broadcast_in_dim3A_840 : vector<16x1xi32> to vector<16xi32>
        %gather3A_842 = tpu.dynamic_gather %add3A_829[%gather3A_841] in [0] : vector<16xf32>, vector<16xi32> -> vector<16xf32>
        %add3A_843 = arith.addf %add3A_829, %gather3A_842 : vector<16xf32>
        %xor3A_844 = arith.constant 8 : i32
        %xor3A_845 = vector.broadcast %xor3A_844 : i32 to vector<16xi32>
        %xor3A_846 = arith.xori %iota3A, %xor3A_845 : vector<16xi32>
        %lt3A_847 = arith.constant 0 : i32
        %lt3A_848 = vector.broadcast %lt3A_847 : i32 to vector<16xi32>
        %lt3A_849 = arith.cmpi slt, %xor3A_846, %lt3A_848 : vector<16xi32>
        %add3A_850 = arith.constant 16 : i32
        %add3A_851 = vector.broadcast %add3A_850 : i32 to vector<16xi32>
        %add3A_852 = arith.addi %xor3A_846, %add3A_851 : vector<16xi32>
        %select_n3A_853 = arith.select %lt3A_849, %add3A_852, %xor3A_846 : vector<16xi1>, vector<16xi32>
        %broadcast_in_dim3A_854 = vector.shape_cast %select_n3A_853 : vector<16xi32> to vector<16x1xi32>
        %gather3A_855 = vector.shape_cast %broadcast_in_dim3A_854 : vector<16x1xi32> to vector<16xi32>
        %gather3A_856 = tpu.dynamic_gather %exp3A[%gather3A_855] in [0] : vector<16xf32>, vector<16xi32> -> vector<16xf32>
        %add3A_857 = arith.addf %exp3A, %gather3A_856 : vector<16xf32>
        %xor3A_858 = arith.constant 4 : i32
        %xor3A_859 = vector.broadcast %xor3A_858 : i32 to vector<16xi32>
        %xor3A_860 = arith.xori %iota3A, %xor3A_859 : vector<16xi32>
        %lt3A_861 = arith.constant 0 : i32
        %lt3A_862 = vector.broadcast %lt3A_861 : i32 to vector<16xi32>
        %lt3A_863 = arith.cmpi slt, %xor3A_860, %lt3A_862 : vector<16xi32>
        %add3A_864 = arith.constant 16 : i32
        %add3A_865 = vector.broadcast %add3A_864 : i32 to vector<16xi32>
        %add3A_866 = arith.addi %xor3A_860, %add3A_865 : vector<16xi32>
        %select_n3A_867 = arith.select %lt3A_863, %add3A_866, %xor3A_860 : vector<16xi1>, vector<16xi32>
        %broadcast_in_dim3A_868 = vector.shape_cast %select_n3A_867 : vector<16xi32> to vector<16x1xi32>
        %gather3A_869 = vector.shape_cast %broadcast_in_dim3A_868 : vector<16x1xi32> to vector<16xi32>
        %gather3A_870 = tpu.dynamic_gather %add3A_857[%gather3A_869] in [0] : vector<16xf32>, vector<16xi32> -> vector<16xf32>
        %add3A_871 = arith.addf %add3A_857, %gather3A_870 : vector<16xf32>
        %xor3A_872 = arith.constant 2 : i32
        %xor3A_873 = vector.broadcast %xor3A_872 : i32 to vector<16xi32>
        %xor3A_874 = arith.xori %iota3A, %xor3A_873 : vector<16xi32>
        %lt3A_875 = arith.constant 0 : i32
        %lt3A_876 = vector.broadcast %lt3A_875 : i32 to vector<16xi32>
        %lt3A_877 = arith.cmpi slt, %xor3A_874, %lt3A_876 : vector<16xi32>
        %add3A_878 = arith.constant 16 : i32
        %add3A_879 = vector.broadcast %add3A_878 : i32 to vector<16xi32>
        %add3A_880 = arith.addi %xor3A_874, %add3A_879 : vector<16xi32>
        %select_n3A_881 = arith.select %lt3A_877, %add3A_880, %xor3A_874 : vector<16xi1>, vector<16xi32>
        %broadcast_in_dim3A_882 = vector.shape_cast %select_n3A_881 : vector<16xi32> to vector<16x1xi32>
        %gather3A_883 = vector.shape_cast %broadcast_in_dim3A_882 : vector<16x1xi32> to vector<16xi32>
        %gather3A_884 = tpu.dynamic_gather %add3A_871[%gather3A_883] in [0] : vector<16xf32>, vector<16xi32> -> vector<16xf32>
        %add3A_885 = arith.addf %add3A_871, %gather3A_884 : vector<16xf32>
        %xor3A_886 = arith.constant 1 : i32
        %xor3A_887 = vector.broadcast %xor3A_886 : i32 to vector<16xi32>
        %xor3A_888 = arith.xori %iota3A, %xor3A_887 : vector<16xi32>
        %lt3A_889 = arith.constant 0 : i32
        %lt3A_890 = vector.broadcast %lt3A_889 : i32 to vector<16xi32>
        %lt3A_891 = arith.cmpi slt, %xor3A_888, %lt3A_890 : vector<16xi32>
        %add3A_892 = arith.constant 16 : i32
        %add3A_893 = vector.broadcast %add3A_892 : i32 to vector<16xi32>
        %add3A_894 = arith.addi %xor3A_888, %add3A_893 : vector<16xi32>
        %select_n3A_895 = arith.select %lt3A_891, %add3A_894, %xor3A_888 : vector<16xi1>, vector<16xi32>
        %broadcast_in_dim3A_896 = vector.shape_cast %select_n3A_895 : vector<16xi32> to vector<16x1xi32>
        %gather3A_897 = vector.shape_cast %broadcast_in_dim3A_896 : vector<16x1xi32> to vector<16xi32>
        %gather3A_898 = tpu.dynamic_gather %add3A_885[%gather3A_897] in [0] : vector<16xf32>, vector<16xi32> -> vector<16xf32>
        %add3A_899 = arith.addf %add3A_885, %gather3A_898 : vector<16xf32>
        %div3A_900 = arith.divf %add3A_843, %add3A_899 : vector<16xf32>
        %swap3A = arith.index_cast %scan3A_595 : i32 to index
        %swap3A_901 = arith.constant 0 : index
        %swap3A_902 = tpu.vector_load %arg9[%swap3A, %swap3A_901] {strides = array<i32>} : memref<128x16xf32, #tpu.memory_space<vmem>>, vector<1x16xf32>,
        %swap3A_903 = vector.shape_cast %swap3A_902 : vector<1x16xf32> to vector<16xf32>
        %swap3A_904 = vector.shape_cast %div3A_900 : vector<16xf32> to vector<1x16xf32>
        tpu.vector_store %arg9[%swap3A, %swap3A_901], %swap3A_904 {strides = array<i32>} : memref<128x16xf32, #tpu.memory_space<vmem>>, vector<1x16xf32>,
      }
      %scan3A_589 = arith.constant 128 : i32
      %mul3A_590 = arith.constant 512 : i32
      %mul3A_591 = arith.muli %add3A, %mul3A_590 : i32
      %mul3A_592 = arith.constant 128 : i32
      %mul3A_593 = arith.muli %scan3A_8, %mul3A_592 : i32
      %add3A_594 = arith.addi %mul3A_591, %mul3A_593 : i32
      "tpu.region"() ({
        %run_scoped3A = tpu.sem_alloc : memref<!tpu.dma_semaphore, #tpu.memory_space<semaphore_mem>>
        %dma_start3A_595 = arith.constant 0 : i32
        %dma_start3A_596 = tpu.memref_slice %arg6[%add3A_594, %dma_start3A_595] : memref<16384x16xf32, #tpu.memory_space<hbm>> -> memref<128x16xf32, #tpu.memory_space<hbm>>
        %dma_start3A_597 = arith.constant 0 : i32
        %dma_start3A_598 = tpu.memref_slice %arg6[%add3A_594, %dma_start3A_597] : memref<16384x16xf32, #tpu.memory_space<hbm>> -> memref<128x16xf32, #tpu.memory_space<hbm>>
        tpu.enqueue_dma source(%arg9 : memref<128x16xf32, #tpu.memory_space<vmem>>) target(%dma_start3A_598 : memref<128x16xf32, #tpu.memory_space<hbm>>) target_semaphore(%run_scoped3A : memref<!tpu.dma_semaphore, #tpu.memory_space<semaphore_mem>>)
        %dma_wait3A_599 = arith.constant 0 : i32
        %dma_wait3A_600 = tpu.memref_slice %arg6[%add3A_594, %dma_wait3A_599] : memref<16384x16xf32, #tpu.memory_space<hbm>> -> memref<128x16xf32, #tpu.memory_space<hbm>>
        %dma_wait3A_601 = arith.constant 0 : i32
        %dma_wait3A_602 = tpu.memref_slice %arg6[%add3A_594, %dma_wait3A_601] : memref<16384x16xf32, #tpu.memory_space<hbm>> -> memref<128x16xf32, #tpu.memory_space<hbm>>
        tpu.wait_dma2 semaphore(%run_scoped3A : memref<!tpu.dma_semaphore, #tpu.memory_space<semaphore_mem>>) src(%arg9 : memref<128x16xf32, #tpu.memory_space<vmem>>) dst(%dma_wait3A_602 : memref<128x16xf32, #tpu.memory_space<hbm>>)
        tpu.yield
      }) : () -> ()
    }
    %scan3A_7 = arith.constant 4 : i32
    return
  }
}

#map = affine_map<(d0, d1) -> (0, 0)>
#map1 = affine_map<(d0, d1) -> (0)>
module attributes {stable_mosaic.version = 14 : i64} {
  func.func @_sum_kernel(%arg0: i32, %arg1: i32, %arg2: memref<3328x128xi32, #tpu.memory_space<hbm>>, %arg3: memref<2609152x16xf32, #tpu.memory_space<hbm>>, %arg4: memref<16xf32, #tpu.memory_space<hbm>>, %arg5: memref<16384x16xf32, #tpu.memory_space<hbm>>, %arg6: memref<104x128xi32, #tpu.memory_space<vmem>>, %arg7: memref<3328x16xf32, #tpu.memory_space<vmem>>, %arg8: memref<128x16xf32, #tpu.memory_space<vmem>>, %arg9: memref<128x16xf32, #tpu.memory_space<vmem>>, %arg10: memref<16xf32, #tpu.memory_space<vmem>>, %arg11: memref<!tpu.dma_semaphore, #tpu.memory_space<semaphore_mem>>) attributes {dimension_semantics = [#tpu.dimension_semantics<core_parallel>, #tpu.dimension_semantics<subcore_parallel>], iteration_bounds = array<i64: 2, 16>, scalar_prefetch = 0 : i64, scratch_operands = 6 : i64, tpu.core_type = #tpu.core_type<sc_vector_subcore>, window_params = [{transform_indices = #map}, {transform_indices = #map}, {transform_indices = #map1}, {transform_indices = #map}]} {
    %mul3A = arith.constant 2 : i32
    %mul3A_0 = arith.muli %arg1, %mul3A : i32
    %add3A = arith.addi %mul3A_0, %arg0 : i32
    "tpu.region"() ({
      %run_scoped3A = tpu.sem_alloc : memref<!tpu.dma_semaphore, #tpu.memory_space<semaphore_mem>>
      tpu.enqueue_dma source(%arg4 : memref<16xf32, #tpu.memory_space<hbm>>) target(%arg10 : memref<16xf32, #tpu.memory_space<vmem>>) target_semaphore(%run_scoped3A : memref<!tpu.dma_semaphore, #tpu.memory_space<semaphore_mem>>)
      tpu.wait_dma2 semaphore(%run_scoped3A : memref<!tpu.dma_semaphore, #tpu.memory_space<semaphore_mem>>) src(%arg4 : memref<16xf32, #tpu.memory_space<hbm>>) dst(%arg10 : memref<16xf32, #tpu.memory_space<vmem>>)
      tpu.yield
    }) : () -> ()
    %mul3A_1 = arith.constant 104 : i32
    %mul3A_2 = arith.muli %add3A, %mul3A_1 : i32
    "tpu.region"() ({
      %run_scoped3A = tpu.sem_alloc : memref<!tpu.dma_semaphore, #tpu.memory_space<semaphore_mem>>
      %dma_start3A = arith.constant 0 : i32
      %dma_start3A_8 = tpu.memref_slice %arg2[%mul3A_2, %dma_start3A] : memref<3328x128xi32, #tpu.memory_space<hbm>> -> memref<104x128xi32, #tpu.memory_space<hbm>>
      %dma_start3A_9 = arith.constant 0 : i32
      %dma_start3A_10 = tpu.memref_slice %arg2[%mul3A_2, %dma_start3A_9] : memref<3328x128xi32, #tpu.memory_space<hbm>> -> memref<104x128xi32, #tpu.memory_space<hbm>>
      tpu.enqueue_dma source(%dma_start3A_10 : memref<104x128xi32, #tpu.memory_space<hbm>>) target(%arg6 : memref<104x128xi32, #tpu.memory_space<vmem>>) target_semaphore(%run_scoped3A : memref<!tpu.dma_semaphore, #tpu.memory_space<semaphore_mem>>)
      %dma_wait3A = arith.constant 0 : i32
      %dma_wait3A_11 = tpu.memref_slice %arg2[%mul3A_2, %dma_wait3A] : memref<3328x128xi32, #tpu.memory_space<hbm>> -> memref<104x128xi32, #tpu.memory_space<hbm>>
      %dma_wait3A_12 = arith.constant 0 : i32
      %dma_wait3A_13 = tpu.memref_slice %arg2[%mul3A_2, %dma_wait3A_12] : memref<3328x128xi32, #tpu.memory_space<hbm>> -> memref<104x128xi32, #tpu.memory_space<hbm>>
      tpu.wait_dma2 semaphore(%run_scoped3A : memref<!tpu.dma_semaphore, #tpu.memory_space<semaphore_mem>>) src(%dma_wait3A_13 : memref<104x128xi32, #tpu.memory_space<hbm>>) dst(%arg6 : memref<104x128xi32, #tpu.memory_space<vmem>>)
      tpu.yield
    }) : () -> ()
    %scan3A = arith.constant 0 : i32
    %scan3A_3 = arith.constant 0 : i32
    %scan3A_4 = arith.constant 4 : i32
    %scan3A_5 = arith.addi %scan3A_3, %scan3A_4 : i32
    %scan3A_6 = arith.constant 1 : i32
    scf.for %scan3A_8 = %scan3A_3 to %scan3A_5 step %scan3A_6  : i32 {
      %mul3A_9 = arith.constant 26 : i32
      %mul3A_10 = arith.muli %scan3A_8, %mul3A_9 : i32
      %add3A_11 = arith.constant 0 : i32
      %add3A_12 = arith.addi %mul3A_10, %add3A_11 : i32
      %dma_start3A = arith.constant 0 : i32
      %dma_start3A_13 = arith.constant 0 : i32
      %dma_start3A_14 = tpu.memref_slice %arg7[%dma_start3A, %dma_start3A_13] : memref<3328x16xf32, #tpu.memory_space<vmem>> -> memref<128x16xf32, #tpu.memory_space<vmem>>
      %dma_start3A_15 = arith.constant 0 : i32
      %dma_start3A_16 = tpu.memref_slice %arg6[%add3A_12, %dma_start3A_15] : memref<104x128xi32, #tpu.memory_space<vmem>> -> memref<1x128xi32, #tpu.memory_space<vmem>>
      %dma_start3A_17 = tpu.memref_squeeze %dma_start3A_16 : memref<1x128xi32, #tpu.memory_space<vmem>> -> memref<128xi32, #tpu.memory_space<vmem>>
      %dma_start3A_18 = arith.constant 0 : i32
      %dma_start3A_19 = arith.constant 0 : i32
      %dma_start3A_20 = tpu.memref_slice %arg3[%dma_start3A_18, %dma_start3A_19] : memref<2609152x16xf32, #tpu.memory_space<hbm>> -> memref<2609152x16xf32, #tpu.memory_space<hbm>>
      tpu.enqueue_indirect_dma source(%dma_start3A_20 : memref<2609152x16xf32, #tpu.memory_space<hbm>>) target(%dma_start3A_14 : memref<128x16xf32, #tpu.memory_space<vmem>>) offsets(%dma_start3A_17 : memref<128xi32, #tpu.memory_space<vmem>>) semaphore(%arg11 : memref<!tpu.dma_semaphore, #tpu.memory_space<semaphore_mem>>)
      %mul3A_21 = arith.constant 26 : i32
      %mul3A_22 = arith.muli %scan3A_8, %mul3A_21 : i32
      %add3A_23 = arith.constant 1 : i32
      %add3A_24 = arith.addi %mul3A_22, %add3A_23 : i32
      %dma_start3A_25 = arith.constant 128 : i32
      %dma_start3A_26 = arith.constant 0 : i32
      %dma_start3A_27 = tpu.memref_slice %arg7[%dma_start3A_25, %dma_start3A_26] : memref<3328x16xf32, #tpu.memory_space<vmem>> -> memref<128x16xf32, #tpu.memory_space<vmem>>
      %dma_start3A_28 = arith.constant 0 : i32
      %dma_start3A_29 = tpu.memref_slice %arg6[%add3A_24, %dma_start3A_28] : memref<104x128xi32, #tpu.memory_space<vmem>> -> memref<1x128xi32, #tpu.memory_space<vmem>>
      %dma_start3A_30 = tpu.memref_squeeze %dma_start3A_29 : memref<1x128xi32, #tpu.memory_space<vmem>> -> memref<128xi32, #tpu.memory_space<vmem>>
      %dma_start3A_31 = arith.constant 0 : i32
      %dma_start3A_32 = arith.constant 0 : i32
      %dma_start3A_33 = tpu.memref_slice %arg3[%dma_start3A_31, %dma_start3A_32] : memref<2609152x16xf32, #tpu.memory_space<hbm>> -> memref<2609152x16xf32, #tpu.memory_space<hbm>>
      tpu.enqueue_indirect_dma source(%dma_start3A_33 : memref<2609152x16xf32, #tpu.memory_space<hbm>>) target(%dma_start3A_27 : memref<128x16xf32, #tpu.memory_space<vmem>>) offsets(%dma_start3A_30 : memref<128xi32, #tpu.memory_space<vmem>>) semaphore(%arg11 : memref<!tpu.dma_semaphore, #tpu.memory_space<semaphore_mem>>)
      %mul3A_34 = arith.constant 26 : i32
      %mul3A_35 = arith.muli %scan3A_8, %mul3A_34 : i32
      %add3A_36 = arith.constant 2 : i32
      %add3A_37 = arith.addi %mul3A_35, %add3A_36 : i32
      %dma_start3A_38 = arith.constant 256 : i32
      %dma_start3A_39 = arith.constant 0 : i32
      %dma_start3A_40 = tpu.memref_slice %arg7[%dma_start3A_38, %dma_start3A_39] : memref<3328x16xf32, #tpu.memory_space<vmem>> -> memref<128x16xf32, #tpu.memory_space<vmem>>
      %dma_start3A_41 = arith.constant 0 : i32
      %dma_start3A_42 = tpu.memref_slice %arg6[%add3A_37, %dma_start3A_41] : memref<104x128xi32, #tpu.memory_space<vmem>> -> memref<1x128xi32, #tpu.memory_space<vmem>>
      %dma_start3A_43 = tpu.memref_squeeze %dma_start3A_42 : memref<1x128xi32, #tpu.memory_space<vmem>> -> memref<128xi32, #tpu.memory_space<vmem>>
      %dma_start3A_44 = arith.constant 0 : i32
      %dma_start3A_45 = arith.constant 0 : i32
      %dma_start3A_46 = tpu.memref_slice %arg3[%dma_start3A_44, %dma_start3A_45] : memref<2609152x16xf32, #tpu.memory_space<hbm>> -> memref<2609152x16xf32, #tpu.memory_space<hbm>>
      tpu.enqueue_indirect_dma source(%dma_start3A_46 : memref<2609152x16xf32, #tpu.memory_space<hbm>>) target(%dma_start3A_40 : memref<128x16xf32, #tpu.memory_space<vmem>>) offsets(%dma_start3A_43 : memref<128xi32, #tpu.memory_space<vmem>>) semaphore(%arg11 : memref<!tpu.dma_semaphore, #tpu.memory_space<semaphore_mem>>)
      %mul3A_47 = arith.constant 26 : i32
      %mul3A_48 = arith.muli %scan3A_8, %mul3A_47 : i32
      %add3A_49 = arith.constant 3 : i32
      %add3A_50 = arith.addi %mul3A_48, %add3A_49 : i32
      %dma_start3A_51 = arith.constant 384 : i32
      %dma_start3A_52 = arith.constant 0 : i32
      %dma_start3A_53 = tpu.memref_slice %arg7[%dma_start3A_51, %dma_start3A_52] : memref<3328x16xf32, #tpu.memory_space<vmem>> -> memref<128x16xf32, #tpu.memory_space<vmem>>
      %dma_start3A_54 = arith.constant 0 : i32
      %dma_start3A_55 = tpu.memref_slice %arg6[%add3A_50, %dma_start3A_54] : memref<104x128xi32, #tpu.memory_space<vmem>> -> memref<1x128xi32, #tpu.memory_space<vmem>>
      %dma_start3A_56 = tpu.memref_squeeze %dma_start3A_55 : memref<1x128xi32, #tpu.memory_space<vmem>> -> memref<128xi32, #tpu.memory_space<vmem>>
      %dma_start3A_57 = arith.constant 0 : i32
      %dma_start3A_58 = arith.constant 0 : i32
      %dma_start3A_59 = tpu.memref_slice %arg3[%dma_start3A_57, %dma_start3A_58] : memref<2609152x16xf32, #tpu.memory_space<hbm>> -> memref<2609152x16xf32, #tpu.memory_space<hbm>>
      tpu.enqueue_indirect_dma source(%dma_start3A_59 : memref<2609152x16xf32, #tpu.memory_space<hbm>>) target(%dma_start3A_53 : memref<128x16xf32, #tpu.memory_space<vmem>>) offsets(%dma_start3A_56 : memref<128xi32, #tpu.memory_space<vmem>>) semaphore(%arg11 : memref<!tpu.dma_semaphore, #tpu.memory_space<semaphore_mem>>)
      %mul3A_60 = arith.constant 26 : i32
      %mul3A_61 = arith.muli %scan3A_8, %mul3A_60 : i32
      %add3A_62 = arith.constant 4 : i32
      %add3A_63 = arith.addi %mul3A_61, %add3A_62 : i32
      %dma_start3A_64 = arith.constant 512 : i32
      %dma_start3A_65 = arith.constant 0 : i32
      %dma_start3A_66 = tpu.memref_slice %arg7[%dma_start3A_64, %dma_start3A_65] : memref<3328x16xf32, #tpu.memory_space<vmem>> -> memref<128x16xf32, #tpu.memory_space<vmem>>
      %dma_start3A_67 = arith.constant 0 : i32
      %dma_start3A_68 = tpu.memref_slice %arg6[%add3A_63, %dma_start3A_67] : memref<104x128xi32, #tpu.memory_space<vmem>> -> memref<1x128xi32, #tpu.memory_space<vmem>>
      %dma_start3A_69 = tpu.memref_squeeze %dma_start3A_68 : memref<1x128xi32, #tpu.memory_space<vmem>> -> memref<128xi32, #tpu.memory_space<vmem>>
      %dma_start3A_70 = arith.constant 0 : i32
      %dma_start3A_71 = arith.constant 0 : i32
      %dma_start3A_72 = tpu.memref_slice %arg3[%dma_start3A_70, %dma_start3A_71] : memref<2609152x16xf32, #tpu.memory_space<hbm>> -> memref<2609152x16xf32, #tpu.memory_space<hbm>>
      tpu.enqueue_indirect_dma source(%dma_start3A_72 : memref<2609152x16xf32, #tpu.memory_space<hbm>>) target(%dma_start3A_66 : memref<128x16xf32, #tpu.memory_space<vmem>>) offsets(%dma_start3A_69 : memref<128xi32, #tpu.memory_space<vmem>>) semaphore(%arg11 : memref<!tpu.dma_semaphore, #tpu.memory_space<semaphore_mem>>)
      %mul3A_73 = arith.constant 26 : i32
      %mul3A_74 = arith.muli %scan3A_8, %mul3A_73 : i32
      %add3A_75 = arith.constant 5 : i32
      %add3A_76 = arith.addi %mul3A_74, %add3A_75 : i32
      %dma_start3A_77 = arith.constant 640 : i32
      %dma_start3A_78 = arith.constant 0 : i32
      %dma_start3A_79 = tpu.memref_slice %arg7[%dma_start3A_77, %dma_start3A_78] : memref<3328x16xf32, #tpu.memory_space<vmem>> -> memref<128x16xf32, #tpu.memory_space<vmem>>
      %dma_start3A_80 = arith.constant 0 : i32
      %dma_start3A_81 = tpu.memref_slice %arg6[%add3A_76, %dma_start3A_80] : memref<104x128xi32, #tpu.memory_space<vmem>> -> memref<1x128xi32, #tpu.memory_space<vmem>>
      %dma_start3A_82 = tpu.memref_squeeze %dma_start3A_81 : memref<1x128xi32, #tpu.memory_space<vmem>> -> memref<128xi32, #tpu.memory_space<vmem>>
      %dma_start3A_83 = arith.constant 0 : i32
      %dma_start3A_84 = arith.constant 0 : i32
      %dma_start3A_85 = tpu.memref_slice %arg3[%dma_start3A_83, %dma_start3A_84] : memref<2609152x16xf32, #tpu.memory_space<hbm>> -> memref<2609152x16xf32, #tpu.memory_space<hbm>>
      tpu.enqueue_indirect_dma source(%dma_start3A_85 : memref<2609152x16xf32, #tpu.memory_space<hbm>>) target(%dma_start3A_79 : memref<128x16xf32, #tpu.memory_space<vmem>>) offsets(%dma_start3A_82 : memref<128xi32, #tpu.memory_space<vmem>>) semaphore(%arg11 : memref<!tpu.dma_semaphore, #tpu.memory_space<semaphore_mem>>)
      %mul3A_86 = arith.constant 26 : i32
      %mul3A_87 = arith.muli %scan3A_8, %mul3A_86 : i32
      %add3A_88 = arith.constant 6 : i32
      %add3A_89 = arith.addi %mul3A_87, %add3A_88 : i32
      %dma_start3A_90 = arith.constant 768 : i32
      %dma_start3A_91 = arith.constant 0 : i32
      %dma_start3A_92 = tpu.memref_slice %arg7[%dma_start3A_90, %dma_start3A_91] : memref<3328x16xf32, #tpu.memory_space<vmem>> -> memref<128x16xf32, #tpu.memory_space<vmem>>
      %dma_start3A_93 = arith.constant 0 : i32
      %dma_start3A_94 = tpu.memref_slice %arg6[%add3A_89, %dma_start3A_93] : memref<104x128xi32, #tpu.memory_space<vmem>> -> memref<1x128xi32, #tpu.memory_space<vmem>>
      %dma_start3A_95 = tpu.memref_squeeze %dma_start3A_94 : memref<1x128xi32, #tpu.memory_space<vmem>> -> memref<128xi32, #tpu.memory_space<vmem>>
      %dma_start3A_96 = arith.constant 0 : i32
      %dma_start3A_97 = arith.constant 0 : i32
      %dma_start3A_98 = tpu.memref_slice %arg3[%dma_start3A_96, %dma_start3A_97] : memref<2609152x16xf32, #tpu.memory_space<hbm>> -> memref<2609152x16xf32, #tpu.memory_space<hbm>>
      tpu.enqueue_indirect_dma source(%dma_start3A_98 : memref<2609152x16xf32, #tpu.memory_space<hbm>>) target(%dma_start3A_92 : memref<128x16xf32, #tpu.memory_space<vmem>>) offsets(%dma_start3A_95 : memref<128xi32, #tpu.memory_space<vmem>>) semaphore(%arg11 : memref<!tpu.dma_semaphore, #tpu.memory_space<semaphore_mem>>)
      %mul3A_99 = arith.constant 26 : i32
      %mul3A_100 = arith.muli %scan3A_8, %mul3A_99 : i32
      %add3A_101 = arith.constant 7 : i32
      %add3A_102 = arith.addi %mul3A_100, %add3A_101 : i32
      %dma_start3A_103 = arith.constant 896 : i32
      %dma_start3A_104 = arith.constant 0 : i32
      %dma_start3A_105 = tpu.memref_slice %arg7[%dma_start3A_103, %dma_start3A_104] : memref<3328x16xf32, #tpu.memory_space<vmem>> -> memref<128x16xf32, #tpu.memory_space<vmem>>
      %dma_start3A_106 = arith.constant 0 : i32
      %dma_start3A_107 = tpu.memref_slice %arg6[%add3A_102, %dma_start3A_106] : memref<104x128xi32, #tpu.memory_space<vmem>> -> memref<1x128xi32, #tpu.memory_space<vmem>>
      %dma_start3A_108 = tpu.memref_squeeze %dma_start3A_107 : memref<1x128xi32, #tpu.memory_space<vmem>> -> memref<128xi32, #tpu.memory_space<vmem>>
      %dma_start3A_109 = arith.constant 0 : i32
      %dma_start3A_110 = arith.constant 0 : i32
      %dma_start3A_111 = tpu.memref_slice %arg3[%dma_start3A_109, %dma_start3A_110] : memref<2609152x16xf32, #tpu.memory_space<hbm>> -> memref<2609152x16xf32, #tpu.memory_space<hbm>>
      tpu.enqueue_indirect_dma source(%dma_start3A_111 : memref<2609152x16xf32, #tpu.memory_space<hbm>>) target(%dma_start3A_105 : memref<128x16xf32, #tpu.memory_space<vmem>>) offsets(%dma_start3A_108 : memref<128xi32, #tpu.memory_space<vmem>>) semaphore(%arg11 : memref<!tpu.dma_semaphore, #tpu.memory_space<semaphore_mem>>)
      %mul3A_112 = arith.constant 26 : i32
      %mul3A_113 = arith.muli %scan3A_8, %mul3A_112 : i32
      %add3A_114 = arith.constant 8 : i32
      %add3A_115 = arith.addi %mul3A_113, %add3A_114 : i32
      %dma_start3A_116 = arith.constant 1024 : i32
      %dma_start3A_117 = arith.constant 0 : i32
      %dma_start3A_118 = tpu.memref_slice %arg7[%dma_start3A_116, %dma_start3A_117] : memref<3328x16xf32, #tpu.memory_space<vmem>> -> memref<128x16xf32, #tpu.memory_space<vmem>>
      %dma_start3A_119 = arith.constant 0 : i32
      %dma_start3A_120 = tpu.memref_slice %arg6[%add3A_115, %dma_start3A_119] : memref<104x128xi32, #tpu.memory_space<vmem>> -> memref<1x128xi32, #tpu.memory_space<vmem>>
      %dma_start3A_121 = tpu.memref_squeeze %dma_start3A_120 : memref<1x128xi32, #tpu.memory_space<vmem>> -> memref<128xi32, #tpu.memory_space<vmem>>
      %dma_start3A_122 = arith.constant 0 : i32
      %dma_start3A_123 = arith.constant 0 : i32
      %dma_start3A_124 = tpu.memref_slice %arg3[%dma_start3A_122, %dma_start3A_123] : memref<2609152x16xf32, #tpu.memory_space<hbm>> -> memref<2609152x16xf32, #tpu.memory_space<hbm>>
      tpu.enqueue_indirect_dma source(%dma_start3A_124 : memref<2609152x16xf32, #tpu.memory_space<hbm>>) target(%dma_start3A_118 : memref<128x16xf32, #tpu.memory_space<vmem>>) offsets(%dma_start3A_121 : memref<128xi32, #tpu.memory_space<vmem>>) semaphore(%arg11 : memref<!tpu.dma_semaphore, #tpu.memory_space<semaphore_mem>>)
      %mul3A_125 = arith.constant 26 : i32
      %mul3A_126 = arith.muli %scan3A_8, %mul3A_125 : i32
      %add3A_127 = arith.constant 9 : i32
      %add3A_128 = arith.addi %mul3A_126, %add3A_127 : i32
      %dma_start3A_129 = arith.constant 1152 : i32
      %dma_start3A_130 = arith.constant 0 : i32
      %dma_start3A_131 = tpu.memref_slice %arg7[%dma_start3A_129, %dma_start3A_130] : memref<3328x16xf32, #tpu.memory_space<vmem>> -> memref<128x16xf32, #tpu.memory_space<vmem>>
      %dma_start3A_132 = arith.constant 0 : i32
      %dma_start3A_133 = tpu.memref_slice %arg6[%add3A_128, %dma_start3A_132] : memref<104x128xi32, #tpu.memory_space<vmem>> -> memref<1x128xi32, #tpu.memory_space<vmem>>
      %dma_start3A_134 = tpu.memref_squeeze %dma_start3A_133 : memref<1x128xi32, #tpu.memory_space<vmem>> -> memref<128xi32, #tpu.memory_space<vmem>>
      %dma_start3A_135 = arith.constant 0 : i32
      %dma_start3A_136 = arith.constant 0 : i32
      %dma_start3A_137 = tpu.memref_slice %arg3[%dma_start3A_135, %dma_start3A_136] : memref<2609152x16xf32, #tpu.memory_space<hbm>> -> memref<2609152x16xf32, #tpu.memory_space<hbm>>
      tpu.enqueue_indirect_dma source(%dma_start3A_137 : memref<2609152x16xf32, #tpu.memory_space<hbm>>) target(%dma_start3A_131 : memref<128x16xf32, #tpu.memory_space<vmem>>) offsets(%dma_start3A_134 : memref<128xi32, #tpu.memory_space<vmem>>) semaphore(%arg11 : memref<!tpu.dma_semaphore, #tpu.memory_space<semaphore_mem>>)
      %mul3A_138 = arith.constant 26 : i32
      %mul3A_139 = arith.muli %scan3A_8, %mul3A_138 : i32
      %add3A_140 = arith.constant 10 : i32
      %add3A_141 = arith.addi %mul3A_139, %add3A_140 : i32
      %dma_start3A_142 = arith.constant 1280 : i32
      %dma_start3A_143 = arith.constant 0 : i32
      %dma_start3A_144 = tpu.memref_slice %arg7[%dma_start3A_142, %dma_start3A_143] : memref<3328x16xf32, #tpu.memory_space<vmem>> -> memref<128x16xf32, #tpu.memory_space<vmem>>
      %dma_start3A_145 = arith.constant 0 : i32
      %dma_start3A_146 = tpu.memref_slice %arg6[%add3A_141, %dma_start3A_145] : memref<104x128xi32, #tpu.memory_space<vmem>> -> memref<1x128xi32, #tpu.memory_space<vmem>>
      %dma_start3A_147 = tpu.memref_squeeze %dma_start3A_146 : memref<1x128xi32, #tpu.memory_space<vmem>> -> memref<128xi32, #tpu.memory_space<vmem>>
      %dma_start3A_148 = arith.constant 0 : i32
      %dma_start3A_149 = arith.constant 0 : i32
      %dma_start3A_150 = tpu.memref_slice %arg3[%dma_start3A_148, %dma_start3A_149] : memref<2609152x16xf32, #tpu.memory_space<hbm>> -> memref<2609152x16xf32, #tpu.memory_space<hbm>>
      tpu.enqueue_indirect_dma source(%dma_start3A_150 : memref<2609152x16xf32, #tpu.memory_space<hbm>>) target(%dma_start3A_144 : memref<128x16xf32, #tpu.memory_space<vmem>>) offsets(%dma_start3A_147 : memref<128xi32, #tpu.memory_space<vmem>>) semaphore(%arg11 : memref<!tpu.dma_semaphore, #tpu.memory_space<semaphore_mem>>)
      %mul3A_151 = arith.constant 26 : i32
      %mul3A_152 = arith.muli %scan3A_8, %mul3A_151 : i32
      %add3A_153 = arith.constant 11 : i32
      %add3A_154 = arith.addi %mul3A_152, %add3A_153 : i32
      %dma_start3A_155 = arith.constant 1408 : i32
      %dma_start3A_156 = arith.constant 0 : i32
      %dma_start3A_157 = tpu.memref_slice %arg7[%dma_start3A_155, %dma_start3A_156] : memref<3328x16xf32, #tpu.memory_space<vmem>> -> memref<128x16xf32, #tpu.memory_space<vmem>>
      %dma_start3A_158 = arith.constant 0 : i32
      %dma_start3A_159 = tpu.memref_slice %arg6[%add3A_154, %dma_start3A_158] : memref<104x128xi32, #tpu.memory_space<vmem>> -> memref<1x128xi32, #tpu.memory_space<vmem>>
      %dma_start3A_160 = tpu.memref_squeeze %dma_start3A_159 : memref<1x128xi32, #tpu.memory_space<vmem>> -> memref<128xi32, #tpu.memory_space<vmem>>
      %dma_start3A_161 = arith.constant 0 : i32
      %dma_start3A_162 = arith.constant 0 : i32
      %dma_start3A_163 = tpu.memref_slice %arg3[%dma_start3A_161, %dma_start3A_162] : memref<2609152x16xf32, #tpu.memory_space<hbm>> -> memref<2609152x16xf32, #tpu.memory_space<hbm>>
      tpu.enqueue_indirect_dma source(%dma_start3A_163 : memref<2609152x16xf32, #tpu.memory_space<hbm>>) target(%dma_start3A_157 : memref<128x16xf32, #tpu.memory_space<vmem>>) offsets(%dma_start3A_160 : memref<128xi32, #tpu.memory_space<vmem>>) semaphore(%arg11 : memref<!tpu.dma_semaphore, #tpu.memory_space<semaphore_mem>>)
      %mul3A_164 = arith.constant 26 : i32
      %mul3A_165 = arith.muli %scan3A_8, %mul3A_164 : i32
      %add3A_166 = arith.constant 12 : i32
      %add3A_167 = arith.addi %mul3A_165, %add3A_166 : i32
      %dma_start3A_168 = arith.constant 1536 : i32
      %dma_start3A_169 = arith.constant 0 : i32
      %dma_start3A_170 = tpu.memref_slice %arg7[%dma_start3A_168, %dma_start3A_169] : memref<3328x16xf32, #tpu.memory_space<vmem>> -> memref<128x16xf32, #tpu.memory_space<vmem>>
      %dma_start3A_171 = arith.constant 0 : i32
      %dma_start3A_172 = tpu.memref_slice %arg6[%add3A_167, %dma_start3A_171] : memref<104x128xi32, #tpu.memory_space<vmem>> -> memref<1x128xi32, #tpu.memory_space<vmem>>
      %dma_start3A_173 = tpu.memref_squeeze %dma_start3A_172 : memref<1x128xi32, #tpu.memory_space<vmem>> -> memref<128xi32, #tpu.memory_space<vmem>>
      %dma_start3A_174 = arith.constant 0 : i32
      %dma_start3A_175 = arith.constant 0 : i32
      %dma_start3A_176 = tpu.memref_slice %arg3[%dma_start3A_174, %dma_start3A_175] : memref<2609152x16xf32, #tpu.memory_space<hbm>> -> memref<2609152x16xf32, #tpu.memory_space<hbm>>
      tpu.enqueue_indirect_dma source(%dma_start3A_176 : memref<2609152x16xf32, #tpu.memory_space<hbm>>) target(%dma_start3A_170 : memref<128x16xf32, #tpu.memory_space<vmem>>) offsets(%dma_start3A_173 : memref<128xi32, #tpu.memory_space<vmem>>) semaphore(%arg11 : memref<!tpu.dma_semaphore, #tpu.memory_space<semaphore_mem>>)
      %mul3A_177 = arith.constant 26 : i32
      %mul3A_178 = arith.muli %scan3A_8, %mul3A_177 : i32
      %add3A_179 = arith.constant 13 : i32
      %add3A_180 = arith.addi %mul3A_178, %add3A_179 : i32
      %dma_start3A_181 = arith.constant 1664 : i32
      %dma_start3A_182 = arith.constant 0 : i32
      %dma_start3A_183 = tpu.memref_slice %arg7[%dma_start3A_181, %dma_start3A_182] : memref<3328x16xf32, #tpu.memory_space<vmem>> -> memref<128x16xf32, #tpu.memory_space<vmem>>
      %dma_start3A_184 = arith.constant 0 : i32
      %dma_start3A_185 = tpu.memref_slice %arg6[%add3A_180, %dma_start3A_184] : memref<104x128xi32, #tpu.memory_space<vmem>> -> memref<1x128xi32, #tpu.memory_space<vmem>>
      %dma_start3A_186 = tpu.memref_squeeze %dma_start3A_185 : memref<1x128xi32, #tpu.memory_space<vmem>> -> memref<128xi32, #tpu.memory_space<vmem>>
      %dma_start3A_187 = arith.constant 0 : i32
      %dma_start3A_188 = arith.constant 0 : i32
      %dma_start3A_189 = tpu.memref_slice %arg3[%dma_start3A_187, %dma_start3A_188] : memref<2609152x16xf32, #tpu.memory_space<hbm>> -> memref<2609152x16xf32, #tpu.memory_space<hbm>>
      tpu.enqueue_indirect_dma source(%dma_start3A_189 : memref<2609152x16xf32, #tpu.memory_space<hbm>>) target(%dma_start3A_183 : memref<128x16xf32, #tpu.memory_space<vmem>>) offsets(%dma_start3A_186 : memref<128xi32, #tpu.memory_space<vmem>>) semaphore(%arg11 : memref<!tpu.dma_semaphore, #tpu.memory_space<semaphore_mem>>)
      %mul3A_190 = arith.constant 26 : i32
      %mul3A_191 = arith.muli %scan3A_8, %mul3A_190 : i32
      %add3A_192 = arith.constant 14 : i32
      %add3A_193 = arith.addi %mul3A_191, %add3A_192 : i32
      %dma_start3A_194 = arith.constant 1792 : i32
      %dma_start3A_195 = arith.constant 0 : i32
      %dma_start3A_196 = tpu.memref_slice %arg7[%dma_start3A_194, %dma_start3A_195] : memref<3328x16xf32, #tpu.memory_space<vmem>> -> memref<128x16xf32, #tpu.memory_space<vmem>>
      %dma_start3A_197 = arith.constant 0 : i32
      %dma_start3A_198 = tpu.memref_slice %arg6[%add3A_193, %dma_start3A_197] : memref<104x128xi32, #tpu.memory_space<vmem>> -> memref<1x128xi32, #tpu.memory_space<vmem>>
      %dma_start3A_199 = tpu.memref_squeeze %dma_start3A_198 : memref<1x128xi32, #tpu.memory_space<vmem>> -> memref<128xi32, #tpu.memory_space<vmem>>
      %dma_start3A_200 = arith.constant 0 : i32
      %dma_start3A_201 = arith.constant 0 : i32
      %dma_start3A_202 = tpu.memref_slice %arg3[%dma_start3A_200, %dma_start3A_201] : memref<2609152x16xf32, #tpu.memory_space<hbm>> -> memref<2609152x16xf32, #tpu.memory_space<hbm>>
      tpu.enqueue_indirect_dma source(%dma_start3A_202 : memref<2609152x16xf32, #tpu.memory_space<hbm>>) target(%dma_start3A_196 : memref<128x16xf32, #tpu.memory_space<vmem>>) offsets(%dma_start3A_199 : memref<128xi32, #tpu.memory_space<vmem>>) semaphore(%arg11 : memref<!tpu.dma_semaphore, #tpu.memory_space<semaphore_mem>>)
      %mul3A_203 = arith.constant 26 : i32
      %mul3A_204 = arith.muli %scan3A_8, %mul3A_203 : i32
      %add3A_205 = arith.constant 15 : i32
      %add3A_206 = arith.addi %mul3A_204, %add3A_205 : i32
      %dma_start3A_207 = arith.constant 1920 : i32
      %dma_start3A_208 = arith.constant 0 : i32
      %dma_start3A_209 = tpu.memref_slice %arg7[%dma_start3A_207, %dma_start3A_208] : memref<3328x16xf32, #tpu.memory_space<vmem>> -> memref<128x16xf32, #tpu.memory_space<vmem>>
      %dma_start3A_210 = arith.constant 0 : i32
      %dma_start3A_211 = tpu.memref_slice %arg6[%add3A_206, %dma_start3A_210] : memref<104x128xi32, #tpu.memory_space<vmem>> -> memref<1x128xi32, #tpu.memory_space<vmem>>
      %dma_start3A_212 = tpu.memref_squeeze %dma_start3A_211 : memref<1x128xi32, #tpu.memory_space<vmem>> -> memref<128xi32, #tpu.memory_space<vmem>>
      %dma_start3A_213 = arith.constant 0 : i32
      %dma_start3A_214 = arith.constant 0 : i32
      %dma_start3A_215 = tpu.memref_slice %arg3[%dma_start3A_213, %dma_start3A_214] : memref<2609152x16xf32, #tpu.memory_space<hbm>> -> memref<2609152x16xf32, #tpu.memory_space<hbm>>
      tpu.enqueue_indirect_dma source(%dma_start3A_215 : memref<2609152x16xf32, #tpu.memory_space<hbm>>) target(%dma_start3A_209 : memref<128x16xf32, #tpu.memory_space<vmem>>) offsets(%dma_start3A_212 : memref<128xi32, #tpu.memory_space<vmem>>) semaphore(%arg11 : memref<!tpu.dma_semaphore, #tpu.memory_space<semaphore_mem>>)
      %mul3A_216 = arith.constant 26 : i32
      %mul3A_217 = arith.muli %scan3A_8, %mul3A_216 : i32
      %add3A_218 = arith.constant 16 : i32
      %add3A_219 = arith.addi %mul3A_217, %add3A_218 : i32
      %dma_start3A_220 = arith.constant 2048 : i32
      %dma_start3A_221 = arith.constant 0 : i32
      %dma_start3A_222 = tpu.memref_slice %arg7[%dma_start3A_220, %dma_start3A_221] : memref<3328x16xf32, #tpu.memory_space<vmem>> -> memref<128x16xf32, #tpu.memory_space<vmem>>
      %dma_start3A_223 = arith.constant 0 : i32
      %dma_start3A_224 = tpu.memref_slice %arg6[%add3A_219, %dma_start3A_223] : memref<104x128xi32, #tpu.memory_space<vmem>> -> memref<1x128xi32, #tpu.memory_space<vmem>>
      %dma_start3A_225 = tpu.memref_squeeze %dma_start3A_224 : memref<1x128xi32, #tpu.memory_space<vmem>> -> memref<128xi32, #tpu.memory_space<vmem>>
      %dma_start3A_226 = arith.constant 0 : i32
      %dma_start3A_227 = arith.constant 0 : i32
      %dma_start3A_228 = tpu.memref_slice %arg3[%dma_start3A_226, %dma_start3A_227] : memref<2609152x16xf32, #tpu.memory_space<hbm>> -> memref<2609152x16xf32, #tpu.memory_space<hbm>>
      tpu.enqueue_indirect_dma source(%dma_start3A_228 : memref<2609152x16xf32, #tpu.memory_space<hbm>>) target(%dma_start3A_222 : memref<128x16xf32, #tpu.memory_space<vmem>>) offsets(%dma_start3A_225 : memref<128xi32, #tpu.memory_space<vmem>>) semaphore(%arg11 : memref<!tpu.dma_semaphore, #tpu.memory_space<semaphore_mem>>)
      %mul3A_229 = arith.constant 26 : i32
      %mul3A_230 = arith.muli %scan3A_8, %mul3A_229 : i32
      %add3A_231 = arith.constant 17 : i32
      %add3A_232 = arith.addi %mul3A_230, %add3A_231 : i32
      %dma_start3A_233 = arith.constant 2176 : i32
      %dma_start3A_234 = arith.constant 0 : i32
      %dma_start3A_235 = tpu.memref_slice %arg7[%dma_start3A_233, %dma_start3A_234] : memref<3328x16xf32, #tpu.memory_space<vmem>> -> memref<128x16xf32, #tpu.memory_space<vmem>>
      %dma_start3A_236 = arith.constant 0 : i32
      %dma_start3A_237 = tpu.memref_slice %arg6[%add3A_232, %dma_start3A_236] : memref<104x128xi32, #tpu.memory_space<vmem>> -> memref<1x128xi32, #tpu.memory_space<vmem>>
      %dma_start3A_238 = tpu.memref_squeeze %dma_start3A_237 : memref<1x128xi32, #tpu.memory_space<vmem>> -> memref<128xi32, #tpu.memory_space<vmem>>
      %dma_start3A_239 = arith.constant 0 : i32
      %dma_start3A_240 = arith.constant 0 : i32
      %dma_start3A_241 = tpu.memref_slice %arg3[%dma_start3A_239, %dma_start3A_240] : memref<2609152x16xf32, #tpu.memory_space<hbm>> -> memref<2609152x16xf32, #tpu.memory_space<hbm>>
      tpu.enqueue_indirect_dma source(%dma_start3A_241 : memref<2609152x16xf32, #tpu.memory_space<hbm>>) target(%dma_start3A_235 : memref<128x16xf32, #tpu.memory_space<vmem>>) offsets(%dma_start3A_238 : memref<128xi32, #tpu.memory_space<vmem>>) semaphore(%arg11 : memref<!tpu.dma_semaphore, #tpu.memory_space<semaphore_mem>>)
      %mul3A_242 = arith.constant 26 : i32
      %mul3A_243 = arith.muli %scan3A_8, %mul3A_242 : i32
      %add3A_244 = arith.constant 18 : i32
      %add3A_245 = arith.addi %mul3A_243, %add3A_244 : i32
      %dma_start3A_246 = arith.constant 2304 : i32
      %dma_start3A_247 = arith.constant 0 : i32
      %dma_start3A_248 = tpu.memref_slice %arg7[%dma_start3A_246, %dma_start3A_247] : memref<3328x16xf32, #tpu.memory_space<vmem>> -> memref<128x16xf32, #tpu.memory_space<vmem>>
      %dma_start3A_249 = arith.constant 0 : i32
      %dma_start3A_250 = tpu.memref_slice %arg6[%add3A_245, %dma_start3A_249] : memref<104x128xi32, #tpu.memory_space<vmem>> -> memref<1x128xi32, #tpu.memory_space<vmem>>
      %dma_start3A_251 = tpu.memref_squeeze %dma_start3A_250 : memref<1x128xi32, #tpu.memory_space<vmem>> -> memref<128xi32, #tpu.memory_space<vmem>>
      %dma_start3A_252 = arith.constant 0 : i32
      %dma_start3A_253 = arith.constant 0 : i32
      %dma_start3A_254 = tpu.memref_slice %arg3[%dma_start3A_252, %dma_start3A_253] : memref<2609152x16xf32, #tpu.memory_space<hbm>> -> memref<2609152x16xf32, #tpu.memory_space<hbm>>
      tpu.enqueue_indirect_dma source(%dma_start3A_254 : memref<2609152x16xf32, #tpu.memory_space<hbm>>) target(%dma_start3A_248 : memref<128x16xf32, #tpu.memory_space<vmem>>) offsets(%dma_start3A_251 : memref<128xi32, #tpu.memory_space<vmem>>) semaphore(%arg11 : memref<!tpu.dma_semaphore, #tpu.memory_space<semaphore_mem>>)
      %mul3A_255 = arith.constant 26 : i32
      %mul3A_256 = arith.muli %scan3A_8, %mul3A_255 : i32
      %add3A_257 = arith.constant 19 : i32
      %add3A_258 = arith.addi %mul3A_256, %add3A_257 : i32
      %dma_start3A_259 = arith.constant 2432 : i32
      %dma_start3A_260 = arith.constant 0 : i32
      %dma_start3A_261 = tpu.memref_slice %arg7[%dma_start3A_259, %dma_start3A_260] : memref<3328x16xf32, #tpu.memory_space<vmem>> -> memref<128x16xf32, #tpu.memory_space<vmem>>
      %dma_start3A_262 = arith.constant 0 : i32
      %dma_start3A_263 = tpu.memref_slice %arg6[%add3A_258, %dma_start3A_262] : memref<104x128xi32, #tpu.memory_space<vmem>> -> memref<1x128xi32, #tpu.memory_space<vmem>>
      %dma_start3A_264 = tpu.memref_squeeze %dma_start3A_263 : memref<1x128xi32, #tpu.memory_space<vmem>> -> memref<128xi32, #tpu.memory_space<vmem>>
      %dma_start3A_265 = arith.constant 0 : i32
      %dma_start3A_266 = arith.constant 0 : i32
      %dma_start3A_267 = tpu.memref_slice %arg3[%dma_start3A_265, %dma_start3A_266] : memref<2609152x16xf32, #tpu.memory_space<hbm>> -> memref<2609152x16xf32, #tpu.memory_space<hbm>>
      tpu.enqueue_indirect_dma source(%dma_start3A_267 : memref<2609152x16xf32, #tpu.memory_space<hbm>>) target(%dma_start3A_261 : memref<128x16xf32, #tpu.memory_space<vmem>>) offsets(%dma_start3A_264 : memref<128xi32, #tpu.memory_space<vmem>>) semaphore(%arg11 : memref<!tpu.dma_semaphore, #tpu.memory_space<semaphore_mem>>)
      %mul3A_268 = arith.constant 26 : i32
      %mul3A_269 = arith.muli %scan3A_8, %mul3A_268 : i32
      %add3A_270 = arith.constant 20 : i32
      %add3A_271 = arith.addi %mul3A_269, %add3A_270 : i32
      %dma_start3A_272 = arith.constant 2560 : i32
      %dma_start3A_273 = arith.constant 0 : i32
      %dma_start3A_274 = tpu.memref_slice %arg7[%dma_start3A_272, %dma_start3A_273] : memref<3328x16xf32, #tpu.memory_space<vmem>> -> memref<128x16xf32, #tpu.memory_space<vmem>>
      %dma_start3A_275 = arith.constant 0 : i32
      %dma_start3A_276 = tpu.memref_slice %arg6[%add3A_271, %dma_start3A_275] : memref<104x128xi32, #tpu.memory_space<vmem>> -> memref<1x128xi32, #tpu.memory_space<vmem>>
      %dma_start3A_277 = tpu.memref_squeeze %dma_start3A_276 : memref<1x128xi32, #tpu.memory_space<vmem>> -> memref<128xi32, #tpu.memory_space<vmem>>
      %dma_start3A_278 = arith.constant 0 : i32
      %dma_start3A_279 = arith.constant 0 : i32
      %dma_start3A_280 = tpu.memref_slice %arg3[%dma_start3A_278, %dma_start3A_279] : memref<2609152x16xf32, #tpu.memory_space<hbm>> -> memref<2609152x16xf32, #tpu.memory_space<hbm>>
      tpu.enqueue_indirect_dma source(%dma_start3A_280 : memref<2609152x16xf32, #tpu.memory_space<hbm>>) target(%dma_start3A_274 : memref<128x16xf32, #tpu.memory_space<vmem>>) offsets(%dma_start3A_277 : memref<128xi32, #tpu.memory_space<vmem>>) semaphore(%arg11 : memref<!tpu.dma_semaphore, #tpu.memory_space<semaphore_mem>>)
      %mul3A_281 = arith.constant 26 : i32
      %mul3A_282 = arith.muli %scan3A_8, %mul3A_281 : i32
      %add3A_283 = arith.constant 21 : i32
      %add3A_284 = arith.addi %mul3A_282, %add3A_283 : i32
      %dma_start3A_285 = arith.constant 2688 : i32
      %dma_start3A_286 = arith.constant 0 : i32
      %dma_start3A_287 = tpu.memref_slice %arg7[%dma_start3A_285, %dma_start3A_286] : memref<3328x16xf32, #tpu.memory_space<vmem>> -> memref<128x16xf32, #tpu.memory_space<vmem>>
      %dma_start3A_288 = arith.constant 0 : i32
      %dma_start3A_289 = tpu.memref_slice %arg6[%add3A_284, %dma_start3A_288] : memref<104x128xi32, #tpu.memory_space<vmem>> -> memref<1x128xi32, #tpu.memory_space<vmem>>
      %dma_start3A_290 = tpu.memref_squeeze %dma_start3A_289 : memref<1x128xi32, #tpu.memory_space<vmem>> -> memref<128xi32, #tpu.memory_space<vmem>>
      %dma_start3A_291 = arith.constant 0 : i32
      %dma_start3A_292 = arith.constant 0 : i32
      %dma_start3A_293 = tpu.memref_slice %arg3[%dma_start3A_291, %dma_start3A_292] : memref<2609152x16xf32, #tpu.memory_space<hbm>> -> memref<2609152x16xf32, #tpu.memory_space<hbm>>
      tpu.enqueue_indirect_dma source(%dma_start3A_293 : memref<2609152x16xf32, #tpu.memory_space<hbm>>) target(%dma_start3A_287 : memref<128x16xf32, #tpu.memory_space<vmem>>) offsets(%dma_start3A_290 : memref<128xi32, #tpu.memory_space<vmem>>) semaphore(%arg11 : memref<!tpu.dma_semaphore, #tpu.memory_space<semaphore_mem>>)
      %mul3A_294 = arith.constant 26 : i32
      %mul3A_295 = arith.muli %scan3A_8, %mul3A_294 : i32
      %add3A_296 = arith.constant 22 : i32
      %add3A_297 = arith.addi %mul3A_295, %add3A_296 : i32
      %dma_start3A_298 = arith.constant 2816 : i32
      %dma_start3A_299 = arith.constant 0 : i32
      %dma_start3A_300 = tpu.memref_slice %arg7[%dma_start3A_298, %dma_start3A_299] : memref<3328x16xf32, #tpu.memory_space<vmem>> -> memref<128x16xf32, #tpu.memory_space<vmem>>
      %dma_start3A_301 = arith.constant 0 : i32
      %dma_start3A_302 = tpu.memref_slice %arg6[%add3A_297, %dma_start3A_301] : memref<104x128xi32, #tpu.memory_space<vmem>> -> memref<1x128xi32, #tpu.memory_space<vmem>>
      %dma_start3A_303 = tpu.memref_squeeze %dma_start3A_302 : memref<1x128xi32, #tpu.memory_space<vmem>> -> memref<128xi32, #tpu.memory_space<vmem>>
      %dma_start3A_304 = arith.constant 0 : i32
      %dma_start3A_305 = arith.constant 0 : i32
      %dma_start3A_306 = tpu.memref_slice %arg3[%dma_start3A_304, %dma_start3A_305] : memref<2609152x16xf32, #tpu.memory_space<hbm>> -> memref<2609152x16xf32, #tpu.memory_space<hbm>>
      tpu.enqueue_indirect_dma source(%dma_start3A_306 : memref<2609152x16xf32, #tpu.memory_space<hbm>>) target(%dma_start3A_300 : memref<128x16xf32, #tpu.memory_space<vmem>>) offsets(%dma_start3A_303 : memref<128xi32, #tpu.memory_space<vmem>>) semaphore(%arg11 : memref<!tpu.dma_semaphore, #tpu.memory_space<semaphore_mem>>)
      %mul3A_307 = arith.constant 26 : i32
      %mul3A_308 = arith.muli %scan3A_8, %mul3A_307 : i32
      %add3A_309 = arith.constant 23 : i32
      %add3A_310 = arith.addi %mul3A_308, %add3A_309 : i32
      %dma_start3A_311 = arith.constant 2944 : i32
      %dma_start3A_312 = arith.constant 0 : i32
      %dma_start3A_313 = tpu.memref_slice %arg7[%dma_start3A_311, %dma_start3A_312] : memref<3328x16xf32, #tpu.memory_space<vmem>> -> memref<128x16xf32, #tpu.memory_space<vmem>>
      %dma_start3A_314 = arith.constant 0 : i32
      %dma_start3A_315 = tpu.memref_slice %arg6[%add3A_310, %dma_start3A_314] : memref<104x128xi32, #tpu.memory_space<vmem>> -> memref<1x128xi32, #tpu.memory_space<vmem>>
      %dma_start3A_316 = tpu.memref_squeeze %dma_start3A_315 : memref<1x128xi32, #tpu.memory_space<vmem>> -> memref<128xi32, #tpu.memory_space<vmem>>
      %dma_start3A_317 = arith.constant 0 : i32
      %dma_start3A_318 = arith.constant 0 : i32
      %dma_start3A_319 = tpu.memref_slice %arg3[%dma_start3A_317, %dma_start3A_318] : memref<2609152x16xf32, #tpu.memory_space<hbm>> -> memref<2609152x16xf32, #tpu.memory_space<hbm>>
      tpu.enqueue_indirect_dma source(%dma_start3A_319 : memref<2609152x16xf32, #tpu.memory_space<hbm>>) target(%dma_start3A_313 : memref<128x16xf32, #tpu.memory_space<vmem>>) offsets(%dma_start3A_316 : memref<128xi32, #tpu.memory_space<vmem>>) semaphore(%arg11 : memref<!tpu.dma_semaphore, #tpu.memory_space<semaphore_mem>>)
      %mul3A_320 = arith.constant 26 : i32
      %mul3A_321 = arith.muli %scan3A_8, %mul3A_320 : i32
      %add3A_322 = arith.constant 24 : i32
      %add3A_323 = arith.addi %mul3A_321, %add3A_322 : i32
      %dma_start3A_324 = arith.constant 3072 : i32
      %dma_start3A_325 = arith.constant 0 : i32
      %dma_start3A_326 = tpu.memref_slice %arg7[%dma_start3A_324, %dma_start3A_325] : memref<3328x16xf32, #tpu.memory_space<vmem>> -> memref<128x16xf32, #tpu.memory_space<vmem>>
      %dma_start3A_327 = arith.constant 0 : i32
      %dma_start3A_328 = tpu.memref_slice %arg6[%add3A_323, %dma_start3A_327] : memref<104x128xi32, #tpu.memory_space<vmem>> -> memref<1x128xi32, #tpu.memory_space<vmem>>
      %dma_start3A_329 = tpu.memref_squeeze %dma_start3A_328 : memref<1x128xi32, #tpu.memory_space<vmem>> -> memref<128xi32, #tpu.memory_space<vmem>>
      %dma_start3A_330 = arith.constant 0 : i32
      %dma_start3A_331 = arith.constant 0 : i32
      %dma_start3A_332 = tpu.memref_slice %arg3[%dma_start3A_330, %dma_start3A_331] : memref<2609152x16xf32, #tpu.memory_space<hbm>> -> memref<2609152x16xf32, #tpu.memory_space<hbm>>
      tpu.enqueue_indirect_dma source(%dma_start3A_332 : memref<2609152x16xf32, #tpu.memory_space<hbm>>) target(%dma_start3A_326 : memref<128x16xf32, #tpu.memory_space<vmem>>) offsets(%dma_start3A_329 : memref<128xi32, #tpu.memory_space<vmem>>) semaphore(%arg11 : memref<!tpu.dma_semaphore, #tpu.memory_space<semaphore_mem>>)
      %mul3A_333 = arith.constant 26 : i32
      %mul3A_334 = arith.muli %scan3A_8, %mul3A_333 : i32
      %add3A_335 = arith.constant 25 : i32
      %add3A_336 = arith.addi %mul3A_334, %add3A_335 : i32
      %dma_start3A_337 = arith.constant 3200 : i32
      %dma_start3A_338 = arith.constant 0 : i32
      %dma_start3A_339 = tpu.memref_slice %arg7[%dma_start3A_337, %dma_start3A_338] : memref<3328x16xf32, #tpu.memory_space<vmem>> -> memref<128x16xf32, #tpu.memory_space<vmem>>
      %dma_start3A_340 = arith.constant 0 : i32
      %dma_start3A_341 = tpu.memref_slice %arg6[%add3A_336, %dma_start3A_340] : memref<104x128xi32, #tpu.memory_space<vmem>> -> memref<1x128xi32, #tpu.memory_space<vmem>>
      %dma_start3A_342 = tpu.memref_squeeze %dma_start3A_341 : memref<1x128xi32, #tpu.memory_space<vmem>> -> memref<128xi32, #tpu.memory_space<vmem>>
      %dma_start3A_343 = arith.constant 0 : i32
      %dma_start3A_344 = arith.constant 0 : i32
      %dma_start3A_345 = tpu.memref_slice %arg3[%dma_start3A_343, %dma_start3A_344] : memref<2609152x16xf32, #tpu.memory_space<hbm>> -> memref<2609152x16xf32, #tpu.memory_space<hbm>>
      tpu.enqueue_indirect_dma source(%dma_start3A_345 : memref<2609152x16xf32, #tpu.memory_space<hbm>>) target(%dma_start3A_339 : memref<128x16xf32, #tpu.memory_space<vmem>>) offsets(%dma_start3A_342 : memref<128xi32, #tpu.memory_space<vmem>>) semaphore(%arg11 : memref<!tpu.dma_semaphore, #tpu.memory_space<semaphore_mem>>)
      %dma_wait3A = arith.constant 0 : i32
      %dma_wait3A_346 = arith.constant 0 : i32
      %dma_wait3A_347 = tpu.memref_slice %arg7[%dma_wait3A, %dma_wait3A_346] : memref<3328x16xf32, #tpu.memory_space<vmem>> -> memref<128x16xf32, #tpu.memory_space<vmem>>
      %dma_wait3A_348 = arith.constant 0 : i32
      %dma_wait3A_349 = tpu.memref_slice %arg6[%add3A_12, %dma_wait3A_348] : memref<104x128xi32, #tpu.memory_space<vmem>> -> memref<1x128xi32, #tpu.memory_space<vmem>>
      %dma_wait3A_350 = tpu.memref_squeeze %dma_wait3A_349 : memref<1x128xi32, #tpu.memory_space<vmem>> -> memref<128xi32, #tpu.memory_space<vmem>>
      %dma_wait3A_351 = arith.constant 0 : i32
      %dma_wait3A_352 = arith.constant 0 : i32
      %dma_wait3A_353 = tpu.memref_slice %arg3[%dma_wait3A_351, %dma_wait3A_352] : memref<2609152x16xf32, #tpu.memory_space<hbm>> -> memref<2609152x16xf32, #tpu.memory_space<hbm>>
      tpu.wait_indirect_dma semaphore(%arg11 : memref<!tpu.dma_semaphore, #tpu.memory_space<semaphore_mem>>) src(%dma_wait3A_353 : memref<2609152x16xf32, #tpu.memory_space<hbm>>) dst(%dma_wait3A_347 : memref<128x16xf32, #tpu.memory_space<vmem>>)
      %dma_wait3A_354 = arith.constant 128 : i32
      %dma_wait3A_355 = arith.constant 0 : i32
      %dma_wait3A_356 = tpu.memref_slice %arg7[%dma_wait3A_354, %dma_wait3A_355] : memref<3328x16xf32, #tpu.memory_space<vmem>> -> memref<128x16xf32, #tpu.memory_space<vmem>>
      %dma_wait3A_357 = arith.constant 0 : i32
      %dma_wait3A_358 = tpu.memref_slice %arg6[%add3A_24, %dma_wait3A_357] : memref<104x128xi32, #tpu.memory_space<vmem>> -> memref<1x128xi32, #tpu.memory_space<vmem>>
      %dma_wait3A_359 = tpu.memref_squeeze %dma_wait3A_358 : memref<1x128xi32, #tpu.memory_space<vmem>> -> memref<128xi32, #tpu.memory_space<vmem>>
      %dma_wait3A_360 = arith.constant 0 : i32
      %dma_wait3A_361 = arith.constant 0 : i32
      %dma_wait3A_362 = tpu.memref_slice %arg3[%dma_wait3A_360, %dma_wait3A_361] : memref<2609152x16xf32, #tpu.memory_space<hbm>> -> memref<2609152x16xf32, #tpu.memory_space<hbm>>
      tpu.wait_indirect_dma semaphore(%arg11 : memref<!tpu.dma_semaphore, #tpu.memory_space<semaphore_mem>>) src(%dma_wait3A_362 : memref<2609152x16xf32, #tpu.memory_space<hbm>>) dst(%dma_wait3A_356 : memref<128x16xf32, #tpu.memory_space<vmem>>)
      %dma_wait3A_363 = arith.constant 256 : i32
      %dma_wait3A_364 = arith.constant 0 : i32
      %dma_wait3A_365 = tpu.memref_slice %arg7[%dma_wait3A_363, %dma_wait3A_364] : memref<3328x16xf32, #tpu.memory_space<vmem>> -> memref<128x16xf32, #tpu.memory_space<vmem>>
      %dma_wait3A_366 = arith.constant 0 : i32
      %dma_wait3A_367 = tpu.memref_slice %arg6[%add3A_37, %dma_wait3A_366] : memref<104x128xi32, #tpu.memory_space<vmem>> -> memref<1x128xi32, #tpu.memory_space<vmem>>
      %dma_wait3A_368 = tpu.memref_squeeze %dma_wait3A_367 : memref<1x128xi32, #tpu.memory_space<vmem>> -> memref<128xi32, #tpu.memory_space<vmem>>
      %dma_wait3A_369 = arith.constant 0 : i32
      %dma_wait3A_370 = arith.constant 0 : i32
      %dma_wait3A_371 = tpu.memref_slice %arg3[%dma_wait3A_369, %dma_wait3A_370] : memref<2609152x16xf32, #tpu.memory_space<hbm>> -> memref<2609152x16xf32, #tpu.memory_space<hbm>>
      tpu.wait_indirect_dma semaphore(%arg11 : memref<!tpu.dma_semaphore, #tpu.memory_space<semaphore_mem>>) src(%dma_wait3A_371 : memref<2609152x16xf32, #tpu.memory_space<hbm>>) dst(%dma_wait3A_365 : memref<128x16xf32, #tpu.memory_space<vmem>>)
      %dma_wait3A_372 = arith.constant 384 : i32
      %dma_wait3A_373 = arith.constant 0 : i32
      %dma_wait3A_374 = tpu.memref_slice %arg7[%dma_wait3A_372, %dma_wait3A_373] : memref<3328x16xf32, #tpu.memory_space<vmem>> -> memref<128x16xf32, #tpu.memory_space<vmem>>
      %dma_wait3A_375 = arith.constant 0 : i32
      %dma_wait3A_376 = tpu.memref_slice %arg6[%add3A_50, %dma_wait3A_375] : memref<104x128xi32, #tpu.memory_space<vmem>> -> memref<1x128xi32, #tpu.memory_space<vmem>>
      %dma_wait3A_377 = tpu.memref_squeeze %dma_wait3A_376 : memref<1x128xi32, #tpu.memory_space<vmem>> -> memref<128xi32, #tpu.memory_space<vmem>>
      %dma_wait3A_378 = arith.constant 0 : i32
      %dma_wait3A_379 = arith.constant 0 : i32
      %dma_wait3A_380 = tpu.memref_slice %arg3[%dma_wait3A_378, %dma_wait3A_379] : memref<2609152x16xf32, #tpu.memory_space<hbm>> -> memref<2609152x16xf32, #tpu.memory_space<hbm>>
      tpu.wait_indirect_dma semaphore(%arg11 : memref<!tpu.dma_semaphore, #tpu.memory_space<semaphore_mem>>) src(%dma_wait3A_380 : memref<2609152x16xf32, #tpu.memory_space<hbm>>) dst(%dma_wait3A_374 : memref<128x16xf32, #tpu.memory_space<vmem>>)
      %dma_wait3A_381 = arith.constant 512 : i32
      %dma_wait3A_382 = arith.constant 0 : i32
      %dma_wait3A_383 = tpu.memref_slice %arg7[%dma_wait3A_381, %dma_wait3A_382] : memref<3328x16xf32, #tpu.memory_space<vmem>> -> memref<128x16xf32, #tpu.memory_space<vmem>>
      %dma_wait3A_384 = arith.constant 0 : i32
      %dma_wait3A_385 = tpu.memref_slice %arg6[%add3A_63, %dma_wait3A_384] : memref<104x128xi32, #tpu.memory_space<vmem>> -> memref<1x128xi32, #tpu.memory_space<vmem>>
      %dma_wait3A_386 = tpu.memref_squeeze %dma_wait3A_385 : memref<1x128xi32, #tpu.memory_space<vmem>> -> memref<128xi32, #tpu.memory_space<vmem>>
      %dma_wait3A_387 = arith.constant 0 : i32
      %dma_wait3A_388 = arith.constant 0 : i32
      %dma_wait3A_389 = tpu.memref_slice %arg3[%dma_wait3A_387, %dma_wait3A_388] : memref<2609152x16xf32, #tpu.memory_space<hbm>> -> memref<2609152x16xf32, #tpu.memory_space<hbm>>
      tpu.wait_indirect_dma semaphore(%arg11 : memref<!tpu.dma_semaphore, #tpu.memory_space<semaphore_mem>>) src(%dma_wait3A_389 : memref<2609152x16xf32, #tpu.memory_space<hbm>>) dst(%dma_wait3A_383 : memref<128x16xf32, #tpu.memory_space<vmem>>)
      %dma_wait3A_390 = arith.constant 640 : i32
      %dma_wait3A_391 = arith.constant 0 : i32
      %dma_wait3A_392 = tpu.memref_slice %arg7[%dma_wait3A_390, %dma_wait3A_391] : memref<3328x16xf32, #tpu.memory_space<vmem>> -> memref<128x16xf32, #tpu.memory_space<vmem>>
      %dma_wait3A_393 = arith.constant 0 : i32
      %dma_wait3A_394 = tpu.memref_slice %arg6[%add3A_76, %dma_wait3A_393] : memref<104x128xi32, #tpu.memory_space<vmem>> -> memref<1x128xi32, #tpu.memory_space<vmem>>
      %dma_wait3A_395 = tpu.memref_squeeze %dma_wait3A_394 : memref<1x128xi32, #tpu.memory_space<vmem>> -> memref<128xi32, #tpu.memory_space<vmem>>
      %dma_wait3A_396 = arith.constant 0 : i32
      %dma_wait3A_397 = arith.constant 0 : i32
      %dma_wait3A_398 = tpu.memref_slice %arg3[%dma_wait3A_396, %dma_wait3A_397] : memref<2609152x16xf32, #tpu.memory_space<hbm>> -> memref<2609152x16xf32, #tpu.memory_space<hbm>>
      tpu.wait_indirect_dma semaphore(%arg11 : memref<!tpu.dma_semaphore, #tpu.memory_space<semaphore_mem>>) src(%dma_wait3A_398 : memref<2609152x16xf32, #tpu.memory_space<hbm>>) dst(%dma_wait3A_392 : memref<128x16xf32, #tpu.memory_space<vmem>>)
      %dma_wait3A_399 = arith.constant 768 : i32
      %dma_wait3A_400 = arith.constant 0 : i32
      %dma_wait3A_401 = tpu.memref_slice %arg7[%dma_wait3A_399, %dma_wait3A_400] : memref<3328x16xf32, #tpu.memory_space<vmem>> -> memref<128x16xf32, #tpu.memory_space<vmem>>
      %dma_wait3A_402 = arith.constant 0 : i32
      %dma_wait3A_403 = tpu.memref_slice %arg6[%add3A_89, %dma_wait3A_402] : memref<104x128xi32, #tpu.memory_space<vmem>> -> memref<1x128xi32, #tpu.memory_space<vmem>>
      %dma_wait3A_404 = tpu.memref_squeeze %dma_wait3A_403 : memref<1x128xi32, #tpu.memory_space<vmem>> -> memref<128xi32, #tpu.memory_space<vmem>>
      %dma_wait3A_405 = arith.constant 0 : i32
      %dma_wait3A_406 = arith.constant 0 : i32
      %dma_wait3A_407 = tpu.memref_slice %arg3[%dma_wait3A_405, %dma_wait3A_406] : memref<2609152x16xf32, #tpu.memory_space<hbm>> -> memref<2609152x16xf32, #tpu.memory_space<hbm>>
      tpu.wait_indirect_dma semaphore(%arg11 : memref<!tpu.dma_semaphore, #tpu.memory_space<semaphore_mem>>) src(%dma_wait3A_407 : memref<2609152x16xf32, #tpu.memory_space<hbm>>) dst(%dma_wait3A_401 : memref<128x16xf32, #tpu.memory_space<vmem>>)
      %dma_wait3A_408 = arith.constant 896 : i32
      %dma_wait3A_409 = arith.constant 0 : i32
      %dma_wait3A_410 = tpu.memref_slice %arg7[%dma_wait3A_408, %dma_wait3A_409] : memref<3328x16xf32, #tpu.memory_space<vmem>> -> memref<128x16xf32, #tpu.memory_space<vmem>>
      %dma_wait3A_411 = arith.constant 0 : i32
      %dma_wait3A_412 = tpu.memref_slice %arg6[%add3A_102, %dma_wait3A_411] : memref<104x128xi32, #tpu.memory_space<vmem>> -> memref<1x128xi32, #tpu.memory_space<vmem>>
      %dma_wait3A_413 = tpu.memref_squeeze %dma_wait3A_412 : memref<1x128xi32, #tpu.memory_space<vmem>> -> memref<128xi32, #tpu.memory_space<vmem>>
      %dma_wait3A_414 = arith.constant 0 : i32
      %dma_wait3A_415 = arith.constant 0 : i32
      %dma_wait3A_416 = tpu.memref_slice %arg3[%dma_wait3A_414, %dma_wait3A_415] : memref<2609152x16xf32, #tpu.memory_space<hbm>> -> memref<2609152x16xf32, #tpu.memory_space<hbm>>
      tpu.wait_indirect_dma semaphore(%arg11 : memref<!tpu.dma_semaphore, #tpu.memory_space<semaphore_mem>>) src(%dma_wait3A_416 : memref<2609152x16xf32, #tpu.memory_space<hbm>>) dst(%dma_wait3A_410 : memref<128x16xf32, #tpu.memory_space<vmem>>)
      %dma_wait3A_417 = arith.constant 1024 : i32
      %dma_wait3A_418 = arith.constant 0 : i32
      %dma_wait3A_419 = tpu.memref_slice %arg7[%dma_wait3A_417, %dma_wait3A_418] : memref<3328x16xf32, #tpu.memory_space<vmem>> -> memref<128x16xf32, #tpu.memory_space<vmem>>
      %dma_wait3A_420 = arith.constant 0 : i32
      %dma_wait3A_421 = tpu.memref_slice %arg6[%add3A_115, %dma_wait3A_420] : memref<104x128xi32, #tpu.memory_space<vmem>> -> memref<1x128xi32, #tpu.memory_space<vmem>>
      %dma_wait3A_422 = tpu.memref_squeeze %dma_wait3A_421 : memref<1x128xi32, #tpu.memory_space<vmem>> -> memref<128xi32, #tpu.memory_space<vmem>>
      %dma_wait3A_423 = arith.constant 0 : i32
      %dma_wait3A_424 = arith.constant 0 : i32
      %dma_wait3A_425 = tpu.memref_slice %arg3[%dma_wait3A_423, %dma_wait3A_424] : memref<2609152x16xf32, #tpu.memory_space<hbm>> -> memref<2609152x16xf32, #tpu.memory_space<hbm>>
      tpu.wait_indirect_dma semaphore(%arg11 : memref<!tpu.dma_semaphore, #tpu.memory_space<semaphore_mem>>) src(%dma_wait3A_425 : memref<2609152x16xf32, #tpu.memory_space<hbm>>) dst(%dma_wait3A_419 : memref<128x16xf32, #tpu.memory_space<vmem>>)
      %dma_wait3A_426 = arith.constant 1152 : i32
      %dma_wait3A_427 = arith.constant 0 : i32
      %dma_wait3A_428 = tpu.memref_slice %arg7[%dma_wait3A_426, %dma_wait3A_427] : memref<3328x16xf32, #tpu.memory_space<vmem>> -> memref<128x16xf32, #tpu.memory_space<vmem>>
      %dma_wait3A_429 = arith.constant 0 : i32
      %dma_wait3A_430 = tpu.memref_slice %arg6[%add3A_128, %dma_wait3A_429] : memref<104x128xi32, #tpu.memory_space<vmem>> -> memref<1x128xi32, #tpu.memory_space<vmem>>
      %dma_wait3A_431 = tpu.memref_squeeze %dma_wait3A_430 : memref<1x128xi32, #tpu.memory_space<vmem>> -> memref<128xi32, #tpu.memory_space<vmem>>
      %dma_wait3A_432 = arith.constant 0 : i32
      %dma_wait3A_433 = arith.constant 0 : i32
      %dma_wait3A_434 = tpu.memref_slice %arg3[%dma_wait3A_432, %dma_wait3A_433] : memref<2609152x16xf32, #tpu.memory_space<hbm>> -> memref<2609152x16xf32, #tpu.memory_space<hbm>>
      tpu.wait_indirect_dma semaphore(%arg11 : memref<!tpu.dma_semaphore, #tpu.memory_space<semaphore_mem>>) src(%dma_wait3A_434 : memref<2609152x16xf32, #tpu.memory_space<hbm>>) dst(%dma_wait3A_428 : memref<128x16xf32, #tpu.memory_space<vmem>>)
      %dma_wait3A_435 = arith.constant 1280 : i32
      %dma_wait3A_436 = arith.constant 0 : i32
      %dma_wait3A_437 = tpu.memref_slice %arg7[%dma_wait3A_435, %dma_wait3A_436] : memref<3328x16xf32, #tpu.memory_space<vmem>> -> memref<128x16xf32, #tpu.memory_space<vmem>>
      %dma_wait3A_438 = arith.constant 0 : i32
      %dma_wait3A_439 = tpu.memref_slice %arg6[%add3A_141, %dma_wait3A_438] : memref<104x128xi32, #tpu.memory_space<vmem>> -> memref<1x128xi32, #tpu.memory_space<vmem>>
      %dma_wait3A_440 = tpu.memref_squeeze %dma_wait3A_439 : memref<1x128xi32, #tpu.memory_space<vmem>> -> memref<128xi32, #tpu.memory_space<vmem>>
      %dma_wait3A_441 = arith.constant 0 : i32
      %dma_wait3A_442 = arith.constant 0 : i32
      %dma_wait3A_443 = tpu.memref_slice %arg3[%dma_wait3A_441, %dma_wait3A_442] : memref<2609152x16xf32, #tpu.memory_space<hbm>> -> memref<2609152x16xf32, #tpu.memory_space<hbm>>
      tpu.wait_indirect_dma semaphore(%arg11 : memref<!tpu.dma_semaphore, #tpu.memory_space<semaphore_mem>>) src(%dma_wait3A_443 : memref<2609152x16xf32, #tpu.memory_space<hbm>>) dst(%dma_wait3A_437 : memref<128x16xf32, #tpu.memory_space<vmem>>)
      %dma_wait3A_444 = arith.constant 1408 : i32
      %dma_wait3A_445 = arith.constant 0 : i32
      %dma_wait3A_446 = tpu.memref_slice %arg7[%dma_wait3A_444, %dma_wait3A_445] : memref<3328x16xf32, #tpu.memory_space<vmem>> -> memref<128x16xf32, #tpu.memory_space<vmem>>
      %dma_wait3A_447 = arith.constant 0 : i32
      %dma_wait3A_448 = tpu.memref_slice %arg6[%add3A_154, %dma_wait3A_447] : memref<104x128xi32, #tpu.memory_space<vmem>> -> memref<1x128xi32, #tpu.memory_space<vmem>>
      %dma_wait3A_449 = tpu.memref_squeeze %dma_wait3A_448 : memref<1x128xi32, #tpu.memory_space<vmem>> -> memref<128xi32, #tpu.memory_space<vmem>>
      %dma_wait3A_450 = arith.constant 0 : i32
      %dma_wait3A_451 = arith.constant 0 : i32
      %dma_wait3A_452 = tpu.memref_slice %arg3[%dma_wait3A_450, %dma_wait3A_451] : memref<2609152x16xf32, #tpu.memory_space<hbm>> -> memref<2609152x16xf32, #tpu.memory_space<hbm>>
      tpu.wait_indirect_dma semaphore(%arg11 : memref<!tpu.dma_semaphore, #tpu.memory_space<semaphore_mem>>) src(%dma_wait3A_452 : memref<2609152x16xf32, #tpu.memory_space<hbm>>) dst(%dma_wait3A_446 : memref<128x16xf32, #tpu.memory_space<vmem>>)
      %dma_wait3A_453 = arith.constant 1536 : i32
      %dma_wait3A_454 = arith.constant 0 : i32
      %dma_wait3A_455 = tpu.memref_slice %arg7[%dma_wait3A_453, %dma_wait3A_454] : memref<3328x16xf32, #tpu.memory_space<vmem>> -> memref<128x16xf32, #tpu.memory_space<vmem>>
      %dma_wait3A_456 = arith.constant 0 : i32
      %dma_wait3A_457 = tpu.memref_slice %arg6[%add3A_167, %dma_wait3A_456] : memref<104x128xi32, #tpu.memory_space<vmem>> -> memref<1x128xi32, #tpu.memory_space<vmem>>
      %dma_wait3A_458 = tpu.memref_squeeze %dma_wait3A_457 : memref<1x128xi32, #tpu.memory_space<vmem>> -> memref<128xi32, #tpu.memory_space<vmem>>
      %dma_wait3A_459 = arith.constant 0 : i32
      %dma_wait3A_460 = arith.constant 0 : i32
      %dma_wait3A_461 = tpu.memref_slice %arg3[%dma_wait3A_459, %dma_wait3A_460] : memref<2609152x16xf32, #tpu.memory_space<hbm>> -> memref<2609152x16xf32, #tpu.memory_space<hbm>>
      tpu.wait_indirect_dma semaphore(%arg11 : memref<!tpu.dma_semaphore, #tpu.memory_space<semaphore_mem>>) src(%dma_wait3A_461 : memref<2609152x16xf32, #tpu.memory_space<hbm>>) dst(%dma_wait3A_455 : memref<128x16xf32, #tpu.memory_space<vmem>>)
      %dma_wait3A_462 = arith.constant 1664 : i32
      %dma_wait3A_463 = arith.constant 0 : i32
      %dma_wait3A_464 = tpu.memref_slice %arg7[%dma_wait3A_462, %dma_wait3A_463] : memref<3328x16xf32, #tpu.memory_space<vmem>> -> memref<128x16xf32, #tpu.memory_space<vmem>>
      %dma_wait3A_465 = arith.constant 0 : i32
      %dma_wait3A_466 = tpu.memref_slice %arg6[%add3A_180, %dma_wait3A_465] : memref<104x128xi32, #tpu.memory_space<vmem>> -> memref<1x128xi32, #tpu.memory_space<vmem>>
      %dma_wait3A_467 = tpu.memref_squeeze %dma_wait3A_466 : memref<1x128xi32, #tpu.memory_space<vmem>> -> memref<128xi32, #tpu.memory_space<vmem>>
      %dma_wait3A_468 = arith.constant 0 : i32
      %dma_wait3A_469 = arith.constant 0 : i32
      %dma_wait3A_470 = tpu.memref_slice %arg3[%dma_wait3A_468, %dma_wait3A_469] : memref<2609152x16xf32, #tpu.memory_space<hbm>> -> memref<2609152x16xf32, #tpu.memory_space<hbm>>
      tpu.wait_indirect_dma semaphore(%arg11 : memref<!tpu.dma_semaphore, #tpu.memory_space<semaphore_mem>>) src(%dma_wait3A_470 : memref<2609152x16xf32, #tpu.memory_space<hbm>>) dst(%dma_wait3A_464 : memref<128x16xf32, #tpu.memory_space<vmem>>)
      %dma_wait3A_471 = arith.constant 1792 : i32
      %dma_wait3A_472 = arith.constant 0 : i32
      %dma_wait3A_473 = tpu.memref_slice %arg7[%dma_wait3A_471, %dma_wait3A_472] : memref<3328x16xf32, #tpu.memory_space<vmem>> -> memref<128x16xf32, #tpu.memory_space<vmem>>
      %dma_wait3A_474 = arith.constant 0 : i32
      %dma_wait3A_475 = tpu.memref_slice %arg6[%add3A_193, %dma_wait3A_474] : memref<104x128xi32, #tpu.memory_space<vmem>> -> memref<1x128xi32, #tpu.memory_space<vmem>>
      %dma_wait3A_476 = tpu.memref_squeeze %dma_wait3A_475 : memref<1x128xi32, #tpu.memory_space<vmem>> -> memref<128xi32, #tpu.memory_space<vmem>>
      %dma_wait3A_477 = arith.constant 0 : i32
      %dma_wait3A_478 = arith.constant 0 : i32
      %dma_wait3A_479 = tpu.memref_slice %arg3[%dma_wait3A_477, %dma_wait3A_478] : memref<2609152x16xf32, #tpu.memory_space<hbm>> -> memref<2609152x16xf32, #tpu.memory_space<hbm>>
      tpu.wait_indirect_dma semaphore(%arg11 : memref<!tpu.dma_semaphore, #tpu.memory_space<semaphore_mem>>) src(%dma_wait3A_479 : memref<2609152x16xf32, #tpu.memory_space<hbm>>) dst(%dma_wait3A_473 : memref<128x16xf32, #tpu.memory_space<vmem>>)
      %dma_wait3A_480 = arith.constant 1920 : i32
      %dma_wait3A_481 = arith.constant 0 : i32
      %dma_wait3A_482 = tpu.memref_slice %arg7[%dma_wait3A_480, %dma_wait3A_481] : memref<3328x16xf32, #tpu.memory_space<vmem>> -> memref<128x16xf32, #tpu.memory_space<vmem>>
      %dma_wait3A_483 = arith.constant 0 : i32
      %dma_wait3A_484 = tpu.memref_slice %arg6[%add3A_206, %dma_wait3A_483] : memref<104x128xi32, #tpu.memory_space<vmem>> -> memref<1x128xi32, #tpu.memory_space<vmem>>
      %dma_wait3A_485 = tpu.memref_squeeze %dma_wait3A_484 : memref<1x128xi32, #tpu.memory_space<vmem>> -> memref<128xi32, #tpu.memory_space<vmem>>
      %dma_wait3A_486 = arith.constant 0 : i32
      %dma_wait3A_487 = arith.constant 0 : i32
      %dma_wait3A_488 = tpu.memref_slice %arg3[%dma_wait3A_486, %dma_wait3A_487] : memref<2609152x16xf32, #tpu.memory_space<hbm>> -> memref<2609152x16xf32, #tpu.memory_space<hbm>>
      tpu.wait_indirect_dma semaphore(%arg11 : memref<!tpu.dma_semaphore, #tpu.memory_space<semaphore_mem>>) src(%dma_wait3A_488 : memref<2609152x16xf32, #tpu.memory_space<hbm>>) dst(%dma_wait3A_482 : memref<128x16xf32, #tpu.memory_space<vmem>>)
      %dma_wait3A_489 = arith.constant 2048 : i32
      %dma_wait3A_490 = arith.constant 0 : i32
      %dma_wait3A_491 = tpu.memref_slice %arg7[%dma_wait3A_489, %dma_wait3A_490] : memref<3328x16xf32, #tpu.memory_space<vmem>> -> memref<128x16xf32, #tpu.memory_space<vmem>>
      %dma_wait3A_492 = arith.constant 0 : i32
      %dma_wait3A_493 = tpu.memref_slice %arg6[%add3A_219, %dma_wait3A_492] : memref<104x128xi32, #tpu.memory_space<vmem>> -> memref<1x128xi32, #tpu.memory_space<vmem>>
      %dma_wait3A_494 = tpu.memref_squeeze %dma_wait3A_493 : memref<1x128xi32, #tpu.memory_space<vmem>> -> memref<128xi32, #tpu.memory_space<vmem>>
      %dma_wait3A_495 = arith.constant 0 : i32
      %dma_wait3A_496 = arith.constant 0 : i32
      %dma_wait3A_497 = tpu.memref_slice %arg3[%dma_wait3A_495, %dma_wait3A_496] : memref<2609152x16xf32, #tpu.memory_space<hbm>> -> memref<2609152x16xf32, #tpu.memory_space<hbm>>
      tpu.wait_indirect_dma semaphore(%arg11 : memref<!tpu.dma_semaphore, #tpu.memory_space<semaphore_mem>>) src(%dma_wait3A_497 : memref<2609152x16xf32, #tpu.memory_space<hbm>>) dst(%dma_wait3A_491 : memref<128x16xf32, #tpu.memory_space<vmem>>)
      %dma_wait3A_498 = arith.constant 2176 : i32
      %dma_wait3A_499 = arith.constant 0 : i32
      %dma_wait3A_500 = tpu.memref_slice %arg7[%dma_wait3A_498, %dma_wait3A_499] : memref<3328x16xf32, #tpu.memory_space<vmem>> -> memref<128x16xf32, #tpu.memory_space<vmem>>
      %dma_wait3A_501 = arith.constant 0 : i32
      %dma_wait3A_502 = tpu.memref_slice %arg6[%add3A_232, %dma_wait3A_501] : memref<104x128xi32, #tpu.memory_space<vmem>> -> memref<1x128xi32, #tpu.memory_space<vmem>>
      %dma_wait3A_503 = tpu.memref_squeeze %dma_wait3A_502 : memref<1x128xi32, #tpu.memory_space<vmem>> -> memref<128xi32, #tpu.memory_space<vmem>>
      %dma_wait3A_504 = arith.constant 0 : i32
      %dma_wait3A_505 = arith.constant 0 : i32
      %dma_wait3A_506 = tpu.memref_slice %arg3[%dma_wait3A_504, %dma_wait3A_505] : memref<2609152x16xf32, #tpu.memory_space<hbm>> -> memref<2609152x16xf32, #tpu.memory_space<hbm>>
      tpu.wait_indirect_dma semaphore(%arg11 : memref<!tpu.dma_semaphore, #tpu.memory_space<semaphore_mem>>) src(%dma_wait3A_506 : memref<2609152x16xf32, #tpu.memory_space<hbm>>) dst(%dma_wait3A_500 : memref<128x16xf32, #tpu.memory_space<vmem>>)
      %dma_wait3A_507 = arith.constant 2304 : i32
      %dma_wait3A_508 = arith.constant 0 : i32
      %dma_wait3A_509 = tpu.memref_slice %arg7[%dma_wait3A_507, %dma_wait3A_508] : memref<3328x16xf32, #tpu.memory_space<vmem>> -> memref<128x16xf32, #tpu.memory_space<vmem>>
      %dma_wait3A_510 = arith.constant 0 : i32
      %dma_wait3A_511 = tpu.memref_slice %arg6[%add3A_245, %dma_wait3A_510] : memref<104x128xi32, #tpu.memory_space<vmem>> -> memref<1x128xi32, #tpu.memory_space<vmem>>
      %dma_wait3A_512 = tpu.memref_squeeze %dma_wait3A_511 : memref<1x128xi32, #tpu.memory_space<vmem>> -> memref<128xi32, #tpu.memory_space<vmem>>
      %dma_wait3A_513 = arith.constant 0 : i32
      %dma_wait3A_514 = arith.constant 0 : i32
      %dma_wait3A_515 = tpu.memref_slice %arg3[%dma_wait3A_513, %dma_wait3A_514] : memref<2609152x16xf32, #tpu.memory_space<hbm>> -> memref<2609152x16xf32, #tpu.memory_space<hbm>>
      tpu.wait_indirect_dma semaphore(%arg11 : memref<!tpu.dma_semaphore, #tpu.memory_space<semaphore_mem>>) src(%dma_wait3A_515 : memref<2609152x16xf32, #tpu.memory_space<hbm>>) dst(%dma_wait3A_509 : memref<128x16xf32, #tpu.memory_space<vmem>>)
      %dma_wait3A_516 = arith.constant 2432 : i32
      %dma_wait3A_517 = arith.constant 0 : i32
      %dma_wait3A_518 = tpu.memref_slice %arg7[%dma_wait3A_516, %dma_wait3A_517] : memref<3328x16xf32, #tpu.memory_space<vmem>> -> memref<128x16xf32, #tpu.memory_space<vmem>>
      %dma_wait3A_519 = arith.constant 0 : i32
      %dma_wait3A_520 = tpu.memref_slice %arg6[%add3A_258, %dma_wait3A_519] : memref<104x128xi32, #tpu.memory_space<vmem>> -> memref<1x128xi32, #tpu.memory_space<vmem>>
      %dma_wait3A_521 = tpu.memref_squeeze %dma_wait3A_520 : memref<1x128xi32, #tpu.memory_space<vmem>> -> memref<128xi32, #tpu.memory_space<vmem>>
      %dma_wait3A_522 = arith.constant 0 : i32
      %dma_wait3A_523 = arith.constant 0 : i32
      %dma_wait3A_524 = tpu.memref_slice %arg3[%dma_wait3A_522, %dma_wait3A_523] : memref<2609152x16xf32, #tpu.memory_space<hbm>> -> memref<2609152x16xf32, #tpu.memory_space<hbm>>
      tpu.wait_indirect_dma semaphore(%arg11 : memref<!tpu.dma_semaphore, #tpu.memory_space<semaphore_mem>>) src(%dma_wait3A_524 : memref<2609152x16xf32, #tpu.memory_space<hbm>>) dst(%dma_wait3A_518 : memref<128x16xf32, #tpu.memory_space<vmem>>)
      %dma_wait3A_525 = arith.constant 2560 : i32
      %dma_wait3A_526 = arith.constant 0 : i32
      %dma_wait3A_527 = tpu.memref_slice %arg7[%dma_wait3A_525, %dma_wait3A_526] : memref<3328x16xf32, #tpu.memory_space<vmem>> -> memref<128x16xf32, #tpu.memory_space<vmem>>
      %dma_wait3A_528 = arith.constant 0 : i32
      %dma_wait3A_529 = tpu.memref_slice %arg6[%add3A_271, %dma_wait3A_528] : memref<104x128xi32, #tpu.memory_space<vmem>> -> memref<1x128xi32, #tpu.memory_space<vmem>>
      %dma_wait3A_530 = tpu.memref_squeeze %dma_wait3A_529 : memref<1x128xi32, #tpu.memory_space<vmem>> -> memref<128xi32, #tpu.memory_space<vmem>>
      %dma_wait3A_531 = arith.constant 0 : i32
      %dma_wait3A_532 = arith.constant 0 : i32
      %dma_wait3A_533 = tpu.memref_slice %arg3[%dma_wait3A_531, %dma_wait3A_532] : memref<2609152x16xf32, #tpu.memory_space<hbm>> -> memref<2609152x16xf32, #tpu.memory_space<hbm>>
      tpu.wait_indirect_dma semaphore(%arg11 : memref<!tpu.dma_semaphore, #tpu.memory_space<semaphore_mem>>) src(%dma_wait3A_533 : memref<2609152x16xf32, #tpu.memory_space<hbm>>) dst(%dma_wait3A_527 : memref<128x16xf32, #tpu.memory_space<vmem>>)
      %dma_wait3A_534 = arith.constant 2688 : i32
      %dma_wait3A_535 = arith.constant 0 : i32
      %dma_wait3A_536 = tpu.memref_slice %arg7[%dma_wait3A_534, %dma_wait3A_535] : memref<3328x16xf32, #tpu.memory_space<vmem>> -> memref<128x16xf32, #tpu.memory_space<vmem>>
      %dma_wait3A_537 = arith.constant 0 : i32
      %dma_wait3A_538 = tpu.memref_slice %arg6[%add3A_284, %dma_wait3A_537] : memref<104x128xi32, #tpu.memory_space<vmem>> -> memref<1x128xi32, #tpu.memory_space<vmem>>
      %dma_wait3A_539 = tpu.memref_squeeze %dma_wait3A_538 : memref<1x128xi32, #tpu.memory_space<vmem>> -> memref<128xi32, #tpu.memory_space<vmem>>
      %dma_wait3A_540 = arith.constant 0 : i32
      %dma_wait3A_541 = arith.constant 0 : i32
      %dma_wait3A_542 = tpu.memref_slice %arg3[%dma_wait3A_540, %dma_wait3A_541] : memref<2609152x16xf32, #tpu.memory_space<hbm>> -> memref<2609152x16xf32, #tpu.memory_space<hbm>>
      tpu.wait_indirect_dma semaphore(%arg11 : memref<!tpu.dma_semaphore, #tpu.memory_space<semaphore_mem>>) src(%dma_wait3A_542 : memref<2609152x16xf32, #tpu.memory_space<hbm>>) dst(%dma_wait3A_536 : memref<128x16xf32, #tpu.memory_space<vmem>>)
      %dma_wait3A_543 = arith.constant 2816 : i32
      %dma_wait3A_544 = arith.constant 0 : i32
      %dma_wait3A_545 = tpu.memref_slice %arg7[%dma_wait3A_543, %dma_wait3A_544] : memref<3328x16xf32, #tpu.memory_space<vmem>> -> memref<128x16xf32, #tpu.memory_space<vmem>>
      %dma_wait3A_546 = arith.constant 0 : i32
      %dma_wait3A_547 = tpu.memref_slice %arg6[%add3A_297, %dma_wait3A_546] : memref<104x128xi32, #tpu.memory_space<vmem>> -> memref<1x128xi32, #tpu.memory_space<vmem>>
      %dma_wait3A_548 = tpu.memref_squeeze %dma_wait3A_547 : memref<1x128xi32, #tpu.memory_space<vmem>> -> memref<128xi32, #tpu.memory_space<vmem>>
      %dma_wait3A_549 = arith.constant 0 : i32
      %dma_wait3A_550 = arith.constant 0 : i32
      %dma_wait3A_551 = tpu.memref_slice %arg3[%dma_wait3A_549, %dma_wait3A_550] : memref<2609152x16xf32, #tpu.memory_space<hbm>> -> memref<2609152x16xf32, #tpu.memory_space<hbm>>
      tpu.wait_indirect_dma semaphore(%arg11 : memref<!tpu.dma_semaphore, #tpu.memory_space<semaphore_mem>>) src(%dma_wait3A_551 : memref<2609152x16xf32, #tpu.memory_space<hbm>>) dst(%dma_wait3A_545 : memref<128x16xf32, #tpu.memory_space<vmem>>)
      %dma_wait3A_552 = arith.constant 2944 : i32
      %dma_wait3A_553 = arith.constant 0 : i32
      %dma_wait3A_554 = tpu.memref_slice %arg7[%dma_wait3A_552, %dma_wait3A_553] : memref<3328x16xf32, #tpu.memory_space<vmem>> -> memref<128x16xf32, #tpu.memory_space<vmem>>
      %dma_wait3A_555 = arith.constant 0 : i32
      %dma_wait3A_556 = tpu.memref_slice %arg6[%add3A_310, %dma_wait3A_555] : memref<104x128xi32, #tpu.memory_space<vmem>> -> memref<1x128xi32, #tpu.memory_space<vmem>>
      %dma_wait3A_557 = tpu.memref_squeeze %dma_wait3A_556 : memref<1x128xi32, #tpu.memory_space<vmem>> -> memref<128xi32, #tpu.memory_space<vmem>>
      %dma_wait3A_558 = arith.constant 0 : i32
      %dma_wait3A_559 = arith.constant 0 : i32
      %dma_wait3A_560 = tpu.memref_slice %arg3[%dma_wait3A_558, %dma_wait3A_559] : memref<2609152x16xf32, #tpu.memory_space<hbm>> -> memref<2609152x16xf32, #tpu.memory_space<hbm>>
      tpu.wait_indirect_dma semaphore(%arg11 : memref<!tpu.dma_semaphore, #tpu.memory_space<semaphore_mem>>) src(%dma_wait3A_560 : memref<2609152x16xf32, #tpu.memory_space<hbm>>) dst(%dma_wait3A_554 : memref<128x16xf32, #tpu.memory_space<vmem>>)
      %dma_wait3A_561 = arith.constant 3072 : i32
      %dma_wait3A_562 = arith.constant 0 : i32
      %dma_wait3A_563 = tpu.memref_slice %arg7[%dma_wait3A_561, %dma_wait3A_562] : memref<3328x16xf32, #tpu.memory_space<vmem>> -> memref<128x16xf32, #tpu.memory_space<vmem>>
      %dma_wait3A_564 = arith.constant 0 : i32
      %dma_wait3A_565 = tpu.memref_slice %arg6[%add3A_323, %dma_wait3A_564] : memref<104x128xi32, #tpu.memory_space<vmem>> -> memref<1x128xi32, #tpu.memory_space<vmem>>
      %dma_wait3A_566 = tpu.memref_squeeze %dma_wait3A_565 : memref<1x128xi32, #tpu.memory_space<vmem>> -> memref<128xi32, #tpu.memory_space<vmem>>
      %dma_wait3A_567 = arith.constant 0 : i32
      %dma_wait3A_568 = arith.constant 0 : i32
      %dma_wait3A_569 = tpu.memref_slice %arg3[%dma_wait3A_567, %dma_wait3A_568] : memref<2609152x16xf32, #tpu.memory_space<hbm>> -> memref<2609152x16xf32, #tpu.memory_space<hbm>>
      tpu.wait_indirect_dma semaphore(%arg11 : memref<!tpu.dma_semaphore, #tpu.memory_space<semaphore_mem>>) src(%dma_wait3A_569 : memref<2609152x16xf32, #tpu.memory_space<hbm>>) dst(%dma_wait3A_563 : memref<128x16xf32, #tpu.memory_space<vmem>>)
      %dma_wait3A_570 = arith.constant 3200 : i32
      %dma_wait3A_571 = arith.constant 0 : i32
      %dma_wait3A_572 = tpu.memref_slice %arg7[%dma_wait3A_570, %dma_wait3A_571] : memref<3328x16xf32, #tpu.memory_space<vmem>> -> memref<128x16xf32, #tpu.memory_space<vmem>>
      %dma_wait3A_573 = arith.constant 0 : i32
      %dma_wait3A_574 = tpu.memref_slice %arg6[%add3A_336, %dma_wait3A_573] : memref<104x128xi32, #tpu.memory_space<vmem>> -> memref<1x128xi32, #tpu.memory_space<vmem>>
      %dma_wait3A_575 = tpu.memref_squeeze %dma_wait3A_574 : memref<1x128xi32, #tpu.memory_space<vmem>> -> memref<128xi32, #tpu.memory_space<vmem>>
      %dma_wait3A_576 = arith.constant 0 : i32
      %dma_wait3A_577 = arith.constant 0 : i32
      %dma_wait3A_578 = tpu.memref_slice %arg3[%dma_wait3A_576, %dma_wait3A_577] : memref<2609152x16xf32, #tpu.memory_space<hbm>> -> memref<2609152x16xf32, #tpu.memory_space<hbm>>
      tpu.wait_indirect_dma semaphore(%arg11 : memref<!tpu.dma_semaphore, #tpu.memory_space<semaphore_mem>>) src(%dma_wait3A_578 : memref<2609152x16xf32, #tpu.memory_space<hbm>>) dst(%dma_wait3A_572 : memref<128x16xf32, #tpu.memory_space<vmem>>)
      %scan3A_579 = arith.constant 0 : i32
      %scan3A_580 = arith.constant 0 : i32
      %scan3A_581 = arith.constant 128 : i32
      %scan3A_582 = arith.addi %scan3A_580, %scan3A_581 : i32
      %scan3A_583 = arith.constant 1 : i32
      scf.for %scan3A_590 = %scan3A_580 to %scan3A_582 step %scan3A_583  : i32 {
        %mul3A_591 = arith.constant 26 : i32
        %mul3A_592 = arith.muli %scan3A_590, %mul3A_591 : i32
        %get3A = arith.constant 0 : index
        %get3A_593 = tpu.vector_load %arg10[%get3A] {strides = array<i32>} : memref<16xf32, #tpu.memory_space<vmem>>, vector<16xf32>,
        %get3A_594 = vector.shape_cast %get3A_593 : vector<16xf32> to vector<16xf32>
        %add3A_595 = arith.constant 0 : i32
        %add3A_596 = arith.addi %mul3A_592, %add3A_595 : i32
        %get3A_597 = arith.index_cast %add3A_596 : i32 to index
        %get3A_598 = arith.constant 0 : index
        %get3A_599 = tpu.vector_load %arg7[%get3A_597, %get3A_598] {strides = array<i32>} : memref<3328x16xf32, #tpu.memory_space<vmem>>, vector<1x16xf32>,
        %get3A_600 = vector.shape_cast %get3A_599 : vector<1x16xf32> to vector<16xf32>
        %add3A_601 = arith.addf %get3A_594, %get3A_600 : vector<16xf32>
        %add3A_602 = arith.constant 1 : i32
        %add3A_603 = arith.addi %mul3A_592, %add3A_602 : i32
        %get3A_604 = arith.index_cast %add3A_603 : i32 to index
        %get3A_605 = arith.constant 0 : index
        %get3A_606 = tpu.vector_load %arg7[%get3A_604, %get3A_605] {strides = array<i32>} : memref<3328x16xf32, #tpu.memory_space<vmem>>, vector<1x16xf32>,
        %get3A_607 = vector.shape_cast %get3A_606 : vector<1x16xf32> to vector<16xf32>
        %add3A_608 = arith.addf %add3A_601, %get3A_607 : vector<16xf32>
        %add3A_609 = arith.constant 2 : i32
        %add3A_610 = arith.addi %mul3A_592, %add3A_609 : i32
        %get3A_611 = arith.index_cast %add3A_610 : i32 to index
        %get3A_612 = arith.constant 0 : index
        %get3A_613 = tpu.vector_load %arg7[%get3A_611, %get3A_612] {strides = array<i32>} : memref<3328x16xf32, #tpu.memory_space<vmem>>, vector<1x16xf32>,
        %get3A_614 = vector.shape_cast %get3A_613 : vector<1x16xf32> to vector<16xf32>
        %add3A_615 = arith.addf %add3A_608, %get3A_614 : vector<16xf32>
        %add3A_616 = arith.constant 3 : i32
        %add3A_617 = arith.addi %mul3A_592, %add3A_616 : i32
        %get3A_618 = arith.index_cast %add3A_617 : i32 to index
        %get3A_619 = arith.constant 0 : index
        %get3A_620 = tpu.vector_load %arg7[%get3A_618, %get3A_619] {strides = array<i32>} : memref<3328x16xf32, #tpu.memory_space<vmem>>, vector<1x16xf32>,
        %get3A_621 = vector.shape_cast %get3A_620 : vector<1x16xf32> to vector<16xf32>
        %add3A_622 = arith.addf %add3A_615, %get3A_621 : vector<16xf32>
        %add3A_623 = arith.constant 4 : i32
        %add3A_624 = arith.addi %mul3A_592, %add3A_623 : i32
        %get3A_625 = arith.index_cast %add3A_624 : i32 to index
        %get3A_626 = arith.constant 0 : index
        %get3A_627 = tpu.vector_load %arg7[%get3A_625, %get3A_626] {strides = array<i32>} : memref<3328x16xf32, #tpu.memory_space<vmem>>, vector<1x16xf32>,
        %get3A_628 = vector.shape_cast %get3A_627 : vector<1x16xf32> to vector<16xf32>
        %add3A_629 = arith.addf %add3A_622, %get3A_628 : vector<16xf32>
        %add3A_630 = arith.constant 5 : i32
        %add3A_631 = arith.addi %mul3A_592, %add3A_630 : i32
        %get3A_632 = arith.index_cast %add3A_631 : i32 to index
        %get3A_633 = arith.constant 0 : index
        %get3A_634 = tpu.vector_load %arg7[%get3A_632, %get3A_633] {strides = array<i32>} : memref<3328x16xf32, #tpu.memory_space<vmem>>, vector<1x16xf32>,
        %get3A_635 = vector.shape_cast %get3A_634 : vector<1x16xf32> to vector<16xf32>
        %add3A_636 = arith.addf %add3A_629, %get3A_635 : vector<16xf32>
        %add3A_637 = arith.constant 6 : i32
        %add3A_638 = arith.addi %mul3A_592, %add3A_637 : i32
        %get3A_639 = arith.index_cast %add3A_638 : i32 to index
        %get3A_640 = arith.constant 0 : index
        %get3A_641 = tpu.vector_load %arg7[%get3A_639, %get3A_640] {strides = array<i32>} : memref<3328x16xf32, #tpu.memory_space<vmem>>, vector<1x16xf32>,
        %get3A_642 = vector.shape_cast %get3A_641 : vector<1x16xf32> to vector<16xf32>
        %add3A_643 = arith.addf %add3A_636, %get3A_642 : vector<16xf32>
        %add3A_644 = arith.constant 7 : i32
        %add3A_645 = arith.addi %mul3A_592, %add3A_644 : i32
        %get3A_646 = arith.index_cast %add3A_645 : i32 to index
        %get3A_647 = arith.constant 0 : index
        %get3A_648 = tpu.vector_load %arg7[%get3A_646, %get3A_647] {strides = array<i32>} : memref<3328x16xf32, #tpu.memory_space<vmem>>, vector<1x16xf32>,
        %get3A_649 = vector.shape_cast %get3A_648 : vector<1x16xf32> to vector<16xf32>
        %add3A_650 = arith.addf %add3A_643, %get3A_649 : vector<16xf32>
        %add3A_651 = arith.constant 8 : i32
        %add3A_652 = arith.addi %mul3A_592, %add3A_651 : i32
        %get3A_653 = arith.index_cast %add3A_652 : i32 to index
        %get3A_654 = arith.constant 0 : index
        %get3A_655 = tpu.vector_load %arg7[%get3A_653, %get3A_654] {strides = array<i32>} : memref<3328x16xf32, #tpu.memory_space<vmem>>, vector<1x16xf32>,
        %get3A_656 = vector.shape_cast %get3A_655 : vector<1x16xf32> to vector<16xf32>
        %add3A_657 = arith.addf %add3A_650, %get3A_656 : vector<16xf32>
        %add3A_658 = arith.constant 9 : i32
        %add3A_659 = arith.addi %mul3A_592, %add3A_658 : i32
        %get3A_660 = arith.index_cast %add3A_659 : i32 to index
        %get3A_661 = arith.constant 0 : index
        %get3A_662 = tpu.vector_load %arg7[%get3A_660, %get3A_661] {strides = array<i32>} : memref<3328x16xf32, #tpu.memory_space<vmem>>, vector<1x16xf32>,
        %get3A_663 = vector.shape_cast %get3A_662 : vector<1x16xf32> to vector<16xf32>
        %add3A_664 = arith.addf %add3A_657, %get3A_663 : vector<16xf32>
        %add3A_665 = arith.constant 10 : i32
        %add3A_666 = arith.addi %mul3A_592, %add3A_665 : i32
        %get3A_667 = arith.index_cast %add3A_666 : i32 to index
        %get3A_668 = arith.constant 0 : index
        %get3A_669 = tpu.vector_load %arg7[%get3A_667, %get3A_668] {strides = array<i32>} : memref<3328x16xf32, #tpu.memory_space<vmem>>, vector<1x16xf32>,
        %get3A_670 = vector.shape_cast %get3A_669 : vector<1x16xf32> to vector<16xf32>
        %add3A_671 = arith.addf %add3A_664, %get3A_670 : vector<16xf32>
        %add3A_672 = arith.constant 11 : i32
        %add3A_673 = arith.addi %mul3A_592, %add3A_672 : i32
        %get3A_674 = arith.index_cast %add3A_673 : i32 to index
        %get3A_675 = arith.constant 0 : index
        %get3A_676 = tpu.vector_load %arg7[%get3A_674, %get3A_675] {strides = array<i32>} : memref<3328x16xf32, #tpu.memory_space<vmem>>, vector<1x16xf32>,
        %get3A_677 = vector.shape_cast %get3A_676 : vector<1x16xf32> to vector<16xf32>
        %add3A_678 = arith.addf %add3A_671, %get3A_677 : vector<16xf32>
        %add3A_679 = arith.constant 12 : i32
        %add3A_680 = arith.addi %mul3A_592, %add3A_679 : i32
        %get3A_681 = arith.index_cast %add3A_680 : i32 to index
        %get3A_682 = arith.constant 0 : index
        %get3A_683 = tpu.vector_load %arg7[%get3A_681, %get3A_682] {strides = array<i32>} : memref<3328x16xf32, #tpu.memory_space<vmem>>, vector<1x16xf32>,
        %get3A_684 = vector.shape_cast %get3A_683 : vector<1x16xf32> to vector<16xf32>
        %add3A_685 = arith.addf %add3A_678, %get3A_684 : vector<16xf32>
        %add3A_686 = arith.constant 13 : i32
        %add3A_687 = arith.addi %mul3A_592, %add3A_686 : i32
        %get3A_688 = arith.index_cast %add3A_687 : i32 to index
        %get3A_689 = arith.constant 0 : index
        %get3A_690 = tpu.vector_load %arg7[%get3A_688, %get3A_689] {strides = array<i32>} : memref<3328x16xf32, #tpu.memory_space<vmem>>, vector<1x16xf32>,
        %get3A_691 = vector.shape_cast %get3A_690 : vector<1x16xf32> to vector<16xf32>
        %add3A_692 = arith.addf %add3A_685, %get3A_691 : vector<16xf32>
        %add3A_693 = arith.constant 14 : i32
        %add3A_694 = arith.addi %mul3A_592, %add3A_693 : i32
        %get3A_695 = arith.index_cast %add3A_694 : i32 to index
        %get3A_696 = arith.constant 0 : index
        %get3A_697 = tpu.vector_load %arg7[%get3A_695, %get3A_696] {strides = array<i32>} : memref<3328x16xf32, #tpu.memory_space<vmem>>, vector<1x16xf32>,
        %get3A_698 = vector.shape_cast %get3A_697 : vector<1x16xf32> to vector<16xf32>
        %add3A_699 = arith.addf %add3A_692, %get3A_698 : vector<16xf32>
        %add3A_700 = arith.constant 15 : i32
        %add3A_701 = arith.addi %mul3A_592, %add3A_700 : i32
        %get3A_702 = arith.index_cast %add3A_701 : i32 to index
        %get3A_703 = arith.constant 0 : index
        %get3A_704 = tpu.vector_load %arg7[%get3A_702, %get3A_703] {strides = array<i32>} : memref<3328x16xf32, #tpu.memory_space<vmem>>, vector<1x16xf32>,
        %get3A_705 = vector.shape_cast %get3A_704 : vector<1x16xf32> to vector<16xf32>
        %add3A_706 = arith.addf %add3A_699, %get3A_705 : vector<16xf32>
        %add3A_707 = arith.constant 16 : i32
        %add3A_708 = arith.addi %mul3A_592, %add3A_707 : i32
        %get3A_709 = arith.index_cast %add3A_708 : i32 to index
        %get3A_710 = arith.constant 0 : index
        %get3A_711 = tpu.vector_load %arg7[%get3A_709, %get3A_710] {strides = array<i32>} : memref<3328x16xf32, #tpu.memory_space<vmem>>, vector<1x16xf32>,
        %get3A_712 = vector.shape_cast %get3A_711 : vector<1x16xf32> to vector<16xf32>
        %add3A_713 = arith.addf %add3A_706, %get3A_712 : vector<16xf32>
        %add3A_714 = arith.constant 17 : i32
        %add3A_715 = arith.addi %mul3A_592, %add3A_714 : i32
        %get3A_716 = arith.index_cast %add3A_715 : i32 to index
        %get3A_717 = arith.constant 0 : index
        %get3A_718 = tpu.vector_load %arg7[%get3A_716, %get3A_717] {strides = array<i32>} : memref<3328x16xf32, #tpu.memory_space<vmem>>, vector<1x16xf32>,
        %get3A_719 = vector.shape_cast %get3A_718 : vector<1x16xf32> to vector<16xf32>
        %add3A_720 = arith.addf %add3A_713, %get3A_719 : vector<16xf32>
        %add3A_721 = arith.constant 18 : i32
        %add3A_722 = arith.addi %mul3A_592, %add3A_721 : i32
        %get3A_723 = arith.index_cast %add3A_722 : i32 to index
        %get3A_724 = arith.constant 0 : index
        %get3A_725 = tpu.vector_load %arg7[%get3A_723, %get3A_724] {strides = array<i32>} : memref<3328x16xf32, #tpu.memory_space<vmem>>, vector<1x16xf32>,
        %get3A_726 = vector.shape_cast %get3A_725 : vector<1x16xf32> to vector<16xf32>
        %add3A_727 = arith.addf %add3A_720, %get3A_726 : vector<16xf32>
        %add3A_728 = arith.constant 19 : i32
        %add3A_729 = arith.addi %mul3A_592, %add3A_728 : i32
        %get3A_730 = arith.index_cast %add3A_729 : i32 to index
        %get3A_731 = arith.constant 0 : index
        %get3A_732 = tpu.vector_load %arg7[%get3A_730, %get3A_731] {strides = array<i32>} : memref<3328x16xf32, #tpu.memory_space<vmem>>, vector<1x16xf32>,
        %get3A_733 = vector.shape_cast %get3A_732 : vector<1x16xf32> to vector<16xf32>
        %add3A_734 = arith.addf %add3A_727, %get3A_733 : vector<16xf32>
        %add3A_735 = arith.constant 20 : i32
        %add3A_736 = arith.addi %mul3A_592, %add3A_735 : i32
        %get3A_737 = arith.index_cast %add3A_736 : i32 to index
        %get3A_738 = arith.constant 0 : index
        %get3A_739 = tpu.vector_load %arg7[%get3A_737, %get3A_738] {strides = array<i32>} : memref<3328x16xf32, #tpu.memory_space<vmem>>, vector<1x16xf32>,
        %get3A_740 = vector.shape_cast %get3A_739 : vector<1x16xf32> to vector<16xf32>
        %add3A_741 = arith.addf %add3A_734, %get3A_740 : vector<16xf32>
        %add3A_742 = arith.constant 21 : i32
        %add3A_743 = arith.addi %mul3A_592, %add3A_742 : i32
        %get3A_744 = arith.index_cast %add3A_743 : i32 to index
        %get3A_745 = arith.constant 0 : index
        %get3A_746 = tpu.vector_load %arg7[%get3A_744, %get3A_745] {strides = array<i32>} : memref<3328x16xf32, #tpu.memory_space<vmem>>, vector<1x16xf32>,
        %get3A_747 = vector.shape_cast %get3A_746 : vector<1x16xf32> to vector<16xf32>
        %add3A_748 = arith.addf %add3A_741, %get3A_747 : vector<16xf32>
        %add3A_749 = arith.constant 22 : i32
        %add3A_750 = arith.addi %mul3A_592, %add3A_749 : i32
        %get3A_751 = arith.index_cast %add3A_750 : i32 to index
        %get3A_752 = arith.constant 0 : index
        %get3A_753 = tpu.vector_load %arg7[%get3A_751, %get3A_752] {strides = array<i32>} : memref<3328x16xf32, #tpu.memory_space<vmem>>, vector<1x16xf32>,
        %get3A_754 = vector.shape_cast %get3A_753 : vector<1x16xf32> to vector<16xf32>
        %add3A_755 = arith.addf %add3A_748, %get3A_754 : vector<16xf32>
        %add3A_756 = arith.constant 23 : i32
        %add3A_757 = arith.addi %mul3A_592, %add3A_756 : i32
        %get3A_758 = arith.index_cast %add3A_757 : i32 to index
        %get3A_759 = arith.constant 0 : index
        %get3A_760 = tpu.vector_load %arg7[%get3A_758, %get3A_759] {strides = array<i32>} : memref<3328x16xf32, #tpu.memory_space<vmem>>, vector<1x16xf32>,
        %get3A_761 = vector.shape_cast %get3A_760 : vector<1x16xf32> to vector<16xf32>
        %add3A_762 = arith.addf %add3A_755, %get3A_761 : vector<16xf32>
        %add3A_763 = arith.constant 24 : i32
        %add3A_764 = arith.addi %mul3A_592, %add3A_763 : i32
        %get3A_765 = arith.index_cast %add3A_764 : i32 to index
        %get3A_766 = arith.constant 0 : index
        %get3A_767 = tpu.vector_load %arg7[%get3A_765, %get3A_766] {strides = array<i32>} : memref<3328x16xf32, #tpu.memory_space<vmem>>, vector<1x16xf32>,
        %get3A_768 = vector.shape_cast %get3A_767 : vector<1x16xf32> to vector<16xf32>
        %add3A_769 = arith.addf %add3A_762, %get3A_768 : vector<16xf32>
        %add3A_770 = arith.constant 25 : i32
        %add3A_771 = arith.addi %mul3A_592, %add3A_770 : i32
        %get3A_772 = arith.index_cast %add3A_771 : i32 to index
        %get3A_773 = arith.constant 0 : index
        %get3A_774 = tpu.vector_load %arg7[%get3A_772, %get3A_773] {strides = array<i32>} : memref<3328x16xf32, #tpu.memory_space<vmem>>, vector<1x16xf32>,
        %get3A_775 = vector.shape_cast %get3A_774 : vector<1x16xf32> to vector<16xf32>
        %add3A_776 = arith.addf %add3A_769, %get3A_775 : vector<16xf32>
        %swap3A = arith.index_cast %scan3A_590 : i32 to index
        %swap3A_777 = arith.constant 0 : index
        %swap3A_778 = tpu.vector_load %arg8[%swap3A, %swap3A_777] {strides = array<i32>} : memref<128x16xf32, #tpu.memory_space<vmem>>, vector<1x16xf32>,
        %swap3A_779 = vector.shape_cast %swap3A_778 : vector<1x16xf32> to vector<16xf32>
        %swap3A_780 = vector.shape_cast %add3A_776 : vector<16xf32> to vector<1x16xf32>
        tpu.vector_store %arg8[%swap3A, %swap3A_777], %swap3A_780 {strides = array<i32>} : memref<128x16xf32, #tpu.memory_space<vmem>>, vector<1x16xf32>,
      }
      %scan3A_584 = arith.constant 128 : i32
      %mul3A_585 = arith.constant 512 : i32
      %mul3A_586 = arith.muli %add3A, %mul3A_585 : i32
      %mul3A_587 = arith.constant 128 : i32
      %mul3A_588 = arith.muli %scan3A_8, %mul3A_587 : i32
      %add3A_589 = arith.addi %mul3A_586, %mul3A_588 : i32
      "tpu.region"() ({
        %run_scoped3A = tpu.sem_alloc : memref<!tpu.dma_semaphore, #tpu.memory_space<semaphore_mem>>
        %dma_start3A_590 = arith.constant 0 : i32
        %dma_start3A_591 = tpu.memref_slice %arg5[%add3A_589, %dma_start3A_590] : memref<16384x16xf32, #tpu.memory_space<hbm>> -> memref<128x16xf32, #tpu.memory_space<hbm>>
        %dma_start3A_592 = arith.constant 0 : i32
        %dma_start3A_593 = tpu.memref_slice %arg5[%add3A_589, %dma_start3A_592] : memref<16384x16xf32, #tpu.memory_space<hbm>> -> memref<128x16xf32, #tpu.memory_space<hbm>>
        tpu.enqueue_dma source(%arg8 : memref<128x16xf32, #tpu.memory_space<vmem>>) target(%dma_start3A_593 : memref<128x16xf32, #tpu.memory_space<hbm>>) target_semaphore(%run_scoped3A : memref<!tpu.dma_semaphore, #tpu.memory_space<semaphore_mem>>)
        %dma_wait3A_594 = arith.constant 0 : i32
        %dma_wait3A_595 = tpu.memref_slice %arg5[%add3A_589, %dma_wait3A_594] : memref<16384x16xf32, #tpu.memory_space<hbm>> -> memref<128x16xf32, #tpu.memory_space<hbm>>
        %dma_wait3A_596 = arith.constant 0 : i32
        %dma_wait3A_597 = tpu.memref_slice %arg5[%add3A_589, %dma_wait3A_596] : memref<16384x16xf32, #tpu.memory_space<hbm>> -> memref<128x16xf32, #tpu.memory_space<hbm>>
        tpu.wait_dma2 semaphore(%run_scoped3A : memref<!tpu.dma_semaphore, #tpu.memory_space<semaphore_mem>>) src(%arg8 : memref<128x16xf32, #tpu.memory_space<vmem>>) dst(%dma_wait3A_597 : memref<128x16xf32, #tpu.memory_space<hbm>>)
        tpu.yield
      }) : () -> ()
    }
    %scan3A_7 = arith.constant 4 : i32
    return
  }
}

module attributes {stable_mosaic.version = 14 : i64} {
  func.func @_relayout_body(%arg0: i32, %arg1: i32, %arg2: memref<1x16x100000xf32, #tpu.memory_space<vmem>>, %arg3: memref<1x12544x128xf32, #tpu.memory_space<vmem>>) attributes {dimension_semantics = [#tpu.dimension_semantics<arbitrary>, #tpu.dimension_semantics<arbitrary>], iteration_bounds = array<i64: 26, 1>, scalar_prefetch = 0 : i64, scratch_operands = 0 : i64, tpu.core_type = #tpu.core_type<tc>, window_params = [{transform_indices = @transform_0, window_bounds = array<i64: 1, 16, 100000>}, {transform_indices = @transform_1, window_bounds = array<i64: 1, 12544, 128>}]} {
    %mul3A = arith.constant 12544 : i32
    %mul3A_0 = arith.muli %arg1, %mul3A : i32
    %add3A = arith.constant 0 : i32
    %add3A_1 = arith.addi %add3A, %mul3A_0 : i32
    %multiple_of3A = tpu.assume_multiple %add3A_1, 128 : i32
    %get3A = arith.constant 0 : index
    %get3A_2 = arith.constant 0 : index
    %get3A_3 = arith.index_cast %multiple_of3A : i32 to index
    %get3A_4 = vector.load %arg2[%get3A, %get3A_2, %get3A_3] : memref<1x16x100000xf32, #tpu.memory_space<vmem>>, vector<1x16x12544xf32>
    %get3A_5 = vector.shape_cast %get3A_4 : vector<1x16x12544xf32> to vector<16x12544xf32>
    %mul3A_6 = arith.constant 12544 : i32
    %mul3A_7 = arith.muli %arg1, %mul3A_6 : i32
    %add3A_8 = arith.constant 12544 : i32
    %add3A_9 = arith.addi %add3A_8, %mul3A_7 : i32
    %multiple_of3A_10 = tpu.assume_multiple %add3A_9, 128 : i32
    %get3A_11 = arith.constant 0 : index
    %get3A_12 = arith.constant 0 : index
    %get3A_13 = arith.index_cast %multiple_of3A_10 : i32 to index
    %get3A_14 = vector.load %arg2[%get3A_11, %get3A_12, %get3A_13] : memref<1x16x100000xf32, #tpu.memory_space<vmem>>, vector<1x16x12544xf32>
    %get3A_15 = vector.shape_cast %get3A_14 : vector<1x16x12544xf32> to vector<16x12544xf32>
    %mul3A_16 = arith.constant 12544 : i32
    %mul3A_17 = arith.muli %arg1, %mul3A_16 : i32
    %add3A_18 = arith.constant 25088 : i32
    %add3A_19 = arith.addi %add3A_18, %mul3A_17 : i32
    %multiple_of3A_20 = tpu.assume_multiple %add3A_19, 128 : i32
    %get3A_21 = arith.constant 0 : index
    %get3A_22 = arith.constant 0 : index
    %get3A_23 = arith.index_cast %multiple_of3A_20 : i32 to index
    %get3A_24 = vector.load %arg2[%get3A_21, %get3A_22, %get3A_23] : memref<1x16x100000xf32, #tpu.memory_space<vmem>>, vector<1x16x12544xf32>
    %get3A_25 = vector.shape_cast %get3A_24 : vector<1x16x12544xf32> to vector<16x12544xf32>
    %mul3A_26 = arith.constant 12544 : i32
    %mul3A_27 = arith.muli %arg1, %mul3A_26 : i32
    %add3A_28 = arith.constant 37632 : i32
    %add3A_29 = arith.addi %add3A_28, %mul3A_27 : i32
    %multiple_of3A_30 = tpu.assume_multiple %add3A_29, 128 : i32
    %get3A_31 = arith.constant 0 : index
    %get3A_32 = arith.constant 0 : index
    %get3A_33 = arith.index_cast %multiple_of3A_30 : i32 to index
    %get3A_34 = vector.load %arg2[%get3A_31, %get3A_32, %get3A_33] : memref<1x16x100000xf32, #tpu.memory_space<vmem>>, vector<1x16x12544xf32>
    %get3A_35 = vector.shape_cast %get3A_34 : vector<1x16x12544xf32> to vector<16x12544xf32>
    %mul3A_36 = arith.constant 12544 : i32
    %mul3A_37 = arith.muli %arg1, %mul3A_36 : i32
    %add3A_38 = arith.constant 50176 : i32
    %add3A_39 = arith.addi %add3A_38, %mul3A_37 : i32
    %multiple_of3A_40 = tpu.assume_multiple %add3A_39, 128 : i32
    %get3A_41 = arith.constant 0 : index
    %get3A_42 = arith.constant 0 : index
    %get3A_43 = arith.index_cast %multiple_of3A_40 : i32 to index
    %get3A_44 = vector.load %arg2[%get3A_41, %get3A_42, %get3A_43] : memref<1x16x100000xf32, #tpu.memory_space<vmem>>, vector<1x16x12544xf32>
    %get3A_45 = vector.shape_cast %get3A_44 : vector<1x16x12544xf32> to vector<16x12544xf32>
    %mul3A_46 = arith.constant 12544 : i32
    %mul3A_47 = arith.muli %arg1, %mul3A_46 : i32
    %add3A_48 = arith.constant 62720 : i32
    %add3A_49 = arith.addi %add3A_48, %mul3A_47 : i32
    %multiple_of3A_50 = tpu.assume_multiple %add3A_49, 128 : i32
    %get3A_51 = arith.constant 0 : index
    %get3A_52 = arith.constant 0 : index
    %get3A_53 = arith.index_cast %multiple_of3A_50 : i32 to index
    %get3A_54 = vector.load %arg2[%get3A_51, %get3A_52, %get3A_53] : memref<1x16x100000xf32, #tpu.memory_space<vmem>>, vector<1x16x12544xf32>
    %get3A_55 = vector.shape_cast %get3A_54 : vector<1x16x12544xf32> to vector<16x12544xf32>
    %mul3A_56 = arith.constant 12544 : i32
    %mul3A_57 = arith.muli %arg1, %mul3A_56 : i32
    %add3A_58 = arith.constant 75264 : i32
    %add3A_59 = arith.addi %add3A_58, %mul3A_57 : i32
    %multiple_of3A_60 = tpu.assume_multiple %add3A_59, 128 : i32
    %get3A_61 = arith.constant 0 : index
    %get3A_62 = arith.constant 0 : index
    %get3A_63 = arith.index_cast %multiple_of3A_60 : i32 to index
    %get3A_64 = vector.load %arg2[%get3A_61, %get3A_62, %get3A_63] : memref<1x16x100000xf32, #tpu.memory_space<vmem>>, vector<1x16x12544xf32>
    %get3A_65 = vector.shape_cast %get3A_64 : vector<1x16x12544xf32> to vector<16x12544xf32>
    %mul3A_66 = arith.constant 12544 : i32
    %mul3A_67 = arith.muli %arg1, %mul3A_66 : i32
    %add3A_68 = arith.constant 87808 : i32
    %add3A_69 = arith.addi %add3A_68, %mul3A_67 : i32
    %multiple_of3A_70 = tpu.assume_multiple %add3A_69, 128 : i32
    %get3A_71 = arith.constant 0 : index
    %get3A_72 = arith.constant 0 : index
    %get3A_73 = arith.index_cast %multiple_of3A_70 : i32 to index
    %get3A_74 = vector.load %arg2[%get3A_71, %get3A_72, %get3A_73] : memref<1x16x100000xf32, #tpu.memory_space<vmem>>, vector<1x16x12544xf32>
    %get3A_75 = vector.shape_cast %get3A_74 : vector<1x16x12544xf32> to vector<16x12544xf32>
    %concatenate3A = tpu.concatenate %get3A_5, %get3A_15, %get3A_25, %get3A_35, %get3A_45, %get3A_55, %get3A_65, %get3A_75 in 0 : vector<16x12544xf32>, vector<16x12544xf32>, vector<16x12544xf32>, vector<16x12544xf32>, vector<16x12544xf32>, vector<16x12544xf32>, vector<16x12544xf32>, vector<16x12544xf32> -> vector<128x12544xf32>
    %transpose3A = tpu.transpose %concatenate3A, [1, 0] : vector<128x12544xf32> -> vector<12544x128xf32>
    %swap3A = arith.constant 0 : index
    %swap3A_76 = arith.constant 0 : index
    %swap3A_77 = arith.constant 0 : index
    %swap3A_78 = vector.load %arg3[%swap3A, %swap3A_76, %swap3A_77] : memref<1x12544x128xf32, #tpu.memory_space<vmem>>, vector<1x12544x128xf32>
    %swap3A_79 = vector.shape_cast %swap3A_78 : vector<1x12544x128xf32> to vector<12544x128xf32>
    %swap3A_80 = vector.shape_cast %transpose3A : vector<12544x128xf32> to vector<1x12544x128xf32>
    tpu.vector_store %arg3[%swap3A, %swap3A_76, %swap3A_77], %swap3A_80 {strides = array<i32>} : memref<1x12544x128xf32, #tpu.memory_space<vmem>>, vector<1x12544x128xf32>,
    return
  }
  func.func @transform_0(%arg0: i32, %arg1: i32) -> (i32, i32, i32) {
    %c0_i32 = arith.constant 0 : i32
    %c0_i32_0 = arith.constant 0 : i32
    %c0_i32_1 = arith.constant 0 : i32
    return %arg0, %c0_i32, %c0_i32_0 : i32, i32, i32
  }
  func.func @transform_1(%arg0: i32, %arg1: i32) -> (i32, i32, i32) {
    %c0_i32 = arith.constant 0 : i32
    %c0_i32_0 = arith.constant 0 : i32
    return %arg0, %arg1, %c0_i32 : i32, i32, i32
  }
}

</mosaic_0001>

<sc_bundles>
// kernel: kernel.6.cloned.1.call-start
scs
__scs_entry_jumppad:
0x0: {  	(pc) =	sbr.rel $0x88, $3  }
0x1: {  	(tag) =	ssettag $0x0;
	lr =	simm.s32 $0x1  }
0x2: {  	[smem:$0x3F9C] =	sst lr;
	_ =	strace $0xD0000000  }
0x3: {  	_ = 	snop  }
0x4: {  	_ = 	snop  }
0x5: {  	_ = 	snop  }
0x6: {  	_ = 	snop  }
0x7: {  	_ = 	snop  }
__scs_overlays_trampoline_lowered:
0x8: {  	[smem:$0x3FAB] =	sst s0  }
0x9: {  	[smem:$0x3FAC] =	sst s1  }
0xa: {  	[smem:$0x3FAD] =	sst s2  }
0xb: {  	[smem:$0x3FAE] =	sst s3  }
0xc: {  	[smem:$0x3FAF] =	sst s4  }
0xd: {  	[smem:$0x3FB0] =	sst s5  }
0xe: {  	[smem:$0x3FB1] =	sst s6  }
0xf: {  	[smem:$0x3FB2] =	sst s7  }
0x10: {  	[smem:$0x3FB3] =	sst s8  }
0x11: {  	[smem:$0x3FB4] =	sst s9;
	s0 =	simm.s32 @!p0 $0x0  }
0x12: {  	s1 =	sld [smem:$0x3F9A];
	s0 =	simm.s32 @p0 $0x1  }
0x13: {  	[smem:$0x3FB5] =	sst s0;
	s0 =	simm.s32 @!p1 $0x0  }
0x14: {  	s2 =	sld [smem:$0x3F99];
	s0 =	simm.s32 @p1 $0x1  }
0x15: {  	[smem:$0x3FB6] =	sst s0;
	s0 =	simm.s32 @!p2 $0x0  }
0x16: {  	s3 =	sld [smem:$0x3FDB];
	s0 =	simm.s32 @p2 $0x1  }
0x17: {  	s4 =	simm.s32 $0x1BF5;
	[smem:$0x3FB8] =	sst s0  }
0x18: {  	s0 =	sld [smem:$0x3F9B];
	_ =	swait.ge [sflag:s4], $0x0  }
0x19: {  	s7 =	sld [smem:$0x3F9C]  }
0x1a: {  	s8 =	sadd.s32 $0xFFFFE003, lr  }
0x1b: {  	s9 =	sadd.s32 $0xFFFFFEF7, lr;
	s5 =	simm.s32 $0xFFFFFFFF;
	p2 =	slt.u32 s8, $0xFFFFF086  }
0x1c: {  	p1 =	slt.u32 s9, $0xF7A;
	s5 =	simm.s32 @!p2 $0x0  }
0x1d: {  	s5 =	simm.s32 @p1 $0x1;
	p0 =	seq.s32 s7, s2  }
0x1e: {  	s7 =	smul.u32 @!p0 $0xF7A, s2;
	p2 =	seq.s32 @!p0 s5, $0x0  }
0x1f: {  	s9 =	smul.u32 $0xF7A, s1;
	s8 =	simm.s32 @!p0 $0x1BF5;
	p2 =	por !p2, p0  }
0x20: {  	[sflag:s8] =	ssyncset.s32 @!p0 $0xFFFFF086;
	s6 =	sadd.s32 @!p0 s3, s7;
	s7 =	simm.s32 @!p0 $0x108  }
0x21: {  	s3 =	sadd.s32 s3, s9;
	s6 =	sadd.s32 @!p0 $0x88, s6;
	s7 =	simm.s32 @p2 $0x1082  }
0x22: {  	[simem:s7], [sflag:s8] =	dma.local @!p0 [hbm:s6], $0xF7A  }
0x23: {  	s9 =	sor.u32 $0xD0000000, s2;
	s6 =	simm.s32 $0x108;
	_ =	swait.ge @!p0 [sflag:s8], $0x0  }
0x24: {  	s3 =	sadd.s32 $0x88, s3;
	s6 =	simm.s32 @!p1 $0x1082;
	[sflag:s4] =	ssyncset.s32 $0xFFFFF086  }
0x25: {  	[simem:s6], [sflag:s4] =	dma.local [hbm:s3], $0xF7A  }
0x26: {  	[smem:$0x3F9C] =	sst s1;
	(tag) =	ssettag s2;
	_ =	strace s9  }
0x27: {  	s1 =	sld [smem:$0x3FAC]  }
0x28: {  	s2 =	sld [smem:$0x3FAD]  }
0x29: {  	s4 =	sld [smem:$0x3FAF]  }
0x2a: {  	p0 =	seq.s32 s5, $0x0;
	s5 =	sld [smem:$0x3FB0]  }
0x2b: {  	s6 =	sld [smem:$0x3FB1]  }
0x2c: {  	s7 =	sld [smem:$0x3FB2]  }
0x2d: {  	s3 =	simm.s32 $0x108;
	s8 =	sld [smem:$0x3FB3]  }
0x2e: {  	s3 =	simm.s32 @!p0 $0x1082;
	s9 =	sld [smem:$0x3FB4]  }
0x2f: {  	lr =	sadd.s32 s0, s3;
	s0 =	sld [smem:$0x3FAB]  }
0x30: {  	s3 =	sld [smem:$0x3FAE]  }
0x31: {  	[smem:$0x3FB7] =	sst s10  }
0x32: {  	s10 =	sld [smem:$0x3FB5];
	_ =	sdelay $0x3  }
0x33: {  	p0 =	seq.s32 s10, $0x1;
	s10 =	sld [smem:$0x3FB7];
	_ =	sdelay $0x3  }
0x34: {  	[smem:$0x3FB7] =	sst s10  }
0x35: {  	s10 =	sld [smem:$0x3FB6];
	_ =	sdelay $0x3  }
0x36: {  	p1 =	seq.s32 s10, $0x1;
	s10 =	sld [smem:$0x3FB7];
	_ =	sdelay $0x3  }
0x37: {  	[smem:$0x3FB7] =	sst s10  }
0x38: {  	s10 =	sld [smem:$0x3FB8]  }
0x39: {  	_ = 	snop;
	(pc) =	sbr.ind lr, $3  }
0x3a: {  	_ = 	snop  }
0x3b: {  	_ = 	snop  }
0x3c: {  	p2 =	seq.s32 s10, $0x1;
	s10 =	sld [smem:$0x3FB7]  }
0x3d: {  	_ =	shalt  }
0x3e: {  	_ =	shalt  }
0x3f: {  	_ =	shalt  }
0x40: {  	_ =	shalt  }
0x41: {  	_ =	shalt  }
0x42: {  	_ =	shalt  }
0x43: {  	_ =	shalt  }
0x44: {  	_ =	shalt  }
0x45: {  	_ =	shalt  }
0x46: {  	_ =	shalt  }
0x47: {  	_ =	shalt  }
0x48: {  	_ =	shalt  }
0x49: {  	_ =	shalt  }
0x4a: {  	_ =	shalt  }
0x4b: {  	_ =	shalt  }
0x4c: {  	_ =	shalt  }
0x4d: {  	_ =	shalt  }
0x4e: {  	_ =	shalt  }
0x4f: {  	_ =	shalt  }
0x50: {  	_ =	shalt  }
0x51: {  	_ =	shalt  }
0x52: {  	_ =	shalt  }
0x53: {  	_ =	shalt  }
0x54: {  	_ =	shalt  }
0x55: {  	_ =	shalt  }
0x56: {  	_ =	shalt  }
0x57: {  	_ =	shalt  }
0x58: {  	_ =	shalt  }
0x59: {  	_ =	shalt  }
0x5a: {  	_ =	shalt  }
0x5b: {  	_ =	shalt  }
0x5c: {  	_ =	shalt  }
0x5d: {  	_ =	shalt  }
0x5e: {  	_ =	shalt  }
0x5f: {  	_ =	shalt  }
0x60: {  	_ =	shalt  }
0x61: {  	_ =	shalt  }
0x62: {  	_ =	shalt  }
0x63: {  	_ =	shalt  }
0x64: {  	_ =	shalt  }
0x65: {  	_ =	shalt  }
0x66: {  	_ =	shalt  }
0x67: {  	_ =	shalt  }
0x68: {  	_ =	shalt  }
0x69: {  	_ =	shalt  }
0x6a: {  	_ =	shalt  }
0x6b: {  	_ =	shalt  }
0x6c: {  	_ =	shalt  }
0x6d: {  	_ =	shalt  }
0x6e: {  	_ =	shalt  }
0x6f: {  	_ =	shalt  }
0x70: {  	_ =	shalt  }
0x71: {  	_ =	shalt  }
0x72: {  	_ =	shalt  }
0x73: {  	_ =	shalt  }
0x74: {  	_ =	shalt  }
0x75: {  	_ =	shalt  }
0x76: {  	_ =	shalt  }
0x77: {  	_ =	shalt  }
0x78: {  	_ =	shalt  }
0x79: {  	_ =	shalt  }
0x7a: {  	_ =	shalt  }
0x7b: {  	_ =	shalt  }
0x7c: {  	_ =	shalt  }
0x7d: {  	_ =	shalt  }
0x7e: {  	_ =	shalt  }
0x7f: {  	_ =	shalt  }
0x80: {  	_ =	shalt  }
0x81: {  	_ =	shalt  }
0x82: {  	_ =	shalt  }
0x83: {  	_ =	shalt  }
0x84: {  	_ =	shalt  }
0x85: {  	_ =	shalt  }
0x86: {  	_ =	shalt  }
0x87: {  	_ =	shalt  }
.Lfunc_end0:
.L_simem_size_0:
called_computation_lowered:
.L_overlay_start_0:
0x88: {  	s2 =	sld [smem:$0x3FD9]  }
0x89: {  	s3 =	sld [smem:$0x3FFE];
	_ =	sdelay $0x1  }
0x8a: {  	s1 =	srdreg.scid  }
0x8b: {  	s0 =	sand.u32 $0x1, s1  }
0x8c: {  	s17 =	sshll.u32 s0, $0xA;
	s2 =	sadd.s32 s3, s2  }
0x8d: {  	s2 =	sadd.s32 s2, s17  }
0x8e: {  	[smem:$0x3FC3] =	sst s2  }
0x8f: {  	_ = 	snop  }
0x90: {  	s2 =	sld [smem:$0x3FC6];
	(tm) =	ssettm $0x1  }
0x91: {  	s18 =	sld [smem:$0x3FFB];
	_ =	sdelay $0x3  }
0x92: {  	_ =	strace s18  }
0x93: {  	s3 =	sld [smem:$0x3FFC];
	_ =	sdelay $0x3  }
0x94: {  	_ =	strace s3  }
0x95: {  	s3 =	sld [smem:$0x3FFD];
	_ =	sdelay $0x3  }
0x96: {  	_ =	strace s3  }
0x97: {  	_ =	strace $0x8FFFFFFF  }
0x98: {  	s19 =	sld [smem:$0x3FDB];
	_ =	sdelay $0x1  }
0x99: {  	s4 =	simm.s32 $_scs_section_size  }
0x9a: {  	s5 =	simm.s32 $_size__tile_overlayer_lowered;
	s6 =	simm.s32 $_tile_overlayer_lowered  }
0x9b: {  	s22 =	simm.s32 $0x1BFF;
	s21 =	sshll.u32 s6, $0x1;
	s3 =	sadd.s32 s4, s19  }
0x9c: {  	s7 =	simm.s32 $0x0;
	s20 =	sshll.u32 s5, $0x1;
	s5 =	sadd.s32 s21, s3  }
0x9d: {  	[timem:s7], [sflag:s22] =	dma.local [hbm:s5], s20  }
0x9e: {  	_ =	swait.ge [sflag:s22], s20  }
0x9f: {  	s4 =	ssub.s32 $0x0, s20;
	[sflag:s22] =	ssyncset.done $0x0  }
0xa0: {  	[sflag:s22] =	ssyncadd.s32 s4;
	_ =	sdelay $0x1  }
0xa1: {  	s23 =	simm.s32 $0x1B8B  }
0xa2: {  	_ =	swait.ge [sflag:s23], $0x1  }
0xa3: {  	[sflag:s23] =	ssyncset.done $0x0  }
0xa4: {  	s25 =	simm.s32 $0x1B8E;
	s24 =	sld [smem:$0x3FFE];
	[sflag:s23] =	ssyncadd.s32 $0xFFFFFFFF  }
0xa5: {  	s26 =	simm.s32 $execute0_lowered;
	[smem:$0x3FD2] =	sst s25  }
0xa6: {  	s5 =	sshll.u32 s26, $0x1;
	_ =	strace $0x80000046;
	[dreg:$0x1] =	wrdreg $0xFFFFFFFF  }
0xa7: {  	s28 =	simm.s32 $_size_execute0_lowered;
	s3 =	sadd.s32 s3, s5;
	[dreg:$0x0] =	wrdreg $0x0  }
0xa8: {  	s5 =	sshll.u32 s28, $0x1;
	[dreg:$0x2] =	wrdreg s3  }
0xa9: {  	[dreg:$0x3] =	wrdreg s5  }
0xaa: {  	[dreg:$0x4] =	wrdreg $0xC0  }
0xab: {  	_ =	task [dreg:s7], $0x5FFFF  }
0xac: {  	[dreg:$0x1] =	wrdreg $0xFFFFFFFF  }
0xad: {  	[dreg:$0x0] =	wrdreg $0x60  }
0xae: {  	[dreg:$0x2] =	wrdreg s24  }
0xaf: {  	[dreg:$0x3] =	wrdreg s2  }
0xb0: {  	[dreg:$0x4] =	wrdreg $0x9  }
0xb1: {  	_ =	task.clear_ibuf [dreg:s7], $0x5FFFF;
	_ =	strace $0x90000046  }
0xb2: {  	s29 =	simm.s32 $0x9;
	_ =	strace $0x80000048  }
0xb3: {  	_ =	swait.ge [sflag:s29], $0x1  }
0xb4: {  	[sflag:s29] =	ssyncadd.s32 $0xFFFFFFFF  }
0xb5: {  	_ =	strace $0x90000048  }
0xb6: {  	_ =	sfence  }
0xb7: {  	s30 =	sld [smem:$0x0];
	_ =	sdelay $0x2  }
0xb8: {  	s31 =	sshll.u32 s1, $0xD;
	s1 =	sshrl.u32 s1, $0x2  }
0xb9: {  	s3 =	sand.u32 $0x4000, s31;
	s1 =	sadd.s32 s1, s30  }
0xba: {  	s0 =	sor.u32 s3, s0;
	s1 =	sshll.u32 s1, $0x11  }
0xbb: {  	s0 =	sor.u32 s1, s0  }
0xbc: {  	s0 =	sadd.s32 $0x8F2B, s0  }
0xbd: {  	[sflag:s0] =	ssyncadd.remote.s32 $0x1  }
0xbe: {  	_ =	sfence.sel $0xFFFF  }
0xbf: {  	[dreg:$0x0] =	wrdreg $0xFFFFFFFF;
	(pc) =	sbr.abs _section_cstart, $3  }
0xc0: {  	[dreg:$0x1] =	wrdreg $0xFFFFFFFF  }
0xc1: {  	_ =	task.clear_ibuf [dreg:s7], $0x2FFFF;
	_ =	strace $0x9FFFFFFF  }
0xc2: {  	(tm) =	ssettm $0x7FFFFFFF  }
0xc3: {  	_ =	shalt  }
tec
execute0_lowered:
.L_overlay_start_1:
0x0: {  	(tag) =	ssettag $0x1  }
0x1: {  	s0 =	rddreg [dreg:$0x0]  }
0x2: {  	s1 =	srdreg.scid;
	s2 =	stileid.u32;
	s3 =	simm.s32 $0x0  }
0x3: {  	s9 =	simm.s32 $0x2;
	s10 =	simm.s32 $0x80;
	s18 =	simm.s32 $0x6C00  }
0x4: {  	s19 =	simm.s32 $0x7400;
	s20 =	simm.s32 $0x7C00;
	s21 =	simm.s32 $0x8400  }
0x5: {  	s22 =	simm.s32 $0x8C00;
	s23 =	simm.s32 $0x9400;
	s28 =	simm.s32 $0xB400  }
0x6: {  	s29 =	simm.s32 $0xBC00;
	s30 =	simm.s32 $0xC400;
	s31 =	simm.s32 $0xCC00  }
0x7: {  	s8 =	simm.s32 $0xEC00;
	s7 =	simm.s32 $0xFC00;
	s11 =	simm.s32 $0x1  }
0x8: {  	s12 =	simm.s32 $0x10400;
	s1 =	sand.u32 $0x1, s1;
	s2 =	sshll.u32 s2, $0x1  }
0x9: {  	s14 =	simm.s32 $0x0;
	s2 =	sor.u32 s1, s2;
	s1 =	ssub.s32 $0x2, s1  }
0xa: {  	[smem:$0x7FF] =	sst s3;
	s4 =	smul.u32 $0x680, s2;
	s24 =	sshrl.u32 s1, $0x1  }
0xb: {  	_ =	strace $0x80000047;
	s2 =	sshll.u32 s2, $0xA;
	s1 =	ssub.s32 s1, s24  }
0xc: {  	s24 =	simm.s32 $0x9C00;
	s5 =	sadd.s32 s4, s0;
	s4 =	sadd.s32 $0xD800, s0  }
0xd: {  	s0 =	sadd.s32 s2, s0;
	s26 =	smax.u32 s1, $0x1;
	s1 =	simm.s32 $0xD400  }
0xe: {  	s2 =	simm.s32 $0xE400;
	s25 =	sadd.s32 $0x800, s5;
	s6 =	sadd.s32 $0x507800, s0  }
0xf: {  	[dreg:$0x4] =	wrdreg s26;
	s26 =	simm.s32 $0xAC00;
	s0 =	simm.s32 $0xDC00  }
0x10: {  	s5 =	simm.s32 $0xF400;
	[dreg:$0x3] =	wrdreg s25;
	s25 =	simm.s32 $0xA400  }
.LBB2_1:
0x11: {  	[dreg:$0x5] =	wrdreg s14  }
0x12: {  	s13 =	rddreg [dreg:$0x1];
	s16 =	simm.s32 $0x10C00  }
0x13: {  	[tilespmem:s16], [sflag:$0x2] =	stream.linear.gather [hbm4b:s13+s3], $0x10, $0x38;
	[tilespmem:$0x10C10] =	vst v63  }
0x14: {  	_ =	swait.ge [sflag:s9], $0x10  }
0x15: {  	[sflag:s9] =	ssyncset.done $0x0  }
0x16: {  	s17 =	rddreg [dreg:$0x3];
	[sflag:s9] =	ssyncadd.s32 $0xFFFFFFF0  }
0x17: {  	[tilespmem:s3], [sflag:$0x2] =	stream.linear.gather [hbm4b:s17+s3], $0x3400, $0x38;
	[tilespmem:$0x10C10] =	vst v63  }
0x18: {  	_ =	swait.ge [sflag:s9], $0x3400  }
0x19: {  	[sflag:s9] =	ssyncset.done $0x0  }
0x1a: {  	s13 =	simm.s32 $0x0;
	[sflag:s9] =	ssyncadd.s32 $0xFFFFCC00  }
.LBB2_2:
0x1b: {  	s14 =	smul.u32 $0x3400, s13;
	_ =	sdelay $0x1  }
0x1c: {  	s15 =	simm.s32 $0x3400;
	s14 =	sshra.s32 s14, $0x2  }
0x1d: {  	[tilespmem:s15], [sflag:$0x1] =	stream.indirect.gather [hbm4b:s4+s10], $0x10, s14, s10, $0xb8;
	[tilespmem:$0x10C10] =	vst v63  }
0x1e: {  	s16 =	simm.s32 $0x3C00;
	s17 =	sor.u32 $0x80, s14  }
0x1f: {  	[tilespmem:s16], [sflag:$0x1] =	stream.indirect.gather [hbm4b:s4+s10], $0x10, s17, s10, $0xb8;
	[tilespmem:$0x10C10] =	vst v63  }
0x20: {  	s16 =	sadd.s32 $0x100, s14;
	s17 =	simm.s32 $0x4400  }
0x21: {  	[tilespmem:s17], [sflag:$0x1] =	stream.indirect.gather [hbm4b:s4+s10], $0x10, s16, s10, $0xb8;
	[tilespmem:$0x10C10] =	vst v63  }
0x22: {  	s16 =	sadd.s32 $0x180, s14;
	s17 =	simm.s32 $0x4C00  }
0x23: {  	[tilespmem:s17], [sflag:$0x1] =	stream.indirect.gather [hbm4b:s4+s10], $0x10, s16, s10, $0xb8;
	[tilespmem:$0x10C10] =	vst v63  }
0x24: {  	s16 =	sadd.s32 $0x200, s14;
	s17 =	simm.s32 $0x5400  }
0x25: {  	[tilespmem:s17], [sflag:$0x1] =	stream.indirect.gather [hbm4b:s4+s10], $0x10, s16, s10, $0xb8;
	[tilespmem:$0x10C10] =	vst v63  }
0x26: {  	s16 =	sadd.s32 $0x280, s14;
	s17 =	simm.s32 $0x5C00  }
0x27: {  	[tilespmem:s17], [sflag:$0x1] =	stream.indirect.gather [hbm4b:s4+s10], $0x10, s16, s10, $0xb8;
	[tilespmem:$0x10C10] =	vst v63  }
0x28: {  	s16 =	sadd.s32 $0x300, s14;
	s17 =	simm.s32 $0x6400  }
0x29: {  	[tilespmem:s17], [sflag:$0x1] =	stream.indirect.gather [hbm4b:s4+s10], $0x10, s16, s10, $0xb8;
	[tilespmem:$0x10C10] =	vst v63  }
0x2a: {  	s16 =	sadd.s32 $0x380, s14  }
0x2b: {  	[tilespmem:s18], [sflag:$0x1] =	stream.indirect.gather [hbm4b:s4+s10], $0x10, s16, s10, $0xb8;
	[tilespmem:$0x10C10] =	vst v63  }
0x2c: {  	s17 =	sadd.s32 $0x400, s14  }
0x2d: {  	[tilespmem:s19], [sflag:$0x1] =	stream.indirect.gather [hbm4b:s4+s10], $0x10, s17, s10, $0xb8;
	[tilespmem:$0x10C10] =	vst v63  }
0x2e: {  	s16 =	sadd.s32 $0x480, s14  }
0x2f: {  	[tilespmem:s20], [sflag:$0x1] =	stream.indirect.gather [hbm4b:s4+s10], $0x10, s16, s10, $0xb8;
	[tilespmem:$0x10C10] =	vst v63  }
0x30: {  	s17 =	sadd.s32 $0x500, s14  }
0x31: {  	[tilespmem:s21], [sflag:$0x1] =	stream.indirect.gather [hbm4b:s4+s10], $0x10, s17, s10, $0xb8;
	[tilespmem:$0x10C10] =	vst v63  }
0x32: {  	s16 =	sadd.s32 $0x580, s14  }
0x33: {  	[tilespmem:s22], [sflag:$0x1] =	stream.indirect.gather [hbm4b:s4+s10], $0x10, s16, s10, $0xb8;
	[tilespmem:$0x10C10] =	vst v63  }
0x34: {  	s17 =	sadd.s32 $0x600, s14  }
0x35: {  	[tilespmem:s23], [sflag:$0x1] =	stream.indirect.gather [hbm4b:s4+s10], $0x10, s17, s10, $0xb8;
	[tilespmem:$0x10C10] =	vst v63  }
0x36: {  	s16 =	sadd.s32 $0x680, s14  }
0x37: {  	[tilespmem:s24], [sflag:$0x1] =	stream.indirect.gather [hbm4b:s4+s10], $0x10, s16, s10, $0xb8;
	[tilespmem:$0x10C10] =	vst v63  }
0x38: {  	s17 =	sadd.s32 $0x700, s14  }
0x39: {  	[tilespmem:s25], [sflag:$0x1] =	stream.indirect.gather [hbm4b:s4+s10], $0x10, s17, s10, $0xb8;
	[tilespmem:$0x10C10] =	vst v63  }
0x3a: {  	s16 =	sadd.s32 $0x780, s14  }
0x3b: {  	[tilespmem:s26], [sflag:$0x1] =	stream.indirect.gather [hbm4b:s4+s10], $0x10, s16, s10, $0xb8;
	[tilespmem:$0x10C10] =	vst v63  }
0x3c: {  	s17 =	sadd.s32 $0x800, s14  }
0x3d: {  	[tilespmem:s28], [sflag:$0x1] =	stream.indirect.gather [hbm4b:s4+s10], $0x10, s17, s10, $0xb8;
	[tilespmem:$0x10C10] =	vst v63  }
0x3e: {  	s16 =	sadd.s32 $0x880, s14  }
0x3f: {  	[tilespmem:s29], [sflag:$0x1] =	stream.indirect.gather [hbm4b:s4+s10], $0x10, s16, s10, $0xb8;
	[tilespmem:$0x10C10] =	vst v63  }
0x40: {  	s17 =	sadd.s32 $0x900, s14  }
0x41: {  	[tilespmem:s30], [sflag:$0x1] =	stream.indirect.gather [hbm4b:s4+s10], $0x10, s17, s10, $0xb8;
	[tilespmem:$0x10C10] =	vst v63  }
0x42: {  	s16 =	sadd.s32 $0x980, s14  }
0x43: {  	[tilespmem:s31], [sflag:$0x1] =	stream.indirect.gather [hbm4b:s4+s10], $0x10, s16, s10, $0xb8;
	[tilespmem:$0x10C10] =	vst v63  }
0x44: {  	s17 =	sadd.s32 $0xA00, s14  }
0x45: {  	[tilespmem:s1], [sflag:$0x1] =	stream.indirect.gather [hbm4b:s4+s10], $0x10, s17, s10, $0xb8;
	[tilespmem:$0x10C10] =	vst v63  }
0x46: {  	s16 =	sadd.s32 $0xA80, s14  }
0x47: {  	[tilespmem:s0], [sflag:$0x1] =	stream.indirect.gather [hbm4b:s4+s10], $0x10, s16, s10, $0xb8;
	[tilespmem:$0x10C10] =	vst v63  }
0x48: {  	s17 =	sadd.s32 $0xB00, s14  }
0x49: {  	[tilespmem:s2], [sflag:$0x1] =	stream.indirect.gather [hbm4b:s4+s10], $0x10, s17, s10, $0xb8;
	[tilespmem:$0x10C10] =	vst v63  }
0x4a: {  	s16 =	sadd.s32 $0xB80, s14  }
0x4b: {  	[tilespmem:s8], [sflag:$0x1] =	stream.indirect.gather [hbm4b:s4+s10], $0x10, s16, s10, $0xb8;
	[tilespmem:$0x10C10] =	vst v63  }
0x4c: {  	s17 =	sadd.s32 $0xC00, s14  }
0x4d: {  	[tilespmem:s5], [sflag:$0x1] =	stream.indirect.gather [hbm4b:s4+s10], $0x10, s17, s10, $0xb8;
	[tilespmem:$0x10C10] =	vst v63  }
0x4e: {  	s14 =	sadd.s32 $0xC80, s14  }
0x4f: {  	[tilespmem:s7], [sflag:$0x1] =	stream.indirect.gather [hbm4b:s4+s10], $0x10, s14, s10, $0xb8;
	[tilespmem:$0x10C10] =	vst v63  }
0x50: {  	_ =	swait.ge [sflag:s11], $0x800  }
0x51: {  	[sflag:s11] =	ssyncset.done $0x0  }
0x52: {  	[sflag:s11] =	ssyncadd.s32 $0xFFFFF800  }
0x53: {  	_ =	swait.ge [sflag:s11], $0x800  }
0x54: {  	[sflag:s11] =	ssyncset.done $0x0  }
0x55: {  	[sflag:s11] =	ssyncadd.s32 $0xFFFFF800  }
0x56: {  	_ =	swait.ge [sflag:s11], $0x800  }
0x57: {  	[sflag:s11] =	ssyncset.done $0x0  }
0x58: {  	[sflag:s11] =	ssyncadd.s32 $0xFFFFF800  }
0x59: {  	_ =	swait.ge [sflag:s11], $0x800  }
0x5a: {  	[sflag:s11] =	ssyncset.done $0x0  }
0x5b: {  	[sflag:s11] =	ssyncadd.s32 $0xFFFFF800  }
0x5c: {  	_ =	swait.ge [sflag:s11], $0x800  }
0x5d: {  	[sflag:s11] =	ssyncset.done $0x0  }
0x5e: {  	[sflag:s11] =	ssyncadd.s32 $0xFFFFF800  }
0x5f: {  	_ =	swait.ge [sflag:s11], $0x800  }
0x60: {  	[sflag:s11] =	ssyncset.done $0x0  }
0x61: {  	[sflag:s11] =	ssyncadd.s32 $0xFFFFF800  }
0x62: {  	_ =	swait.ge [sflag:s11], $0x800  }
0x63: {  	[sflag:s11] =	ssyncset.done $0x0  }
0x64: {  	[sflag:s11] =	ssyncadd.s32 $0xFFFFF800  }
0x65: {  	_ =	swait.ge [sflag:s11], $0x800  }
0x66: {  	[sflag:s11] =	ssyncset.done $0x0  }
0x67: {  	[sflag:s11] =	ssyncadd.s32 $0xFFFFF800  }
0x68: {  	_ =	swait.ge [sflag:s11], $0x800  }
0x69: {  	[sflag:s11] =	ssyncset.done $0x0  }
0x6a: {  	[sflag:s11] =	ssyncadd.s32 $0xFFFFF800  }
0x6b: {  	_ =	swait.ge [sflag:s11], $0x800  }
0x6c: {  	[sflag:s11] =	ssyncset.done $0x0  }
0x6d: {  	[sflag:s11] =	ssyncadd.s32 $0xFFFFF800  }
0x6e: {  	_ =	swait.ge [sflag:s11], $0x800  }
0x6f: {  	[sflag:s11] =	ssyncset.done $0x0  }
0x70: {  	[sflag:s11] =	ssyncadd.s32 $0xFFFFF800  }
0x71: {  	_ =	swait.ge [sflag:s11], $0x800  }
0x72: {  	[sflag:s11] =	ssyncset.done $0x0  }
0x73: {  	[sflag:s11] =	ssyncadd.s32 $0xFFFFF800  }
0x74: {  	_ =	swait.ge [sflag:s11], $0x800  }
0x75: {  	[sflag:s11] =	ssyncset.done $0x0  }
0x76: {  	[sflag:s11] =	ssyncadd.s32 $0xFFFFF800  }
0x77: {  	_ =	swait.ge [sflag:s11], $0x800  }
0x78: {  	[sflag:s11] =	ssyncset.done $0x0  }
0x79: {  	[sflag:s11] =	ssyncadd.s32 $0xFFFFF800  }
0x7a: {  	_ =	swait.ge [sflag:s11], $0x800  }
0x7b: {  	[sflag:s11] =	ssyncset.done $0x0  }
0x7c: {  	[sflag:s11] =	ssyncadd.s32 $0xFFFFF800  }
0x7d: {  	_ =	swait.ge [sflag:s11], $0x800  }
0x7e: {  	[sflag:s11] =	ssyncset.done $0x0  }
0x7f: {  	[sflag:s11] =	ssyncadd.s32 $0xFFFFF800  }
0x80: {  	_ =	swait.ge [sflag:s11], $0x800  }
0x81: {  	[sflag:s11] =	ssyncset.done $0x0  }
0x82: {  	[sflag:s11] =	ssyncadd.s32 $0xFFFFF800  }
0x83: {  	_ =	swait.ge [sflag:s11], $0x800  }
0x84: {  	[sflag:s11] =	ssyncset.done $0x0  }
0x85: {  	[sflag:s11] =	ssyncadd.s32 $0xFFFFF800  }
0x86: {  	_ =	swait.ge [sflag:s11], $0x800  }
0x87: {  	[sflag:s11] =	ssyncset.done $0x0  }
0x88: {  	[sflag:s11] =	ssyncadd.s32 $0xFFFFF800  }
0x89: {  	_ =	swait.ge [sflag:s11], $0x800  }
0x8a: {  	[sflag:s11] =	ssyncset.done $0x0  }
0x8b: {  	[sflag:s11] =	ssyncadd.s32 $0xFFFFF800  }
0x8c: {  	_ =	swait.ge [sflag:s11], $0x800  }
0x8d: {  	[sflag:s11] =	ssyncset.done $0x0  }
0x8e: {  	[sflag:s11] =	ssyncadd.s32 $0xFFFFF800  }
0x8f: {  	_ =	swait.ge [sflag:s11], $0x800  }
0x90: {  	[sflag:s11] =	ssyncset.done $0x0  }
0x91: {  	[sflag:s11] =	ssyncadd.s32 $0xFFFFF800  }
0x92: {  	_ =	swait.ge [sflag:s11], $0x800  }
0x93: {  	[sflag:s11] =	ssyncset.done $0x0  }
0x94: {  	[sflag:s11] =	ssyncadd.s32 $0xFFFFF800  }
0x95: {  	_ =	swait.ge [sflag:s11], $0x800  }
0x96: {  	[sflag:s11] =	ssyncset.done $0x0  }
0x97: {  	[sflag:s11] =	ssyncadd.s32 $0xFFFFF800  }
0x98: {  	_ =	swait.ge [sflag:s11], $0x800  }
0x99: {  	[sflag:s11] =	ssyncset.done $0x0  }
0x9a: {  	[sflag:s11] =	ssyncadd.s32 $0xFFFFF800  }
0x9b: {  	_ =	swait.ge [sflag:s11], $0x800  }
0x9c: {  	[sflag:s11] =	ssyncset.done $0x0  }
0x9d: {  	s15 =	simm.s32 $0x34D0;
	[sflag:s11] =	ssyncadd.s32 $0xFFFFF800  }
0x9e: {  	v0 =	vld [tilespmem:s15+$0xFFFFFF30]  }
0x9f: {  	s16 =	simm.s32 $0x40;
	s14 =	simm.s32 $0x0;
	v1 =	vld [tilespmem:$0x10C00]  }
.LBB2_3:
0xa0: {  	p0 =	sne.s32 s16, $0x1FC0  }
0xa1: {  	v2 =	vld [tilespmem:s15+$0xFFFFFF40];
	_ =	sdelay $0x1  }
0xa2: {  	v3 =	vld [tilespmem:s15+$0xFFFFFF50]  }
0xa3: {  	v0 =	vadd.f32 v0, v1  }
0xa4: {  	v1 =	vld [tilespmem:s15+$0xFFFFFF60]  }
0xa5: {  	v0 =	vadd.f32 v2, v0  }
0xa6: {  	v2 =	vld [tilespmem:s15+$0xFFFFFF70]  }
0xa7: {  	v0 =	vadd.f32 v3, v0  }
0xa8: {  	v3 =	vld [tilespmem:s15+$0xFFFFFF80]  }
0xa9: {  	v0 =	vadd.f32 v1, v0  }
0xaa: {  	v1 =	vld [tilespmem:s15+$0xFFFFFF90]  }
0xab: {  	v0 =	vadd.f32 v2, v0  }
0xac: {  	v2 =	vld [tilespmem:s15+$0xFFFFFFA0]  }
0xad: {  	v0 =	vadd.f32 v3, v0  }
0xae: {  	v3 =	vld [tilespmem:s15+$0xFFFFFFB0]  }
0xaf: {  	v0 =	vadd.f32 v1, v0  }
0xb0: {  	v1 =	vld [tilespmem:s15+$0xFFFFFFC0]  }
0xb1: {  	v0 =	vadd.f32 v2, v0  }
0xb2: {  	v2 =	vld [tilespmem:s15+$0xFFFFFFD0]  }
0xb3: {  	v0 =	vadd.f32 v3, v0  }
0xb4: {  	v3 =	vld [tilespmem:s15+$0xFFFFFFE0]  }
0xb5: {  	v0 =	vadd.f32 v1, v0  }
0xb6: {  	v1 =	vld [tilespmem:s15+$0xFFFFFFF0]  }
0xb7: {  	v0 =	vadd.f32 v2, v0  }
0xb8: {  	v2 =	vld [tilespmem:s15+$0x0]  }
0xb9: {  	v0 =	vadd.f32 v3, v0  }
0xba: {  	v3 =	vld [tilespmem:s15+$0x10]  }
0xbb: {  	v0 =	vadd.f32 v1, v0  }
0xbc: {  	v1 =	vld [tilespmem:s15+$0x20]  }
0xbd: {  	v0 =	vadd.f32 v2, v0  }
0xbe: {  	v2 =	vld [tilespmem:s15+$0x30]  }
0xbf: {  	v0 =	vadd.f32 v3, v0  }
0xc0: {  	v3 =	vld [tilespmem:s15+$0x40]  }
0xc1: {  	v0 =	vadd.f32 v1, v0  }
0xc2: {  	v1 =	vld [tilespmem:s15+$0x50]  }
0xc3: {  	v0 =	vadd.f32 v2, v0  }
0xc4: {  	v2 =	vld [tilespmem:s15+$0x60]  }
0xc5: {  	v0 =	vadd.f32 v3, v0  }
0xc6: {  	v3 =	vld [tilespmem:s15+$0x70]  }
0xc7: {  	v0 =	vadd.f32 v1, v0  }
0xc8: {  	v1 =	vld [tilespmem:s15+$0x80]  }
0xc9: {  	v0 =	vadd.f32 v2, v0  }
0xca: {  	v2 =	vld [tilespmem:s15+$0x90]  }
0xcb: {  	v0 =	vadd.f32 v3, v0  }
0xcc: {  	v3 =	vld [tilespmem:s15+$0xA0]  }
0xcd: {  	v0 =	vadd.f32 v1, v0  }
0xce: {  	v1 =	vld [tilespmem:s15+$0xB0]  }
0xcf: {  	v0 =	vadd.f32 v2, v0  }
0xd0: {  	v2 =	vld [tilespmem:s15+$0xC0]  }
0xd1: {  	v0 =	vadd.f32 v3, v0;
	_ =	sdelay $0x1  }
0xd2: {  	v0 =	vadd.f32 v1, v0;
	_ =	sdelay $0x1  }
.Ltmp0:
0xd3: {  	v0 =	vadd.f32 v2, v0;
	(pc) =	sbr.rel @p0 .LBB2_3-.Ltmp0, $4  }
0xd4: {  	s17 =	sshra.s32 s14, $0x2;
	s14 =	smov.u32 s16  }
0xd5: {  	s15 =	sadd.s32 $0x1A0, s15;
	[tilespmem:s17+$0x10400] =	vst v0  }
0xd6: {  	v0 =	vld [tilespmem:s15+$0xFFFFFF30]  }
0xd7: {  	s16 =	sadd.s32 $0x40, s16;
	v1 =	vld [tilespmem:$0x10C00]  }
0xd8: {  	_ = 	snop  }
0xd9: {  	v2 =	vld [tilespmem:s15+$0xFFFFFF40];
	_ =	sdelay $0x1  }
0xda: {  	v3 =	vld [tilespmem:s15+$0xFFFFFF50]  }
0xdb: {  	v0 =	vadd.f32 v0, v1  }
0xdc: {  	v41 =	vld [tilespmem:s15+$0xFFFFFF60]  }
0xdd: {  	v0 =	vadd.f32 v2, v0  }
0xde: {  	v42 =	vld [tilespmem:s15+$0xFFFFFF70]  }
0xdf: {  	v0 =	vadd.f32 v3, v0  }
0xe0: {  	v43 =	vld [tilespmem:s15+$0xFFFFFF80]  }
0xe1: {  	v0 =	vadd.f32 v41, v0  }
0xe2: {  	v44 =	vld [tilespmem:s15+$0xFFFFFF90]  }
0xe3: {  	v0 =	vadd.f32 v42, v0  }
0xe4: {  	v45 =	vld [tilespmem:s15+$0xFFFFFFA0]  }
0xe5: {  	v0 =	vadd.f32 v43, v0  }
0xe6: {  	v46 =	vld [tilespmem:s15+$0xFFFFFFB0]  }
0xe7: {  	v0 =	vadd.f32 v44, v0  }
0xe8: {  	v47 =	vld [tilespmem:s15+$0xFFFFFFC0]  }
0xe9: {  	v0 =	vadd.f32 v45, v0  }
0xea: {  	v48 =	vld [tilespmem:s15+$0xFFFFFFD0]  }
0xeb: {  	v0 =	vadd.f32 v46, v0  }
0xec: {  	v49 =	vld [tilespmem:s15+$0xFFFFFFE0]  }
0xed: {  	v0 =	vadd.f32 v47, v0  }
0xee: {  	v50 =	vld [tilespmem:s15+$0xFFFFFFF0]  }
0xef: {  	v0 =	vadd.f32 v48, v0  }
0xf0: {  	v51 =	vld [tilespmem:s15+$0x0]  }
0xf1: {  	v0 =	vadd.f32 v49, v0  }
0xf2: {  	v52 =	vld [tilespmem:s15+$0x10]  }
0xf3: {  	v0 =	vadd.f32 v50, v0  }
0xf4: {  	v53 =	vld [tilespmem:s15+$0x20]  }
0xf5: {  	v0 =	vadd.f32 v51, v0  }
0xf6: {  	v54 =	vld [tilespmem:s15+$0x30]  }
0xf7: {  	v0 =	vadd.f32 v52, v0  }
0xf8: {  	v55 =	vld [tilespmem:s15+$0x40]  }
0xf9: {  	v0 =	vadd.f32 v53, v0  }
0xfa: {  	v56 =	vld [tilespmem:s15+$0x50]  }
0xfb: {  	v0 =	vadd.f32 v54, v0  }
0xfc: {  	v57 =	vld [tilespmem:s15+$0x60]  }
0xfd: {  	v0 =	vadd.f32 v55, v0  }
0xfe: {  	v58 =	vld [tilespmem:s15+$0x70]  }
0xff: {  	v0 =	vadd.f32 v56, v0  }
0x100: {  	v59 =	vld [tilespmem:s15+$0x80]  }
0x101: {  	v0 =	vadd.f32 v57, v0  }
0x102: {  	v60 =	vld [tilespmem:s15+$0x90]  }
0x103: {  	v0 =	vadd.f32 v58, v0  }
0x104: {  	v61 =	vld [tilespmem:s15+$0xA0]  }
0x105: {  	v0 =	vadd.f32 v59, v0  }
0x106: {  	v62 =	vld [tilespmem:s15+$0xB0]  }
0x107: {  	v0 =	vadd.f32 v60, v0  }
0x108: {  	v63 =	vld [tilespmem:s15+$0xC0]  }
0x109: {  	v0 =	vadd.f32 v61, v0;
	_ =	sdelay $0x1  }
0x10a: {  	v0 =	vadd.f32 v62, v0;
	_ =	sdelay $0x1  }
0x10b: {  	s16 =	sshll.u32 s13, $0x8;
	s13 =	sadd.s32 $0x1, s13;
	v0 =	vadd.f32 v63, v0  }
0x10c: {  	s14 =	sshra.s32 s14, $0x2;
	p0 =	sne.s32 s13, $0x4  }
.Ltmp1:
0x10d: {  	s17 =	sadd.s32 s16, s6;
	[tilespmem:s14+$0x10400] =	vst v0;
	(pc) =	sbr.rel @p0 .LBB2_2-.Ltmp1, $4  }
0x10e: {  	[hbm4b:s17+s3] =	stream.linear.scatter [tilespmem:s12], [sflag:$0x2], $0x800, $0x38;
	[tilespmem:$0x10C10] =	vst v63  }
0x10f: {  	_ =	swait.ge [sflag:s9], $0x800  }
0x110: {  	[sflag:s9] =	ssyncset.done $0x0  }
0x111: {  	[sflag:s9] =	ssyncadd.s32 $0xFFFFF800  }
0x112: {  	s14 =	rddreg [dreg:$0x5]  }
0x113: {  	s13 =	rddreg [dreg:$0x4];
	s14 =	sadd.s32 $0x1, s14  }
0x114: {  	p0 =	sne.s32 s14, s13  }
.Ltmp2:
0x115: {  	_ = 	snop;
	(pc) =	sbr.rel @p0 .LBB2_1-.Ltmp2, $1  }
0x116: {  	_ =	sdelay $0x3  }
0x117: {  	_ =	sfence.sel $0x180000  }
0x118: {  	[bflag:$0x0] =	sbarrier.arrive $0xFFFF  }
0x119: {  	_ =	strace $0x90000047  }
0x11a: {  	s0 =	stileid.u32;
	[bflag:$0x2] =	sbarrier.arrive $0xFFFF  }
0x11b: {  	p0 =	sne.s32 s0, $0x0;
	s0 =	rddreg [dreg:$0x2]  }
0x11c: {  	s0 =	sadd.s32 @!p0 $0x100000, s0  }
0x11d: {  	[sflag:s0] =	ssyncadd.tile.s32 @!p0 $0x1;
	_ =	shalt  }
.Lfunc_end2:
_tile_overlayer_lowered:
.L_overlay_start_2:
0x11e: {  	(tag) =	ssettag $0x2  }
0x11f: {  	s0 =	rddreg [dreg:$0x0];
	s2 =	stileid.u32  }
0x120: {  	s1 =	rddreg [dreg:$0x1];
	p0 =	sne.s32 s2, $0x0  }
0x121: {  	s3 =	rddreg [dreg:$0x2];
	[bflag:$0x3] =	sbarrier.arrive $0xFFFF;
	s2 =	simm.s32 @!p0 $0x1C02  }
0x122: {  	[timem:s3], [sflag:s2] =	dma.local @!p0 [hbm:s0], s1  }
0x123: {  	s0 =	simm.s32 @!p0 $0x2  }
0x124: {  	_ =	swait.ge @!p0 [sflag:s0], s1  }
0x125: {  	s1 =	ssub.s32 @!p0 $0x0, s1;
	[sflag:s0] =	ssyncset.done @!p0 $0x0  }
0x126: {  	[sflag:s0] =	ssyncadd.s32 @!p0 s1  }
0x127: {  	[bflag:$0x3] =	sbarrier.arrive $0xFFFF  }
0x128: {  	_ =	shalt  }

// kernel: kernel.9.cloned.1.call-start
scs
__scs_entry_jumppad:
0x0: {  	(pc) =	sbr.rel $0x88, $3  }
0x1: {  	(tag) =	ssettag $0x0;
	lr =	simm.s32 $0x1  }
0x2: {  	[smem:$0x3F9C] =	sst lr;
	_ =	strace $0xD0000000  }
0x3: {  	_ = 	snop  }
0x4: {  	_ = 	snop  }
0x5: {  	_ = 	snop  }
0x6: {  	_ = 	snop  }
0x7: {  	_ = 	snop  }
__scs_overlays_trampoline_lowered:
0x8: {  	[smem:$0x3FAB] =	sst s0  }
0x9: {  	[smem:$0x3FAC] =	sst s1  }
0xa: {  	[smem:$0x3FAD] =	sst s2  }
0xb: {  	[smem:$0x3FAE] =	sst s3  }
0xc: {  	[smem:$0x3FAF] =	sst s4  }
0xd: {  	[smem:$0x3FB0] =	sst s5  }
0xe: {  	[smem:$0x3FB1] =	sst s6  }
0xf: {  	[smem:$0x3FB2] =	sst s7  }
0x10: {  	[smem:$0x3FB3] =	sst s8  }
0x11: {  	[smem:$0x3FB4] =	sst s9;
	s0 =	simm.s32 @!p0 $0x0  }
0x12: {  	s1 =	sld [smem:$0x3F9A];
	s0 =	simm.s32 @p0 $0x1  }
0x13: {  	[smem:$0x3FB5] =	sst s0;
	s0 =	simm.s32 @!p1 $0x0  }
0x14: {  	s2 =	sld [smem:$0x3F99];
	s0 =	simm.s32 @p1 $0x1  }
0x15: {  	[smem:$0x3FB6] =	sst s0;
	s0 =	simm.s32 @!p2 $0x0  }
0x16: {  	s3 =	sld [smem:$0x3FDB];
	s0 =	simm.s32 @p2 $0x1  }
0x17: {  	s4 =	simm.s32 $0x1BF5;
	[smem:$0x3FB8] =	sst s0  }
0x18: {  	s0 =	sld [smem:$0x3F9B];
	_ =	swait.ge [sflag:s4], $0x0  }
0x19: {  	s7 =	sld [smem:$0x3F9C]  }
0x1a: {  	s8 =	sadd.s32 $0xFFFFE003, lr  }
0x1b: {  	s9 =	sadd.s32 $0xFFFFFEF7, lr;
	s5 =	simm.s32 $0xFFFFFFFF;
	p2 =	slt.u32 s8, $0xFFFFF086  }
0x1c: {  	p1 =	slt.u32 s9, $0xF7A;
	s5 =	simm.s32 @!p2 $0x0  }
0x1d: {  	s5 =	simm.s32 @p1 $0x1;
	p0 =	seq.s32 s7, s2  }
0x1e: {  	s7 =	smul.u32 @!p0 $0xF7A, s2;
	p2 =	seq.s32 @!p0 s5, $0x0  }
0x1f: {  	s9 =	smul.u32 $0xF7A, s1;
	s8 =	simm.s32 @!p0 $0x1BF5;
	p2 =	por !p2, p0  }
0x20: {  	[sflag:s8] =	ssyncset.s32 @!p0 $0xFFFFF086;
	s6 =	sadd.s32 @!p0 s3, s7;
	s7 =	simm.s32 @!p0 $0x108  }
0x21: {  	s3 =	sadd.s32 s3, s9;
	s6 =	sadd.s32 @!p0 $0x88, s6;
	s7 =	simm.s32 @p2 $0x1082  }
0x22: {  	[simem:s7], [sflag:s8] =	dma.local @!p0 [hbm:s6], $0xF7A  }
0x23: {  	s9 =	sor.u32 $0xD0000000, s2;
	s6 =	simm.s32 $0x108;
	_ =	swait.ge @!p0 [sflag:s8], $0x0  }
0x24: {  	s3 =	sadd.s32 $0x88, s3;
	s6 =	simm.s32 @!p1 $0x1082;
	[sflag:s4] =	ssyncset.s32 $0xFFFFF086  }
0x25: {  	[simem:s6], [sflag:s4] =	dma.local [hbm:s3], $0xF7A  }
0x26: {  	[smem:$0x3F9C] =	sst s1;
	(tag) =	ssettag s2;
	_ =	strace s9  }
0x27: {  	s1 =	sld [smem:$0x3FAC]  }
0x28: {  	s2 =	sld [smem:$0x3FAD]  }
0x29: {  	s4 =	sld [smem:$0x3FAF]  }
0x2a: {  	p0 =	seq.s32 s5, $0x0;
	s5 =	sld [smem:$0x3FB0]  }
0x2b: {  	s6 =	sld [smem:$0x3FB1]  }
0x2c: {  	s7 =	sld [smem:$0x3FB2]  }
0x2d: {  	s3 =	simm.s32 $0x108;
	s8 =	sld [smem:$0x3FB3]  }
0x2e: {  	s3 =	simm.s32 @!p0 $0x1082;
	s9 =	sld [smem:$0x3FB4]  }
0x2f: {  	lr =	sadd.s32 s0, s3;
	s0 =	sld [smem:$0x3FAB]  }
0x30: {  	s3 =	sld [smem:$0x3FAE]  }
0x31: {  	[smem:$0x3FB7] =	sst s10  }
0x32: {  	s10 =	sld [smem:$0x3FB5];
	_ =	sdelay $0x3  }
0x33: {  	p0 =	seq.s32 s10, $0x1;
	s10 =	sld [smem:$0x3FB7];
	_ =	sdelay $0x3  }
0x34: {  	[smem:$0x3FB7] =	sst s10  }
0x35: {  	s10 =	sld [smem:$0x3FB6];
	_ =	sdelay $0x3  }
0x36: {  	p1 =	seq.s32 s10, $0x1;
	s10 =	sld [smem:$0x3FB7];
	_ =	sdelay $0x3  }
0x37: {  	[smem:$0x3FB7] =	sst s10  }
0x38: {  	s10 =	sld [smem:$0x3FB8]  }
0x39: {  	_ = 	snop;
	(pc) =	sbr.ind lr, $3  }
0x3a: {  	_ = 	snop  }
0x3b: {  	_ = 	snop  }
0x3c: {  	p2 =	seq.s32 s10, $0x1;
	s10 =	sld [smem:$0x3FB7]  }
0x3d: {  	_ =	shalt  }
0x3e: {  	_ =	shalt  }
0x3f: {  	_ =	shalt  }
0x40: {  	_ =	shalt  }
0x41: {  	_ =	shalt  }
0x42: {  	_ =	shalt  }
0x43: {  	_ =	shalt  }
0x44: {  	_ =	shalt  }
0x45: {  	_ =	shalt  }
0x46: {  	_ =	shalt  }
0x47: {  	_ =	shalt  }
0x48: {  	_ =	shalt  }
0x49: {  	_ =	shalt  }
0x4a: {  	_ =	shalt  }
0x4b: {  	_ =	shalt  }
0x4c: {  	_ =	shalt  }
0x4d: {  	_ =	shalt  }
0x4e: {  	_ =	shalt  }
0x4f: {  	_ =	shalt  }
0x50: {  	_ =	shalt  }
0x51: {  	_ =	shalt  }
0x52: {  	_ =	shalt  }
0x53: {  	_ =	shalt  }
0x54: {  	_ =	shalt  }
0x55: {  	_ =	shalt  }
0x56: {  	_ =	shalt  }
0x57: {  	_ =	shalt  }
0x58: {  	_ =	shalt  }
0x59: {  	_ =	shalt  }
0x5a: {  	_ =	shalt  }
0x5b: {  	_ =	shalt  }
0x5c: {  	_ =	shalt  }
0x5d: {  	_ =	shalt  }
0x5e: {  	_ =	shalt  }
0x5f: {  	_ =	shalt  }
0x60: {  	_ =	shalt  }
0x61: {  	_ =	shalt  }
0x62: {  	_ =	shalt  }
0x63: {  	_ =	shalt  }
0x64: {  	_ =	shalt  }
0x65: {  	_ =	shalt  }
0x66: {  	_ =	shalt  }
0x67: {  	_ =	shalt  }
0x68: {  	_ =	shalt  }
0x69: {  	_ =	shalt  }
0x6a: {  	_ =	shalt  }
0x6b: {  	_ =	shalt  }
0x6c: {  	_ =	shalt  }
0x6d: {  	_ =	shalt  }
0x6e: {  	_ =	shalt  }
0x6f: {  	_ =	shalt  }
0x70: {  	_ =	shalt  }
0x71: {  	_ =	shalt  }
0x72: {  	_ =	shalt  }
0x73: {  	_ =	shalt  }
0x74: {  	_ =	shalt  }
0x75: {  	_ =	shalt  }
0x76: {  	_ =	shalt  }
0x77: {  	_ =	shalt  }
0x78: {  	_ =	shalt  }
0x79: {  	_ =	shalt  }
0x7a: {  	_ =	shalt  }
0x7b: {  	_ =	shalt  }
0x7c: {  	_ =	shalt  }
0x7d: {  	_ =	shalt  }
0x7e: {  	_ =	shalt  }
0x7f: {  	_ =	shalt  }
0x80: {  	_ =	shalt  }
0x81: {  	_ =	shalt  }
0x82: {  	_ =	shalt  }
0x83: {  	_ =	shalt  }
0x84: {  	_ =	shalt  }
0x85: {  	_ =	shalt  }
0x86: {  	_ =	shalt  }
0x87: {  	_ =	shalt  }
.Lfunc_end0:
.L_simem_size_0:
called_computation.1_lowered:
.L_overlay_start_0:
0x88: {  	s2 =	sld [smem:$0x3FD9]  }
0x89: {  	s3 =	sld [smem:$0x3FFE];
	_ =	sdelay $0x1  }
0x8a: {  	s1 =	srdreg.scid  }
0x8b: {  	s0 =	sand.u32 $0x1, s1  }
0x8c: {  	s17 =	sshll.u32 s0, $0xA;
	s2 =	sadd.s32 s3, s2  }
0x8d: {  	s2 =	sadd.s32 s2, s17  }
0x8e: {  	[smem:$0x3FC3] =	sst s2  }
0x8f: {  	_ = 	snop  }
0x90: {  	s2 =	sld [smem:$0x3FC5];
	(tm) =	ssettm $0x1  }
0x91: {  	s18 =	sld [smem:$0x3FFB];
	_ =	sdelay $0x3  }
0x92: {  	_ =	strace s18  }
0x93: {  	s3 =	sld [smem:$0x3FFC];
	_ =	sdelay $0x3  }
0x94: {  	_ =	strace s3  }
0x95: {  	s3 =	sld [smem:$0x3FFD];
	_ =	sdelay $0x3  }
0x96: {  	_ =	strace s3  }
0x97: {  	_ =	strace $0x8FFFFFFF  }
0x98: {  	s19 =	sld [smem:$0x3FDB];
	_ =	sdelay $0x1  }
0x99: {  	s4 =	simm.s32 $_scs_section_size  }
0x9a: {  	s5 =	simm.s32 $_size__tile_overlayer_lowered;
	s6 =	simm.s32 $_tile_overlayer_lowered  }
0x9b: {  	s22 =	simm.s32 $0x1BFF;
	s21 =	sshll.u32 s6, $0x1;
	s3 =	sadd.s32 s4, s19  }
0x9c: {  	s7 =	simm.s32 $0x0;
	s20 =	sshll.u32 s5, $0x1;
	s5 =	sadd.s32 s21, s3  }
0x9d: {  	[timem:s7], [sflag:s22] =	dma.local [hbm:s5], s20  }
0x9e: {  	_ =	swait.ge [sflag:s22], s20  }
0x9f: {  	s4 =	ssub.s32 $0x0, s20;
	[sflag:s22] =	ssyncset.done $0x0  }
0xa0: {  	[sflag:s22] =	ssyncadd.s32 s4;
	_ =	sdelay $0x1  }
0xa1: {  	s23 =	simm.s32 $0x1B8B  }
0xa2: {  	_ =	swait.ge [sflag:s23], $0x1  }
0xa3: {  	[sflag:s23] =	ssyncset.done $0x0  }
0xa4: {  	s25 =	simm.s32 $0x1B8E;
	s24 =	sld [smem:$0x3FFE];
	[sflag:s23] =	ssyncadd.s32 $0xFFFFFFFF  }
0xa5: {  	s26 =	simm.s32 $execute0_lowered;
	[smem:$0x3FD2] =	sst s25  }
0xa6: {  	s5 =	sshll.u32 s26, $0x1;
	_ =	strace $0x80000049;
	[dreg:$0x1] =	wrdreg $0xFFFFFFFF  }
0xa7: {  	s28 =	simm.s32 $_size_execute0_lowered;
	s3 =	sadd.s32 s3, s5;
	[dreg:$0x0] =	wrdreg $0x0  }
0xa8: {  	s5 =	sshll.u32 s28, $0x1;
	[dreg:$0x2] =	wrdreg s3  }
0xa9: {  	[dreg:$0x3] =	wrdreg s5  }
0xaa: {  	[dreg:$0x4] =	wrdreg $0xC0  }
0xab: {  	_ =	task [dreg:s7], $0x5FFFF  }
0xac: {  	[dreg:$0x1] =	wrdreg $0xFFFFFFFF  }
0xad: {  	[dreg:$0x0] =	wrdreg $0x60  }
0xae: {  	[dreg:$0x2] =	wrdreg s24  }
0xaf: {  	[dreg:$0x3] =	wrdreg s2  }
0xb0: {  	[dreg:$0x4] =	wrdreg $0x9  }
0xb1: {  	_ =	task.clear_ibuf [dreg:s7], $0x5FFFF;
	_ =	strace $0x90000049  }
0xb2: {  	s29 =	simm.s32 $0x9;
	_ =	strace $0x8000004B  }
0xb3: {  	_ =	swait.ge [sflag:s29], $0x1  }
0xb4: {  	[sflag:s29] =	ssyncadd.s32 $0xFFFFFFFF  }
0xb5: {  	_ =	strace $0x9000004B  }
0xb6: {  	_ =	sfence  }
0xb7: {  	s30 =	sld [smem:$0x0];
	_ =	sdelay $0x2  }
0xb8: {  	s31 =	sshll.u32 s1, $0xD;
	s1 =	sshrl.u32 s1, $0x2  }
0xb9: {  	s3 =	sand.u32 $0x4000, s31;
	s1 =	sadd.s32 s1, s30  }
0xba: {  	s0 =	sor.u32 s3, s0;
	s1 =	sshll.u32 s1, $0x11  }
0xbb: {  	s0 =	sor.u32 s1, s0  }
0xbc: {  	s0 =	sadd.s32 $0x8F2B, s0  }
0xbd: {  	[sflag:s0] =	ssyncadd.remote.s32 $0x1  }
0xbe: {  	_ =	sfence.sel $0xFFFF  }
0xbf: {  	[dreg:$0x0] =	wrdreg $0xFFFFFFFF;
	(pc) =	sbr.abs _section_cstart, $3  }
0xc0: {  	[dreg:$0x1] =	wrdreg $0xFFFFFFFF  }
0xc1: {  	_ =	task.clear_ibuf [dreg:s7], $0x2FFFF;
	_ =	strace $0x9FFFFFFF  }
0xc2: {  	(tm) =	ssettm $0x7FFFFFFF  }
0xc3: {  	_ =	shalt  }
tec
execute0_lowered:
.L_overlay_start_1:
0x0: {  	(tag) =	ssettag $0x1  }
0x1: {  	s0 =	rddreg [dreg:$0x0];
	s1 =	srdreg.scid  }
0x2: {  	s2 =	stileid.u32;
	s3 =	simm.s32 $0x0;
	v0 =	vimm.s32 $0xFEDCBA98;
	v1 =	vimm.s32 $0x76543210;
	v2 =	vimm.s32 $0xBA98FEDC;
	s20 =	simm.s32 $0x2  }
0x3: {  	v3 =	vimm.s32 $0x32107654;
	v4 =	vimm.s32 $0xDCFE98BA;
	s21 =	simm.s32 $0x80;
	s24 =	simm.s32 $0x8C00;
	s28 =	simm.s32 $0xA400  }
0x4: {  	v5 =	vimm.s32 $0x54761032;
	s29 =	simm.s32 $0xAC00;
	s30 =	simm.s32 $0xB400;
	s31 =	simm.s32 $0xBC00  }
0x5: {  	v6 =	vimm.s32 $0xEFCDAB89;
	s9 =	simm.s32 $0xDC00;
	s7 =	simm.s32 $0xE400;
	s19 =	simm.s32 $0xEC00  }
0x6: {  	v7 =	vimm.s32 $0x67452301;
	s10 =	simm.s32 $0xF400;
	s11 =	simm.s32 $0xFC00;
	s12 =	simm.s32 $0x10C00  }
0x7: {  	s13 =	simm.s32 $0x1;
	s14 =	simm.s32 $0x10400;
	s15 =	simm.s32 $0x0;
	v0 =	vunpack.c.l.s4.s8 v0;
	v1 =	vunpack.c.l.s4.s8 v1;
	v2 =	vunpack.c.l.s4.s8 v2  }
0x8: {  	s23 =	simm.s32 $0x0;
	s1 =	sand.u32 $0x1, s1;
	s2 =	sshll.u32 s2, $0x1;
	v3 =	vunpack.c.l.s4.s8 v3;
	v4 =	vunpack.c.l.s4.s8 v4;
	v5 =	vunpack.c.l.s4.s8 v5  }
0x9: {  	[smem:$0x7FF] =	sst s3;
	s4 =	sadd.s32 $0x50F800, s0;
	v6 =	vunpack.c.l.s4.s8 v6;
	v7 =	vunpack.c.l.s4.s8 v7;
	s2 =	sor.u32 s1, s2;
	v0 =	vunpack.c.0.s8.s32 v0  }
0xa: {  	s5 =	sadd.s32 $0x507800, s0;
	s1 =	ssub.s32 $0x2, s1;
	s25 =	smul.u32 $0x680, s2;
	v2 =	vunpack.c.0.s8.s32 v2;
	v3 =	vunpack.c.0.s8.s32 v3;
	v4 =	vunpack.c.0.s8.s32 v4  }
0xb: {  	s6 =	sadd.s32 $0xD800, s0;
	_ =	strace $0x8000004A;
	s26 =	sshrl.u32 s1, $0x1;
	v5 =	vunpack.c.0.s8.s32 v5;
	v6 =	vunpack.c.0.s8.s32 v6;
	v7 =	vunpack.c.0.s8.s32 v7  }
0xc: {  	s8 =	sshll.u32 s2, $0xA;
	v1 =	vunpack.c.0.s8.s32 v1;
	s2 =	simm.s32 $0xD400;
	s3 =	sadd.s32 s25, s0;
	v2 =	vcombine.low v3, v2  }
0xd: {  	s0 =	ssub.s32 s1, s26;
	s25 =	simm.s32 $0x9400;
	v3 =	vcombine.low v5, v4;
	v4 =	vcombine.low v7, v6;
	v0 =	vand.u32 $0xF, v0;
	s3 =	sadd.s32 $0x800, s3  }
0xe: {  	s26 =	simm.s32 $0x9C00;
	s0 =	smax.u32 s0, $0x1;
	v0 =	vcombine.low v0, v1;
	[dreg:$0x3] =	wrdreg s3  }
0xf: {  	s1 =	simm.s32 $0xC400;
	[dreg:$0x4] =	wrdreg s0;
	s0 =	simm.s32 $0xCC00;
	v1 =	vand.u32 $0xF, v2;
	v2 =	vand.u32 $0xF, v3;
	v3 =	vand.u32 $0xF, v4  }
.LBB2_1:
0x10: {  	[dreg:$0x5] =	wrdreg s15  }
0x11: {  	s3 =	rddreg [dreg:$0x1];
	s18 =	simm.s32 $0x0;
	s16 =	simm.s32 $0x11400  }
0x12: {  	[tilespmem:s16], [sflag:$0x2] =	stream.linear.gather [hbm4b:s3+s18], $0x10, $0x38;
	[tilespmem:$0x11410] =	vst v63  }
0x13: {  	_ =	swait.ge [sflag:s20], $0x10  }
0x14: {  	[sflag:s20] =	ssyncset.done $0x0  }
0x15: {  	s22 =	rddreg [dreg:$0x3];
	[sflag:s20] =	ssyncadd.s32 $0xFFFFFFF0  }
0x16: {  	[tilespmem:s18], [sflag:$0x2] =	stream.linear.gather [hbm4b:s22+s18], $0x3400, $0x38;
	[tilespmem:$0x11410] =	vst v63  }
0x17: {  	_ =	swait.ge [sflag:s20], $0x3400  }
0x18: {  	[sflag:s20] =	ssyncset.done $0x0  }
0x19: {  	s15 =	simm.s32 $0x0;
	[sflag:s20] =	ssyncadd.s32 $0xFFFFCC00  }
.LBB2_2:
0x1a: {  	s3 =	smul.u32 $0x3400, s15;
	_ =	sdelay $0x1  }
0x1b: {  	s16 =	simm.s32 $0x3400;
	s3 =	sshra.s32 s3, $0x2  }
0x1c: {  	[tilespmem:s16], [sflag:$0x1] =	stream.indirect.gather [hbm4b:s4+s21], $0x10, s3, s21, $0xb8;
	[tilespmem:$0x11410] =	vst v63  }
0x1d: {  	s17 =	simm.s32 $0x3C00;
	s22 =	sor.u32 $0x80, s3  }
0x1e: {  	[tilespmem:s17], [sflag:$0x1] =	stream.indirect.gather [hbm4b:s4+s21], $0x10, s22, s21, $0xb8;
	[tilespmem:$0x11410] =	vst v63  }
0x1f: {  	s18 =	sadd.s32 $0x100, s3;
	s22 =	simm.s32 $0x4400  }
0x20: {  	[tilespmem:s22], [sflag:$0x1] =	stream.indirect.gather [hbm4b:s4+s21], $0x10, s18, s21, $0xb8;
	[tilespmem:$0x11410] =	vst v63  }
0x21: {  	s18 =	sadd.s32 $0x180, s3;
	s22 =	simm.s32 $0x4C00  }
0x22: {  	[tilespmem:s22], [sflag:$0x1] =	stream.indirect.gather [hbm4b:s4+s21], $0x10, s18, s21, $0xb8;
	[tilespmem:$0x11410] =	vst v63  }
0x23: {  	s18 =	sadd.s32 $0x200, s3;
	s22 =	simm.s32 $0x5400  }
0x24: {  	[tilespmem:s22], [sflag:$0x1] =	stream.indirect.gather [hbm4b:s4+s21], $0x10, s18, s21, $0xb8;
	[tilespmem:$0x11410] =	vst v63  }
0x25: {  	s18 =	sadd.s32 $0x280, s3;
	s22 =	simm.s32 $0x5C00  }
0x26: {  	[tilespmem:s22], [sflag:$0x1] =	stream.indirect.gather [hbm4b:s4+s21], $0x10, s18, s21, $0xb8;
	[tilespmem:$0x11410] =	vst v63  }
0x27: {  	s18 =	sadd.s32 $0x300, s3;
	s22 =	simm.s32 $0x6400  }
0x28: {  	[tilespmem:s22], [sflag:$0x1] =	stream.indirect.gather [hbm4b:s4+s21], $0x10, s18, s21, $0xb8;
	[tilespmem:$0x11410] =	vst v63  }
0x29: {  	s18 =	sadd.s32 $0x380, s3;
	s22 =	simm.s32 $0x6C00  }
0x2a: {  	[tilespmem:s22], [sflag:$0x1] =	stream.indirect.gather [hbm4b:s4+s21], $0x10, s18, s21, $0xb8;
	[tilespmem:$0x11410] =	vst v63  }
0x2b: {  	s18 =	sadd.s32 $0x400, s3;
	s22 =	simm.s32 $0x7400  }
0x2c: {  	[tilespmem:s22], [sflag:$0x1] =	stream.indirect.gather [hbm4b:s4+s21], $0x10, s18, s21, $0xb8;
	[tilespmem:$0x11410] =	vst v63  }
0x2d: {  	s18 =	sadd.s32 $0x480, s3;
	s22 =	simm.s32 $0x7C00  }
0x2e: {  	[tilespmem:s22], [sflag:$0x1] =	stream.indirect.gather [hbm4b:s4+s21], $0x10, s18, s21, $0xb8;
	[tilespmem:$0x11410] =	vst v63  }
0x2f: {  	s18 =	sadd.s32 $0x500, s3;
	s22 =	simm.s32 $0x8400  }
0x30: {  	[tilespmem:s22], [sflag:$0x1] =	stream.indirect.gather [hbm4b:s4+s21], $0x10, s18, s21, $0xb8;
	[tilespmem:$0x11410] =	vst v63  }
0x31: {  	s17 =	sadd.s32 $0x580, s3  }
0x32: {  	[tilespmem:s24], [sflag:$0x1] =	stream.indirect.gather [hbm4b:s4+s21], $0x10, s17, s21, $0xb8;
	[tilespmem:$0x11410] =	vst v63  }
0x33: {  	s18 =	sadd.s32 $0x600, s3  }
0x34: {  	[tilespmem:s25], [sflag:$0x1] =	stream.indirect.gather [hbm4b:s4+s21], $0x10, s18, s21, $0xb8;
	[tilespmem:$0x11410] =	vst v63  }
0x35: {  	s22 =	sadd.s32 $0x680, s3  }
0x36: {  	[tilespmem:s26], [sflag:$0x1] =	stream.indirect.gather [hbm4b:s4+s21], $0x10, s22, s21, $0xb8;
	[tilespmem:$0x11410] =	vst v63  }
0x37: {  	s17 =	sadd.s32 $0x700, s3  }
0x38: {  	[tilespmem:s28], [sflag:$0x1] =	stream.indirect.gather [hbm4b:s4+s21], $0x10, s17, s21, $0xb8;
	[tilespmem:$0x11410] =	vst v63  }
0x39: {  	s18 =	sadd.s32 $0x780, s3  }
0x3a: {  	[tilespmem:s29], [sflag:$0x1] =	stream.indirect.gather [hbm4b:s4+s21], $0x10, s18, s21, $0xb8;
	[tilespmem:$0x11410] =	vst v63  }
0x3b: {  	s22 =	sadd.s32 $0x800, s3  }
0x3c: {  	[tilespmem:s30], [sflag:$0x1] =	stream.indirect.gather [hbm4b:s4+s21], $0x10, s22, s21, $0xb8;
	[tilespmem:$0x11410] =	vst v63  }
0x3d: {  	s17 =	sadd.s32 $0x880, s3  }
0x3e: {  	[tilespmem:s31], [sflag:$0x1] =	stream.indirect.gather [hbm4b:s4+s21], $0x10, s17, s21, $0xb8;
	[tilespmem:$0x11410] =	vst v63  }
0x3f: {  	s18 =	sadd.s32 $0x900, s3  }
0x40: {  	[tilespmem:s1], [sflag:$0x1] =	stream.indirect.gather [hbm4b:s4+s21], $0x10, s18, s21, $0xb8;
	[tilespmem:$0x11410] =	vst v63  }
0x41: {  	s22 =	sadd.s32 $0x980, s3  }
0x42: {  	[tilespmem:s0], [sflag:$0x1] =	stream.indirect.gather [hbm4b:s4+s21], $0x10, s22, s21, $0xb8;
	[tilespmem:$0x11410] =	vst v63  }
0x43: {  	s17 =	sadd.s32 $0xA00, s3  }
0x44: {  	[tilespmem:s2], [sflag:$0x1] =	stream.indirect.gather [hbm4b:s4+s21], $0x10, s17, s21, $0xb8;
	[tilespmem:$0x11410] =	vst v63  }
0x45: {  	s18 =	sadd.s32 $0xA80, s3  }
0x46: {  	[tilespmem:s9], [sflag:$0x1] =	stream.indirect.gather [hbm4b:s4+s21], $0x10, s18, s21, $0xb8;
	[tilespmem:$0x11410] =	vst v63  }
0x47: {  	s22 =	sadd.s32 $0xB00, s3  }
0x48: {  	[tilespmem:s7], [sflag:$0x1] =	stream.indirect.gather [hbm4b:s4+s21], $0x10, s22, s21, $0xb8;
	[tilespmem:$0x11410] =	vst v63  }
0x49: {  	s17 =	sadd.s32 $0xB80, s3  }
0x4a: {  	[tilespmem:s19], [sflag:$0x1] =	stream.indirect.gather [hbm4b:s4+s21], $0x10, s17, s21, $0xb8;
	[tilespmem:$0x11410] =	vst v63  }
0x4b: {  	s18 =	sadd.s32 $0xC00, s3;
	s22 =	sshll.u32 s15, $0x8  }
0x4c: {  	[tilespmem:s10], [sflag:$0x1] =	stream.indirect.gather [hbm4b:s4+s21], $0x10, s18, s21, $0xb8;
	[tilespmem:$0x11410] =	vst v63  }
0x4d: {  	s3 =	sadd.s32 $0xC80, s3;
	s16 =	sadd.s32 s8, s22  }
0x4e: {  	[tilespmem:s11], [sflag:$0x1] =	stream.indirect.gather [hbm4b:s4+s21], $0x10, s3, s21, $0xb8;
	[tilespmem:$0x11410] =	vst v63  }
0x4f: {  	s17 =	simm.s32 $0x0;
	s3 =	sadd.s32 s5, s16  }
0x50: {  	[tilespmem:s12], [sflag:$0x2] =	stream.linear.gather [hbm4b:s3+s17], $0x800, $0x38;
	[tilespmem:$0x11410] =	vst v63  }
0x51: {  	_ =	swait.ge [sflag:s20], $0x800  }
0x52: {  	[sflag:s20] =	ssyncset.done $0x0  }
0x53: {  	[sflag:s20] =	ssyncadd.s32 $0xFFFFF800  }
0x54: {  	_ =	swait.ge [sflag:s13], $0x800  }
0x55: {  	[sflag:s13] =	ssyncset.done $0x0  }
0x56: {  	[sflag:s13] =	ssyncadd.s32 $0xFFFFF800  }
0x57: {  	_ =	swait.ge [sflag:s13], $0x800  }
0x58: {  	[sflag:s13] =	ssyncset.done $0x0  }
0x59: {  	[sflag:s13] =	ssyncadd.s32 $0xFFFFF800  }
0x5a: {  	_ =	swait.ge [sflag:s13], $0x800  }
0x5b: {  	[sflag:s13] =	ssyncset.done $0x0  }
0x5c: {  	[sflag:s13] =	ssyncadd.s32 $0xFFFFF800  }
0x5d: {  	_ =	swait.ge [sflag:s13], $0x800  }
0x5e: {  	[sflag:s13] =	ssyncset.done $0x0  }
0x5f: {  	[sflag:s13] =	ssyncadd.s32 $0xFFFFF800  }
0x60: {  	_ =	swait.ge [sflag:s13], $0x800  }
0x61: {  	[sflag:s13] =	ssyncset.done $0x0  }
0x62: {  	[sflag:s13] =	ssyncadd.s32 $0xFFFFF800  }
0x63: {  	_ =	swait.ge [sflag:s13], $0x800  }
0x64: {  	[sflag:s13] =	ssyncset.done $0x0  }
0x65: {  	[sflag:s13] =	ssyncadd.s32 $0xFFFFF800  }
0x66: {  	_ =	swait.ge [sflag:s13], $0x800  }
0x67: {  	[sflag:s13] =	ssyncset.done $0x0  }
0x68: {  	[sflag:s13] =	ssyncadd.s32 $0xFFFFF800  }
0x69: {  	_ =	swait.ge [sflag:s13], $0x800  }
0x6a: {  	[sflag:s13] =	ssyncset.done $0x0  }
0x6b: {  	[sflag:s13] =	ssyncadd.s32 $0xFFFFF800  }
0x6c: {  	_ =	swait.ge [sflag:s13], $0x800  }
0x6d: {  	[sflag:s13] =	ssyncset.done $0x0  }
0x6e: {  	[sflag:s13] =	ssyncadd.s32 $0xFFFFF800  }
0x6f: {  	_ =	swait.ge [sflag:s13], $0x800  }
0x70: {  	[sflag:s13] =	ssyncset.done $0x0  }
0x71: {  	[sflag:s13] =	ssyncadd.s32 $0xFFFFF800  }
0x72: {  	_ =	swait.ge [sflag:s13], $0x800  }
0x73: {  	[sflag:s13] =	ssyncset.done $0x0  }
0x74: {  	[sflag:s13] =	ssyncadd.s32 $0xFFFFF800  }
0x75: {  	_ =	swait.ge [sflag:s13], $0x800  }
0x76: {  	[sflag:s13] =	ssyncset.done $0x0  }
0x77: {  	[sflag:s13] =	ssyncadd.s32 $0xFFFFF800  }
0x78: {  	_ =	swait.ge [sflag:s13], $0x800  }
0x79: {  	[sflag:s13] =	ssyncset.done $0x0  }
0x7a: {  	[sflag:s13] =	ssyncadd.s32 $0xFFFFF800  }
0x7b: {  	_ =	swait.ge [sflag:s13], $0x800  }
0x7c: {  	[sflag:s13] =	ssyncset.done $0x0  }
0x7d: {  	[sflag:s13] =	ssyncadd.s32 $0xFFFFF800  }
0x7e: {  	_ =	swait.ge [sflag:s13], $0x800  }
0x7f: {  	[sflag:s13] =	ssyncset.done $0x0  }
0x80: {  	[sflag:s13] =	ssyncadd.s32 $0xFFFFF800  }
0x81: {  	_ =	swait.ge [sflag:s13], $0x800  }
0x82: {  	[sflag:s13] =	ssyncset.done $0x0  }
0x83: {  	[sflag:s13] =	ssyncadd.s32 $0xFFFFF800  }
0x84: {  	_ =	swait.ge [sflag:s13], $0x800  }
0x85: {  	[sflag:s13] =	ssyncset.done $0x0  }
0x86: {  	[sflag:s13] =	ssyncadd.s32 $0xFFFFF800  }
0x87: {  	_ =	swait.ge [sflag:s13], $0x800  }
0x88: {  	[sflag:s13] =	ssyncset.done $0x0  }
0x89: {  	[sflag:s13] =	ssyncadd.s32 $0xFFFFF800  }
0x8a: {  	_ =	swait.ge [sflag:s13], $0x800  }
0x8b: {  	[sflag:s13] =	ssyncset.done $0x0  }
0x8c: {  	[sflag:s13] =	ssyncadd.s32 $0xFFFFF800  }
0x8d: {  	_ =	swait.ge [sflag:s13], $0x800  }
0x8e: {  	[sflag:s13] =	ssyncset.done $0x0  }
0x8f: {  	[sflag:s13] =	ssyncadd.s32 $0xFFFFF800  }
0x90: {  	_ =	swait.ge [sflag:s13], $0x800  }
0x91: {  	[sflag:s13] =	ssyncset.done $0x0  }
0x92: {  	[sflag:s13] =	ssyncadd.s32 $0xFFFFF800  }
0x93: {  	_ =	swait.ge [sflag:s13], $0x800  }
0x94: {  	[sflag:s13] =	ssyncset.done $0x0  }
0x95: {  	[sflag:s13] =	ssyncadd.s32 $0xFFFFF800  }
0x96: {  	_ =	swait.ge [sflag:s13], $0x800  }
0x97: {  	[sflag:s13] =	ssyncset.done $0x0  }
0x98: {  	[sflag:s13] =	ssyncadd.s32 $0xFFFFF800  }
0x99: {  	_ =	swait.ge [sflag:s13], $0x800  }
0x9a: {  	[sflag:s13] =	ssyncset.done $0x0  }
0x9b: {  	[sflag:s13] =	ssyncadd.s32 $0xFFFFF800  }
0x9c: {  	_ =	swait.ge [sflag:s13], $0x800  }
0x9d: {  	[sflag:s13] =	ssyncset.done $0x0  }
0x9e: {  	[sflag:s13] =	ssyncadd.s32 $0xFFFFF800  }
0x9f: {  	_ =	swait.ge [sflag:s13], $0x800  }
0xa0: {  	[sflag:s13] =	ssyncset.done $0x0  }
0xa1: {  	s18 =	simm.s32 $0x34D0;
	[sflag:s13] =	ssyncadd.s32 $0xFFFFF800  }
0xa2: {  	v4 =	vld [tilespmem:s18+$0xFFFFFF30]  }
0xa3: {  	s3 =	simm.s32 $0x40;
	v5 =	vld [tilespmem:$0x11400]  }
.LBB2_3:
0xa4: {  	p0 =	sne.s32 s3, $0x1FC0  }
0xa5: {  	v6 =	vld [tilespmem:s18+$0xFFFFFF40];
	_ =	sdelay $0x1  }
0xa6: {  	v7 =	vld [tilespmem:s18+$0xFFFFFF50]  }
0xa7: {  	v4 =	vadd.f32 v4, v5  }
0xa8: {  	v5 =	vld [tilespmem:s18+$0xFFFFFF60]  }
0xa9: {  	v4 =	vadd.f32 v6, v4  }
0xaa: {  	v6 =	vld [tilespmem:s18+$0xFFFFFF70]  }
0xab: {  	v4 =	vadd.f32 v7, v4  }
0xac: {  	v7 =	vld [tilespmem:s18+$0xFFFFFF80]  }
0xad: {  	v4 =	vadd.f32 v5, v4  }
0xae: {  	v5 =	vld [tilespmem:s18+$0xFFFFFF90]  }
0xaf: {  	v4 =	vadd.f32 v6, v4  }
0xb0: {  	v6 =	vld [tilespmem:s18+$0xFFFFFFA0]  }
0xb1: {  	v4 =	vadd.f32 v7, v4  }
0xb2: {  	v7 =	vld [tilespmem:s18+$0xFFFFFFB0]  }
0xb3: {  	v4 =	vadd.f32 v5, v4  }
0xb4: {  	v5 =	vld [tilespmem:s18+$0xFFFFFFC0]  }
0xb5: {  	v4 =	vadd.f32 v6, v4  }
0xb6: {  	v6 =	vld [tilespmem:s18+$0xFFFFFFD0]  }
0xb7: {  	v4 =	vadd.f32 v7, v4  }
0xb8: {  	v7 =	vld [tilespmem:s18+$0xFFFFFFE0]  }
0xb9: {  	v4 =	vadd.f32 v5, v4  }
0xba: {  	v5 =	vld [tilespmem:s18+$0xFFFFFFF0]  }
0xbb: {  	v4 =	vadd.f32 v6, v4  }
0xbc: {  	v6 =	vld [tilespmem:s18+$0x0]  }
0xbd: {  	v4 =	vadd.f32 v7, v4  }
0xbe: {  	v7 =	vld [tilespmem:s18+$0x10]  }
0xbf: {  	v4 =	vadd.f32 v5, v4  }
0xc0: {  	v5 =	vld [tilespmem:s18+$0x20]  }
0xc1: {  	v4 =	vadd.f32 v6, v4  }
0xc2: {  	v6 =	vld [tilespmem:s18+$0x30]  }
0xc3: {  	v4 =	vadd.f32 v7, v4  }
0xc4: {  	v7 =	vld [tilespmem:s18+$0x40]  }
0xc5: {  	v4 =	vadd.f32 v5, v4  }
0xc6: {  	v5 =	vld [tilespmem:s18+$0x50]  }
0xc7: {  	v4 =	vadd.f32 v6, v4  }
0xc8: {  	v6 =	vld [tilespmem:s18+$0x60]  }
0xc9: {  	v4 =	vadd.f32 v7, v4  }
0xca: {  	v7 =	vld [tilespmem:s18+$0x70]  }
0xcb: {  	v4 =	vadd.f32 v5, v4  }
0xcc: {  	v5 =	vld [tilespmem:s18+$0x80]  }
0xcd: {  	v4 =	vadd.f32 v6, v4  }
0xce: {  	v6 =	vld [tilespmem:s18+$0x90]  }
0xcf: {  	v4 =	vadd.f32 v7, v4  }
0xd0: {  	v7 =	vld [tilespmem:s18+$0xA0]  }
0xd1: {  	v4 =	vadd.f32 v5, v4  }
0xd2: {  	v5 =	vld [tilespmem:s18+$0xB0]  }
0xd3: {  	v4 =	vadd.f32 v6, v4  }
0xd4: {  	v6 =	vld [tilespmem:s18+$0xC0]  }
0xd5: {  	v4 =	vadd.f32 v7, v4;
	_ =	sdelay $0x1  }
0xd6: {  	v4 =	vadd.f32 v5, v4;
	_ =	sdelay $0x1  }
0xd7: {  	s22 =	sshra.s32 s17, $0x2;
	s17 =	smov.u32 s3;
	v4 =	vadd.f32 v6, v4  }
0xd8: {  	v5 =	vld [tilespmem:s22+$0x10C00]  }
0xd9: {  	v4 =	vmul.f32 $1.442695020e+00, v4;
	_ =	sdelay $0x1  }
0xda: {  	(erf) = vpow2.f32 v4;
	_ =	sdelay $0x1  }
0xdb: {  	v4 =	vmul.f32 $1.442695020e+00, v5;
	_ =	sdelay $0x1  }
0xdc: {  	(erf) = vpow2.f32 v4;
	_ =	sdelay $0x4  }
0xdd: {  	v4 =	vpop (erf)  }
0xde: {  	v5 =	vadd.f32 $1.000000000e+00, v4;
	_ =	sdelay $0x1  }
0xdf: {  	(erf) = vrcp.f32 v5  }
0xe0: {  	v4 =	vpop (erf)  }
0xe1: {  	v5 =	vperm.xlane v4, v0;
	_ =	sdelay $0x1  }
0xe2: {  	v5 =	vadd.f32 v5, v4;
	_ =	sdelay $0x1  }
0xe3: {  	v7 =	vperm.xlane v5, v1;
	_ =	sdelay $0x1  }
0xe4: {  	v5 =	vadd.f32 v7, v5  }
0xe5: {  	v6 =	vpop (erf)  }
0xe6: {  	v4 =	vmul.f32 v6, v4;
	v6 =	vperm.xlane v5, v2;
	_ =	sdelay $0x1  }
0xe7: {  	v7 =	vperm.xlane v4, v0;
	v5 =	vadd.f32 v6, v5;
	_ =	sdelay $0x1  }
0xe8: {  	v4 =	vadd.f32 v4, v7;
	v6 =	vperm.xlane v5, v3;
	_ =	sdelay $0x1  }
0xe9: {  	v7 =	vperm.xlane v4, v1;
	v5 =	vadd.f32 v6, v5;
	_ =	sdelay $0x1  }
0xea: {  	v4 =	vadd.f32 v4, v7;
	(erf) = vrcp.f32 v5;
	_ =	sdelay $0x1  }
0xeb: {  	v5 =	vperm.xlane v4, v2;
	_ =	sdelay $0x1  }
0xec: {  	v4 =	vadd.f32 v4, v5;
	_ =	sdelay $0x1  }
0xed: {  	v6 =	vperm.xlane v4, v3;
	_ =	sdelay $0x1  }
0xee: {  	v4 =	vadd.f32 v4, v6  }
0xef: {  	v5 =	vpop (erf)  }
.Ltmp0:
0xf0: {  	v4 =	vmul.f32 v5, v4;
	(pc) =	sbr.rel @p0 .LBB2_3-.Ltmp0, $4  }
0xf1: {  	_ = 	snop  }
0xf2: {  	s18 =	sadd.s32 $0x1A0, s18;
	[tilespmem:s22+$0x10400] =	vst v4  }
0xf3: {  	v4 =	vld [tilespmem:s18+$0xFFFFFF30]  }
0xf4: {  	s3 =	sadd.s32 $0x40, s3;
	v5 =	vld [tilespmem:$0x11400]  }
0xf5: {  	_ = 	snop  }
0xf6: {  	v6 =	vld [tilespmem:s18+$0xFFFFFF40];
	_ =	sdelay $0x1  }
0xf7: {  	v7 =	vld [tilespmem:s18+$0xFFFFFF50]  }
0xf8: {  	v4 =	vadd.f32 v4, v5  }
0xf9: {  	v5 =	vld [tilespmem:s18+$0xFFFFFF60]  }
0xfa: {  	v4 =	vadd.f32 v6, v4  }
0xfb: {  	v45 =	vld [tilespmem:s18+$0xFFFFFF70]  }
0xfc: {  	v4 =	vadd.f32 v7, v4  }
0xfd: {  	v46 =	vld [tilespmem:s18+$0xFFFFFF80]  }
0xfe: {  	v4 =	vadd.f32 v5, v4  }
0xff: {  	v5 =	vld [tilespmem:s18+$0xFFFFFF90]  }
0x100: {  	v4 =	vadd.f32 v45, v4  }
0x101: {  	v47 =	vld [tilespmem:s18+$0xFFFFFFA0]  }
0x102: {  	v4 =	vadd.f32 v46, v4  }
0x103: {  	v48 =	vld [tilespmem:s18+$0xFFFFFFB0]  }
0x104: {  	v4 =	vadd.f32 v5, v4  }
0x105: {  	v5 =	vld [tilespmem:s18+$0xFFFFFFC0]  }
0x106: {  	v4 =	vadd.f32 v47, v4  }
0x107: {  	v49 =	vld [tilespmem:s18+$0xFFFFFFD0]  }
0x108: {  	v4 =	vadd.f32 v48, v4  }
0x109: {  	v50 =	vld [tilespmem:s18+$0xFFFFFFE0]  }
0x10a: {  	v4 =	vadd.f32 v5, v4  }
0x10b: {  	v5 =	vld [tilespmem:s18+$0xFFFFFFF0]  }
0x10c: {  	v4 =	vadd.f32 v49, v4  }
0x10d: {  	v51 =	vld [tilespmem:s18+$0x0]  }
0x10e: {  	v4 =	vadd.f32 v50, v4  }
0x10f: {  	v52 =	vld [tilespmem:s18+$0x10]  }
0x110: {  	v4 =	vadd.f32 v5, v4  }
0x111: {  	v5 =	vld [tilespmem:s18+$0x20]  }
0x112: {  	v4 =	vadd.f32 v51, v4  }
0x113: {  	v53 =	vld [tilespmem:s18+$0x30]  }
0x114: {  	v4 =	vadd.f32 v52, v4  }
0x115: {  	v54 =	vld [tilespmem:s18+$0x40]  }
0x116: {  	v4 =	vadd.f32 v5, v4  }
0x117: {  	v5 =	vld [tilespmem:s18+$0x50]  }
0x118: {  	v4 =	vadd.f32 v53, v4  }
0x119: {  	v55 =	vld [tilespmem:s18+$0x60]  }
0x11a: {  	v4 =	vadd.f32 v54, v4  }
0x11b: {  	v56 =	vld [tilespmem:s18+$0x70]  }
0x11c: {  	v4 =	vadd.f32 v5, v4  }
0x11d: {  	v5 =	vld [tilespmem:s18+$0x80]  }
0x11e: {  	v4 =	vadd.f32 v55, v4  }
0x11f: {  	v57 =	vld [tilespmem:s18+$0x90]  }
0x120: {  	v4 =	vadd.f32 v56, v4  }
0x121: {  	v58 =	vld [tilespmem:s18+$0xA0]  }
0x122: {  	v4 =	vadd.f32 v5, v4  }
0x123: {  	v5 =	vld [tilespmem:s18+$0xB0]  }
0x124: {  	v4 =	vadd.f32 v57, v4  }
0x125: {  	v59 =	vld [tilespmem:s18+$0xC0]  }
0x126: {  	v4 =	vadd.f32 v58, v4;
	_ =	sdelay $0x1  }
0x127: {  	v4 =	vadd.f32 v5, v4;
	_ =	sdelay $0x1  }
0x128: {  	v4 =	vadd.f32 v59, v4  }
0x129: {  	s3 =	sshra.s32 s17, $0x2  }
0x12a: {  	v5 =	vld [tilespmem:s3+$0x10C00];
	v4 =	vmul.f32 $1.442695020e+00, v4;
	_ =	sdelay $0x1  }
0x12b: {  	(erf) = vpow2.f32 v4;
	_ =	sdelay $0x2  }
0x12c: {  	v4 =	vmul.f32 $1.442695020e+00, v5;
	_ =	sdelay $0x1  }
0x12d: {  	(erf) = vpow2.f32 v4;
	_ =	sdelay $0x3  }
0x12e: {  	v4 =	vpop (erf)  }
0x12f: {  	v4 =	vadd.f32 $1.000000000e+00, v4;
	_ =	sdelay $0x1  }
0x130: {  	(erf) = vrcp.f32 v4;
	_ =	sdelay $0x1  }
0x131: {  	v4 =	vpop (erf)  }
0x132: {  	v5 =	vperm.xlane v4, v0;
	_ =	sdelay $0x1  }
0x133: {  	v5 =	vadd.f32 v5, v4;
	_ =	sdelay $0x1  }
0x134: {  	v60 =	vperm.xlane v5, v1;
	_ =	sdelay $0x1  }
0x135: {  	v5 =	vadd.f32 v60, v5;
	v61 =	vpop (erf)  }
0x136: {  	v4 =	vmul.f32 v61, v4  }
0x137: {  	v62 =	vperm.xlane v5, v2  }
0x138: {  	v63 =	vperm.xlane v4, v0  }
0x139: {  	v5 =	vadd.f32 v62, v5  }
0x13a: {  	v4 =	vadd.f32 v4, v63  }
0x13b: {  	v6 =	vperm.xlane v5, v3  }
0x13c: {  	v7 =	vperm.xlane v4, v1  }
0x13d: {  	v5 =	vadd.f32 v6, v5  }
0x13e: {  	v4 =	vadd.f32 v4, v7  }
0x13f: {  	(erf) = vrcp.f32 v5  }
0x140: {  	v5 =	vperm.xlane v4, v2;
	_ =	sdelay $0x1  }
0x141: {  	v4 =	vadd.f32 v4, v5;
	_ =	sdelay $0x1  }
0x142: {  	v5 =	vperm.xlane v4, v3;
	_ =	sdelay $0x2  }
0x143: {  	v4 =	vadd.f32 v4, v5  }
0x144: {  	v5 =	vpop (erf)  }
0x145: {  	s15 =	sadd.s32 $0x1, s15;
	v4 =	vmul.f32 v5, v4  }
0x146: {  	p0 =	sne.s32 s15, $0x4  }
.Ltmp1:
0x147: {  	s22 =	sadd.s32 s6, s16;
	[tilespmem:s3+$0x10400] =	vst v4;
	(pc) =	sbr.rel @p0 .LBB2_2-.Ltmp1, $4  }
0x148: {  	[hbm4b:s22+s23] =	stream.linear.scatter [tilespmem:s14], [sflag:$0x2], $0x800, $0x38;
	[tilespmem:$0x11410] =	vst v63  }
0x149: {  	_ =	swait.ge [sflag:s20], $0x800  }
0x14a: {  	[sflag:s20] =	ssyncset.done $0x0  }
0x14b: {  	[sflag:s20] =	ssyncadd.s32 $0xFFFFF800  }
0x14c: {  	s15 =	rddreg [dreg:$0x5]  }
0x14d: {  	s3 =	rddreg [dreg:$0x4];
	s15 =	sadd.s32 $0x1, s15  }
0x14e: {  	p0 =	sne.s32 s15, s3  }
.Ltmp2:
0x14f: {  	_ = 	snop;
	(pc) =	sbr.rel @p0 .LBB2_1-.Ltmp2, $1  }
0x150: {  	_ =	sdelay $0x3  }
0x151: {  	_ =	sfence.sel $0x180000  }
0x152: {  	[bflag:$0x0] =	sbarrier.arrive $0xFFFF  }
0x153: {  	_ =	strace $0x9000004A  }
0x154: {  	s0 =	stileid.u32;
	[bflag:$0x2] =	sbarrier.arrive $0xFFFF  }
0x155: {  	p0 =	sne.s32 s0, $0x0;
	s0 =	rddreg [dreg:$0x2]  }
0x156: {  	s0 =	sadd.s32 @!p0 $0x100000, s0  }
0x157: {  	[sflag:s0] =	ssyncadd.tile.s32 @!p0 $0x1;
	_ =	shalt  }
.Lfunc_end2:
_tile_overlayer_lowered:
.L_overlay_start_2:
0x158: {  	(tag) =	ssettag $0x2  }
0x159: {  	s0 =	rddreg [dreg:$0x0];
	s2 =	stileid.u32  }
0x15a: {  	s1 =	rddreg [dreg:$0x1];
	p0 =	sne.s32 s2, $0x0  }
0x15b: {  	s3 =	rddreg [dreg:$0x2];
	[bflag:$0x3] =	sbarrier.arrive $0xFFFF;
	s2 =	simm.s32 @!p0 $0x1C02  }
0x15c: {  	[timem:s3], [sflag:s2] =	dma.local @!p0 [hbm:s0], s1  }
0x15d: {  	s0 =	simm.s32 @!p0 $0x2  }
0x15e: {  	_ =	swait.ge @!p0 [sflag:s0], s1  }
0x15f: {  	s1 =	ssub.s32 @!p0 $0x0, s1;
	[sflag:s0] =	ssyncset.done @!p0 $0x0  }
0x160: {  	[sflag:s0] =	ssyncadd.s32 @!p0 s1  }
0x161: {  	[bflag:$0x3] =	sbarrier.arrive $0xFFFF  }
0x162: {  	_ =	shalt  }

</sc_bundles>
